<compile_context>
chip_gen: v7x
topology: tpu7x:2x2x1
jax: 0.10.2.dev20260603
libtpu: 0.0.44.dev20260713+nightly
codegen_flags: <defaults>
</compile_context>

<pallas_src>
import functools

import jax
import jax.numpy as jnp
from jax import lax
from jax.experimental import pallas as pl
from jax.experimental.pallas import tpu as pltpu
from jax.experimental.pallas import tpu_sc as plsc

DIM = 64
NSEQ = 4096
SEQ = 200
B = NSEQ * SEQ
NC, NS = 2, 16
NW = NC * NS
SEQ_PER_W = NSEQ // NW
CH = SEQ
NCH = SEQ_PER_W
SUBS = (128, 72)
NBUF = 4

_mesh = plsc.VectorSubcoreMesh(core_axis_name="c", subcore_axis_name="s")


@functools.partial(
    pl.kernel,
    mesh=_mesh,
    out_type=jax.ShapeDtypeStruct((NSEQ, SEQ, DIM), jnp.float32),
    scratch_types=[
        pltpu.VMEM((NBUF, CH), jnp.int32),
        pltpu.VMEM((NBUF, CH, DIM), jnp.float32),
        pltpu.SemaphoreType.DMA((NBUF,)),
        pltpu.SemaphoreType.DMA,
        pltpu.SemaphoreType.DMA((NBUF,)),
    ],
    compiler_params=pltpu.CompilerParams(use_tc_tiling_on_sc=False),
)
def _emb(idx_hbm, table_hbm, out_hbm, idx_v, rows_v, sem_idx, sem_g, sem_out):
    wid = lax.axis_index("s") * NC + lax.axis_index("c")
    seq_base = wid * SEQ_PER_W
    base = seq_base * SEQ

    def idx_copy(g, b):
        return pltpu.make_async_copy(
            idx_hbm.at[pl.ds(base + g * CH, CH)], idx_v.at[b], sem_idx.at[b],
        )

    def out_copy(g, b):
        return pltpu.make_async_copy(
            rows_v.at[b], out_hbm.at[seq_base + g], sem_out.at[b],
        )

    def gather_copies(b):
        off = 0
        copies = []
        for n in SUBS:
            copies.append(pltpu.make_async_copy(
                table_hbm.at[idx_v.at[b, pl.ds(off, n)]],
                rows_v.at[b, pl.ds(off, n)],
                sem_g,
            ))
            off += n
        return copies

    def fire_gathers(b):
        for cp in gather_copies(b):
            cp.start()

    def drain_gathers(b):
        for cp in gather_copies(b):
            cp.wait()


    for b in range(NBUF):
        idx_copy(b, b).start()
    idx_copy(0, 0).wait()
    fire_gathers(0)

    def slot_head(g):
        idx_copy(g + 1, (g + 1) % NBUF).wait()
        fire_gathers((g + 1) % NBUF)
        drain_gathers(g % NBUF)
        idx_copy(g + NBUF, g % NBUF).start()
        out_copy(g, g % NBUF).start()

    def slot_steady(g):
        idx_copy(g + 1, (g + 1) % NBUF).wait()
        out_copy(g + 1 - NBUF, (g + 1) % NBUF).wait()
        fire_gathers((g + 1) % NBUF)
        drain_gathers(g % NBUF)
        idx_copy(g + NBUF, g % NBUF).start()
        out_copy(g, g % NBUF).start()

    def slot_tail(g, last):
        if not last:
            idx_copy(g + 1, (g + 1) % NBUF).wait()
            out_copy(g + 1 - NBUF, (g + 1) % NBUF).wait()
            fire_gathers((g + 1) % NBUF)
        drain_gathers(g % NBUF)
        out_copy(g, g % NBUF).start()

    for g in range(NBUF):
        if g < NBUF - 1:
            slot_head(g)
        else:
            slot_steady(g)

    def step(i, carry):
        g0 = NBUF + i * NBUF
        for b in range(NBUF):
            slot_steady(g0 + b)
        return carry

    lax.fori_loop(0, (NCH - 2 * NBUF) // NBUF, step, 0)

    for g in range(NCH - NBUF, NCH):
        slot_tail(g, last=(g == NCH - 1))

    for g in range(NCH - NBUF, NCH):
        out_copy(g, g % NBUF).wait()


def kernel(token_ids, weight):
    idx = token_ids.reshape(B).astype(jnp.int32)
    return _emb(idx, weight)

# --- scband reference (transcript-rebuilt; emitter-appended) ---
"""Pipeline reference for scband-token-embedding-21182778705000 (READ-ONLY COPY).

The authoritative reference and input builder live on the scoring server;
editing this copy changes nothing except your own understanding.
"""

import jax, jax.numpy as jnp
import numpy as np

VOCAB = 1000000
DIM = 64
INIT_STD = 0.02

def setup_inputs(seed: int = 0) -> dict:
    key = jax.random.key(seed)
    k_idx, k_w = jax.random.split(key)
    token_ids = jax.random.randint(k_idx, (4096, 200), 0, VOCAB, dtype=jnp.int64 if jax.config.read('jax_enable_x64') else jnp.int32)
    weight = jax.random.normal(k_w, (VOCAB, DIM), dtype=jnp.float32) * INIT_STD
    return {"token_ids": token_ids, "weight": weight}

def reference(token_ids, weight):
    # F.embedding(token_ids, weight) -> gather rows of weight
    return jnp.take(weight, token_ids, axis=0)

if __name__ == "__main__":
    import jax
    _d = setup_inputs()
    print(jax.jit(kernel)(*tuple(_d.values())))

</pallas_src>

<mosaic_0001>
#map = affine_map<(d0, d1) -> (0)>
#map1 = affine_map<(d0, d1) -> (0, 0)>
#map2 = affine_map<(d0, d1) -> (0, 0, 0)>
module attributes {stable_mosaic.version = 14 : i64} {
  func.func @_emb(%arg0: i32, %arg1: i32, %arg2: memref<819200xi32, #tpu.memory_space<hbm>>, %arg3: memref<1000000x64xf32, #tpu.memory_space<hbm>>, %arg4: memref<4096x200x64xf32, #tpu.memory_space<hbm>>, %arg5: memref<4x200xi32, #tpu.memory_space<vmem>>, %arg6: memref<4x200x64xf32, #tpu.memory_space<vmem>>, %arg7: memref<4x!tpu.dma_semaphore, #tpu.memory_space<semaphore_mem>>, %arg8: memref<!tpu.dma_semaphore, #tpu.memory_space<semaphore_mem>>, %arg9: memref<4x!tpu.dma_semaphore, #tpu.memory_space<semaphore_mem>>) attributes {dimension_semantics = [#tpu.dimension_semantics<core_parallel>, #tpu.dimension_semantics<subcore_parallel>], iteration_bounds = array<i64: 2, 16>, scalar_prefetch = 0 : i64, scratch_operands = 5 : i64, tpu.core_type = #tpu.core_type<sc_vector_subcore>, window_params = [{transform_indices = #map}, {transform_indices = #map1}, {transform_indices = #map2}]} {
    %mul3A = arith.constant 2 : i32
    %mul3A_0 = arith.muli %arg1, %mul3A : i32
    %add3A = arith.addi %mul3A_0, %arg0 : i32
    %mul3A_1 = arith.constant 128 : i32
    %mul3A_2 = arith.muli %add3A, %mul3A_1 : i32
    %mul3A_3 = arith.constant 200 : i32
    %mul3A_4 = arith.muli %mul3A_2, %mul3A_3 : i32
    %add3A_5 = arith.constant 0 : i32
    %add3A_6 = arith.addi %mul3A_4, %add3A_5 : i32
    %dma_start3A = arith.constant 0 : i32
    %dma_start3A_7 = arith.constant 0 : i32
    %dma_start3A_8 = arith.constant 0 : i32
    %dma_start3A_9 = tpu.memref_slice %arg5[%dma_start3A, %dma_start3A_8] : memref<4x200xi32, #tpu.memory_space<vmem>> -> memref<1x200xi32, #tpu.memory_space<vmem>>
    %dma_start3A_10 = tpu.memref_squeeze %dma_start3A_9 : memref<1x200xi32, #tpu.memory_space<vmem>> -> memref<200xi32, #tpu.memory_space<vmem>>
    %dma_start3A_11 = tpu.memref_slice %arg2[%add3A_6] : memref<819200xi32, #tpu.memory_space<hbm>> -> memref<200xi32, #tpu.memory_space<hbm>>
    %dma_start3A_12 = tpu.memref_slice %arg7[%dma_start3A_7] : memref<4x!tpu.dma_semaphore, #tpu.memory_space<semaphore_mem>> -> memref<1x!tpu.dma_semaphore, #tpu.memory_space<semaphore_mem>>
    %dma_start3A_13 = tpu.memref_squeeze %dma_start3A_12 : memref<1x!tpu.dma_semaphore, #tpu.memory_space<semaphore_mem>> -> memref<!tpu.dma_semaphore, #tpu.memory_space<semaphore_mem>>
    %dma_start3A_14 = arith.constant 0 : i32
    %dma_start3A_15 = tpu.memref_slice %arg5[%dma_start3A, %dma_start3A_14] : memref<4x200xi32, #tpu.memory_space<vmem>> -> memref<1x200xi32, #tpu.memory_space<vmem>>
    %dma_start3A_16 = tpu.memref_squeeze %dma_start3A_15 : memref<1x200xi32, #tpu.memory_space<vmem>> -> memref<200xi32, #tpu.memory_space<vmem>>
    %dma_start3A_17 = tpu.memref_slice %arg2[%add3A_6] : memref<819200xi32, #tpu.memory_space<hbm>> -> memref<200xi32, #tpu.memory_space<hbm>>
    tpu.enqueue_dma source(%dma_start3A_17 : memref<200xi32, #tpu.memory_space<hbm>>) target(%dma_start3A_16 : memref<200xi32, #tpu.memory_space<vmem>>) target_semaphore(%dma_start3A_13 : memref<!tpu.dma_semaphore, #tpu.memory_space<semaphore_mem>>)
    %add3A_18 = arith.constant 200 : i32
    %add3A_19 = arith.addi %mul3A_4, %add3A_18 : i32
    %dma_start3A_20 = arith.constant 1 : i32
    %dma_start3A_21 = arith.constant 1 : i32
    %dma_start3A_22 = arith.constant 0 : i32
    %dma_start3A_23 = tpu.memref_slice %arg5[%dma_start3A_20, %dma_start3A_22] : memref<4x200xi32, #tpu.memory_space<vmem>> -> memref<1x200xi32, #tpu.memory_space<vmem>>
    %dma_start3A_24 = tpu.memref_squeeze %dma_start3A_23 : memref<1x200xi32, #tpu.memory_space<vmem>> -> memref<200xi32, #tpu.memory_space<vmem>>
    %dma_start3A_25 = tpu.memref_slice %arg2[%add3A_19] : memref<819200xi32, #tpu.memory_space<hbm>> -> memref<200xi32, #tpu.memory_space<hbm>>
    %dma_start3A_26 = tpu.memref_slice %arg7[%dma_start3A_21] : memref<4x!tpu.dma_semaphore, #tpu.memory_space<semaphore_mem>> -> memref<1x!tpu.dma_semaphore, #tpu.memory_space<semaphore_mem>>
    %dma_start3A_27 = tpu.memref_squeeze %dma_start3A_26 : memref<1x!tpu.dma_semaphore, #tpu.memory_space<semaphore_mem>> -> memref<!tpu.dma_semaphore, #tpu.memory_space<semaphore_mem>>
    %dma_start3A_28 = arith.constant 0 : i32
    %dma_start3A_29 = tpu.memref_slice %arg5[%dma_start3A_20, %dma_start3A_28] : memref<4x200xi32, #tpu.memory_space<vmem>> -> memref<1x200xi32, #tpu.memory_space<vmem>>
    %dma_start3A_30 = tpu.memref_squeeze %dma_start3A_29 : memref<1x200xi32, #tpu.memory_space<vmem>> -> memref<200xi32, #tpu.memory_space<vmem>>
    %dma_start3A_31 = tpu.memref_slice %arg2[%add3A_19] : memref<819200xi32, #tpu.memory_space<hbm>> -> memref<200xi32, #tpu.memory_space<hbm>>
    tpu.enqueue_dma source(%dma_start3A_31 : memref<200xi32, #tpu.memory_space<hbm>>) target(%dma_start3A_30 : memref<200xi32, #tpu.memory_space<vmem>>) target_semaphore(%dma_start3A_27 : memref<!tpu.dma_semaphore, #tpu.memory_space<semaphore_mem>>)
    %add3A_32 = arith.constant 400 : i32
    %add3A_33 = arith.addi %mul3A_4, %add3A_32 : i32
    %dma_start3A_34 = arith.constant 2 : i32
    %dma_start3A_35 = arith.constant 2 : i32
    %dma_start3A_36 = arith.constant 0 : i32
    %dma_start3A_37 = tpu.memref_slice %arg5[%dma_start3A_34, %dma_start3A_36] : memref<4x200xi32, #tpu.memory_space<vmem>> -> memref<1x200xi32, #tpu.memory_space<vmem>>
    %dma_start3A_38 = tpu.memref_squeeze %dma_start3A_37 : memref<1x200xi32, #tpu.memory_space<vmem>> -> memref<200xi32, #tpu.memory_space<vmem>>
    %dma_start3A_39 = tpu.memref_slice %arg2[%add3A_33] : memref<819200xi32, #tpu.memory_space<hbm>> -> memref<200xi32, #tpu.memory_space<hbm>>
    %dma_start3A_40 = tpu.memref_slice %arg7[%dma_start3A_35] : memref<4x!tpu.dma_semaphore, #tpu.memory_space<semaphore_mem>> -> memref<1x!tpu.dma_semaphore, #tpu.memory_space<semaphore_mem>>
    %dma_start3A_41 = tpu.memref_squeeze %dma_start3A_40 : memref<1x!tpu.dma_semaphore, #tpu.memory_space<semaphore_mem>> -> memref<!tpu.dma_semaphore, #tpu.memory_space<semaphore_mem>>
    %dma_start3A_42 = arith.constant 0 : i32
    %dma_start3A_43 = tpu.memref_slice %arg5[%dma_start3A_34, %dma_start3A_42] : memref<4x200xi32, #tpu.memory_space<vmem>> -> memref<1x200xi32, #tpu.memory_space<vmem>>
    %dma_start3A_44 = tpu.memref_squeeze %dma_start3A_43 : memref<1x200xi32, #tpu.memory_space<vmem>> -> memref<200xi32, #tpu.memory_space<vmem>>
    %dma_start3A_45 = tpu.memref_slice %arg2[%add3A_33] : memref<819200xi32, #tpu.memory_space<hbm>> -> memref<200xi32, #tpu.memory_space<hbm>>
    tpu.enqueue_dma source(%dma_start3A_45 : memref<200xi32, #tpu.memory_space<hbm>>) target(%dma_start3A_44 : memref<200xi32, #tpu.memory_space<vmem>>) target_semaphore(%dma_start3A_41 : memref<!tpu.dma_semaphore, #tpu.memory_space<semaphore_mem>>)
    %add3A_46 = arith.constant 600 : i32
    %add3A_47 = arith.addi %mul3A_4, %add3A_46 : i32
    %dma_start3A_48 = arith.constant 3 : i32
    %dma_start3A_49 = arith.constant 3 : i32
    %dma_start3A_50 = arith.constant 0 : i32
    %dma_start3A_51 = tpu.memref_slice %arg5[%dma_start3A_48, %dma_start3A_50] : memref<4x200xi32, #tpu.memory_space<vmem>> -> memref<1x200xi32, #tpu.memory_space<vmem>>
    %dma_start3A_52 = tpu.memref_squeeze %dma_start3A_51 : memref<1x200xi32, #tpu.memory_space<vmem>> -> memref<200xi32, #tpu.memory_space<vmem>>
    %dma_start3A_53 = tpu.memref_slice %arg2[%add3A_47] : memref<819200xi32, #tpu.memory_space<hbm>> -> memref<200xi32, #tpu.memory_space<hbm>>
    %dma_start3A_54 = tpu.memref_slice %arg7[%dma_start3A_49] : memref<4x!tpu.dma_semaphore, #tpu.memory_space<semaphore_mem>> -> memref<1x!tpu.dma_semaphore, #tpu.memory_space<semaphore_mem>>
    %dma_start3A_55 = tpu.memref_squeeze %dma_start3A_54 : memref<1x!tpu.dma_semaphore, #tpu.memory_space<semaphore_mem>> -> memref<!tpu.dma_semaphore, #tpu.memory_space<semaphore_mem>>
    %dma_start3A_56 = arith.constant 0 : i32
    %dma_start3A_57 = tpu.memref_slice %arg5[%dma_start3A_48, %dma_start3A_56] : memref<4x200xi32, #tpu.memory_space<vmem>> -> memref<1x200xi32, #tpu.memory_space<vmem>>
    %dma_start3A_58 = tpu.memref_squeeze %dma_start3A_57 : memref<1x200xi32, #tpu.memory_space<vmem>> -> memref<200xi32, #tpu.memory_space<vmem>>
    %dma_start3A_59 = tpu.memref_slice %arg2[%add3A_47] : memref<819200xi32, #tpu.memory_space<hbm>> -> memref<200xi32, #tpu.memory_space<hbm>>
    tpu.enqueue_dma source(%dma_start3A_59 : memref<200xi32, #tpu.memory_space<hbm>>) target(%dma_start3A_58 : memref<200xi32, #tpu.memory_space<vmem>>) target_semaphore(%dma_start3A_55 : memref<!tpu.dma_semaphore, #tpu.memory_space<semaphore_mem>>)
    %add3A_60 = arith.constant 0 : i32
    %add3A_61 = arith.addi %mul3A_4, %add3A_60 : i32
    %dma_wait3A = arith.constant 0 : i32
    %dma_wait3A_62 = arith.constant 0 : i32
    %dma_wait3A_63 = arith.constant 0 : i32
    %dma_wait3A_64 = tpu.memref_slice %arg5[%dma_wait3A, %dma_wait3A_63] : memref<4x200xi32, #tpu.memory_space<vmem>> -> memref<1x200xi32, #tpu.memory_space<vmem>>
    %dma_wait3A_65 = tpu.memref_squeeze %dma_wait3A_64 : memref<1x200xi32, #tpu.memory_space<vmem>> -> memref<200xi32, #tpu.memory_space<vmem>>
    %dma_wait3A_66 = tpu.memref_slice %arg2[%add3A_61] : memref<819200xi32, #tpu.memory_space<hbm>> -> memref<200xi32, #tpu.memory_space<hbm>>
    %dma_wait3A_67 = tpu.memref_slice %arg7[%dma_wait3A_62] : memref<4x!tpu.dma_semaphore, #tpu.memory_space<semaphore_mem>> -> memref<1x!tpu.dma_semaphore, #tpu.memory_space<semaphore_mem>>
    %dma_wait3A_68 = tpu.memref_squeeze %dma_wait3A_67 : memref<1x!tpu.dma_semaphore, #tpu.memory_space<semaphore_mem>> -> memref<!tpu.dma_semaphore, #tpu.memory_space<semaphore_mem>>
    %dma_wait3A_69 = arith.constant 0 : i32
    %dma_wait3A_70 = tpu.memref_slice %arg5[%dma_wait3A, %dma_wait3A_69] : memref<4x200xi32, #tpu.memory_space<vmem>> -> memref<1x200xi32, #tpu.memory_space<vmem>>
    %dma_wait3A_71 = tpu.memref_squeeze %dma_wait3A_70 : memref<1x200xi32, #tpu.memory_space<vmem>> -> memref<200xi32, #tpu.memory_space<vmem>>
    %dma_wait3A_72 = tpu.memref_slice %arg2[%add3A_61] : memref<819200xi32, #tpu.memory_space<hbm>> -> memref<200xi32, #tpu.memory_space<hbm>>
    tpu.wait_dma2 semaphore(%dma_wait3A_68 : memref<!tpu.dma_semaphore, #tpu.memory_space<semaphore_mem>>) src(%dma_wait3A_72 : memref<200xi32, #tpu.memory_space<hbm>>) dst(%dma_wait3A_71 : memref<200xi32, #tpu.memory_space<vmem>>)
    %dma_start3A_73 = arith.constant 0 : i32
    %dma_start3A_74 = arith.constant 0 : i32
    %dma_start3A_75 = arith.constant 0 : i32
    %dma_start3A_76 = arith.constant 0 : i32
    %dma_start3A_77 = tpu.memref_slice %arg6[%dma_start3A_74, %dma_start3A_75, %dma_start3A_76] : memref<4x200x64xf32, #tpu.memory_space<vmem>> -> memref<1x128x64xf32, #tpu.memory_space<vmem>>
    %dma_start3A_78 = tpu.memref_squeeze %dma_start3A_77 : memref<1x128x64xf32, #tpu.memory_space<vmem>> -> memref<128x64xf32, #tpu.memory_space<vmem>>
    %dma_start3A_79 = arith.constant 0 : i32
    %dma_start3A_80 = tpu.memref_slice %arg5[%dma_start3A_73, %dma_start3A_79] : memref<4x200xi32, #tpu.memory_space<vmem>> -> memref<1x128xi32, #tpu.memory_space<vmem>>
    %dma_start3A_81 = tpu.memref_squeeze %dma_start3A_80 : memref<1x128xi32, #tpu.memory_space<vmem>> -> memref<128xi32, #tpu.memory_space<vmem>>
    %dma_start3A_82 = arith.constant 0 : i32
    %dma_start3A_83 = arith.constant 0 : i32
    %dma_start3A_84 = tpu.memref_slice %arg3[%dma_start3A_82, %dma_start3A_83] : memref<1000000x64xf32, #tpu.memory_space<hbm>> -> memref<1000000x64xf32, #tpu.memory_space<hbm>>
    tpu.enqueue_indirect_dma source(%dma_start3A_84 : memref<1000000x64xf32, #tpu.memory_space<hbm>>) target(%dma_start3A_78 : memref<128x64xf32, #tpu.memory_space<vmem>>) offsets(%dma_start3A_81 : memref<128xi32, #tpu.memory_space<vmem>>) semaphore(%arg8 : memref<!tpu.dma_semaphore, #tpu.memory_space<semaphore_mem>>)
    %dma_start3A_85 = arith.constant 0 : i32
    %dma_start3A_86 = arith.constant 0 : i32
    %dma_start3A_87 = arith.constant 128 : i32
    %dma_start3A_88 = arith.constant 0 : i32
    %dma_start3A_89 = tpu.memref_slice %arg6[%dma_start3A_86, %dma_start3A_87, %dma_start3A_88] : memref<4x200x64xf32, #tpu.memory_space<vmem>> -> memref<1x72x64xf32, #tpu.memory_space<vmem>>
    %dma_start3A_90 = tpu.memref_squeeze %dma_start3A_89 : memref<1x72x64xf32, #tpu.memory_space<vmem>> -> memref<72x64xf32, #tpu.memory_space<vmem>>
    %dma_start3A_91 = arith.constant 128 : i32
    %dma_start3A_92 = tpu.memref_slice %arg5[%dma_start3A_85, %dma_start3A_91] : memref<4x200xi32, #tpu.memory_space<vmem>> -> memref<1x72xi32, #tpu.memory_space<vmem>>
    %dma_start3A_93 = tpu.memref_squeeze %dma_start3A_92 : memref<1x72xi32, #tpu.memory_space<vmem>> -> memref<72xi32, #tpu.memory_space<vmem>>
    %dma_start3A_94 = arith.constant 0 : i32
    %dma_start3A_95 = arith.constant 0 : i32
    %dma_start3A_96 = tpu.memref_slice %arg3[%dma_start3A_94, %dma_start3A_95] : memref<1000000x64xf32, #tpu.memory_space<hbm>> -> memref<1000000x64xf32, #tpu.memory_space<hbm>>
    tpu.enqueue_indirect_dma source(%dma_start3A_96 : memref<1000000x64xf32, #tpu.memory_space<hbm>>) target(%dma_start3A_90 : memref<72x64xf32, #tpu.memory_space<vmem>>) offsets(%dma_start3A_93 : memref<72xi32, #tpu.memory_space<vmem>>) semaphore(%arg8 : memref<!tpu.dma_semaphore, #tpu.memory_space<semaphore_mem>>)
    %add3A_97 = arith.constant 200 : i32
    %add3A_98 = arith.addi %mul3A_4, %add3A_97 : i32
    %dma_wait3A_99 = arith.constant 1 : i32
    %dma_wait3A_100 = arith.constant 1 : i32
    %dma_wait3A_101 = arith.constant 0 : i32
    %dma_wait3A_102 = tpu.memref_slice %arg5[%dma_wait3A_99, %dma_wait3A_101] : memref<4x200xi32, #tpu.memory_space<vmem>> -> memref<1x200xi32, #tpu.memory_space<vmem>>
    %dma_wait3A_103 = tpu.memref_squeeze %dma_wait3A_102 : memref<1x200xi32, #tpu.memory_space<vmem>> -> memref<200xi32, #tpu.memory_space<vmem>>
    %dma_wait3A_104 = tpu.memref_slice %arg2[%add3A_98] : memref<819200xi32, #tpu.memory_space<hbm>> -> memref<200xi32, #tpu.memory_space<hbm>>
    %dma_wait3A_105 = tpu.memref_slice %arg7[%dma_wait3A_100] : memref<4x!tpu.dma_semaphore, #tpu.memory_space<semaphore_mem>> -> memref<1x!tpu.dma_semaphore, #tpu.memory_space<semaphore_mem>>
    %dma_wait3A_106 = tpu.memref_squeeze %dma_wait3A_105 : memref<1x!tpu.dma_semaphore, #tpu.memory_space<semaphore_mem>> -> memref<!tpu.dma_semaphore, #tpu.memory_space<semaphore_mem>>
    %dma_wait3A_107 = arith.constant 0 : i32
    %dma_wait3A_108 = tpu.memref_slice %arg5[%dma_wait3A_99, %dma_wait3A_107] : memref<4x200xi32, #tpu.memory_space<vmem>> -> memref<1x200xi32, #tpu.memory_space<vmem>>
    %dma_wait3A_109 = tpu.memref_squeeze %dma_wait3A_108 : memref<1x200xi32, #tpu.memory_space<vmem>> -> memref<200xi32, #tpu.memory_space<vmem>>
    %dma_wait3A_110 = tpu.memref_slice %arg2[%add3A_98] : memref<819200xi32, #tpu.memory_space<hbm>> -> memref<200xi32, #tpu.memory_space<hbm>>
    tpu.wait_dma2 semaphore(%dma_wait3A_106 : memref<!tpu.dma_semaphore, #tpu.memory_space<semaphore_mem>>) src(%dma_wait3A_110 : memref<200xi32, #tpu.memory_space<hbm>>) dst(%dma_wait3A_109 : memref<200xi32, #tpu.memory_space<vmem>>)
    %dma_start3A_111 = arith.constant 1 : i32
    %dma_start3A_112 = arith.constant 1 : i32
    %dma_start3A_113 = arith.constant 0 : i32
    %dma_start3A_114 = arith.constant 0 : i32
    %dma_start3A_115 = tpu.memref_slice %arg6[%dma_start3A_112, %dma_start3A_113, %dma_start3A_114] : memref<4x200x64xf32, #tpu.memory_space<vmem>> -> memref<1x128x64xf32, #tpu.memory_space<vmem>>
    %dma_start3A_116 = tpu.memref_squeeze %dma_start3A_115 : memref<1x128x64xf32, #tpu.memory_space<vmem>> -> memref<128x64xf32, #tpu.memory_space<vmem>>
    %dma_start3A_117 = arith.constant 0 : i32
    %dma_start3A_118 = tpu.memref_slice %arg5[%dma_start3A_111, %dma_start3A_117] : memref<4x200xi32, #tpu.memory_space<vmem>> -> memref<1x128xi32, #tpu.memory_space<vmem>>
    %dma_start3A_119 = tpu.memref_squeeze %dma_start3A_118 : memref<1x128xi32, #tpu.memory_space<vmem>> -> memref<128xi32, #tpu.memory_space<vmem>>
    %dma_start3A_120 = arith.constant 0 : i32
    %dma_start3A_121 = arith.constant 0 : i32
    %dma_start3A_122 = tpu.memref_slice %arg3[%dma_start3A_120, %dma_start3A_121] : memref<1000000x64xf32, #tpu.memory_space<hbm>> -> memref<1000000x64xf32, #tpu.memory_space<hbm>>
    tpu.enqueue_indirect_dma source(%dma_start3A_122 : memref<1000000x64xf32, #tpu.memory_space<hbm>>) target(%dma_start3A_116 : memref<128x64xf32, #tpu.memory_space<vmem>>) offsets(%dma_start3A_119 : memref<128xi32, #tpu.memory_space<vmem>>) semaphore(%arg8 : memref<!tpu.dma_semaphore, #tpu.memory_space<semaphore_mem>>)
    %dma_start3A_123 = arith.constant 1 : i32
    %dma_start3A_124 = arith.constant 1 : i32
    %dma_start3A_125 = arith.constant 128 : i32
    %dma_start3A_126 = arith.constant 0 : i32
    %dma_start3A_127 = tpu.memref_slice %arg6[%dma_start3A_124, %dma_start3A_125, %dma_start3A_126] : memref<4x200x64xf32, #tpu.memory_space<vmem>> -> memref<1x72x64xf32, #tpu.memory_space<vmem>>
    %dma_start3A_128 = tpu.memref_squeeze %dma_start3A_127 : memref<1x72x64xf32, #tpu.memory_space<vmem>> -> memref<72x64xf32, #tpu.memory_space<vmem>>
    %dma_start3A_129 = arith.constant 128 : i32
    %dma_start3A_130 = tpu.memref_slice %arg5[%dma_start3A_123, %dma_start3A_129] : memref<4x200xi32, #tpu.memory_space<vmem>> -> memref<1x72xi32, #tpu.memory_space<vmem>>
    %dma_start3A_131 = tpu.memref_squeeze %dma_start3A_130 : memref<1x72xi32, #tpu.memory_space<vmem>> -> memref<72xi32, #tpu.memory_space<vmem>>
    %dma_start3A_132 = arith.constant 0 : i32
    %dma_start3A_133 = arith.constant 0 : i32
    %dma_start3A_134 = tpu.memref_slice %arg3[%dma_start3A_132, %dma_start3A_133] : memref<1000000x64xf32, #tpu.memory_space<hbm>> -> memref<1000000x64xf32, #tpu.memory_space<hbm>>
    tpu.enqueue_indirect_dma source(%dma_start3A_134 : memref<1000000x64xf32, #tpu.memory_space<hbm>>) target(%dma_start3A_128 : memref<72x64xf32, #tpu.memory_space<vmem>>) offsets(%dma_start3A_131 : memref<72xi32, #tpu.memory_space<vmem>>) semaphore(%arg8 : memref<!tpu.dma_semaphore, #tpu.memory_space<semaphore_mem>>)
    %dma_wait3A_135 = arith.constant 0 : i32
    %dma_wait3A_136 = arith.constant 0 : i32
    %dma_wait3A_137 = arith.constant 0 : i32
    %dma_wait3A_138 = arith.constant 0 : i32
    %dma_wait3A_139 = tpu.memref_slice %arg6[%dma_wait3A_136, %dma_wait3A_137, %dma_wait3A_138] : memref<4x200x64xf32, #tpu.memory_space<vmem>> -> memref<1x128x64xf32, #tpu.memory_space<vmem>>
    %dma_wait3A_140 = tpu.memref_squeeze %dma_wait3A_139 : memref<1x128x64xf32, #tpu.memory_space<vmem>> -> memref<128x64xf32, #tpu.memory_space<vmem>>
    %dma_wait3A_141 = arith.constant 0 : i32
    %dma_wait3A_142 = tpu.memref_slice %arg5[%dma_wait3A_135, %dma_wait3A_141] : memref<4x200xi32, #tpu.memory_space<vmem>> -> memref<1x128xi32, #tpu.memory_space<vmem>>
    %dma_wait3A_143 = tpu.memref_squeeze %dma_wait3A_142 : memref<1x128xi32, #tpu.memory_space<vmem>> -> memref<128xi32, #tpu.memory_space<vmem>>
    %dma_wait3A_144 = arith.constant 0 : i32
    %dma_wait3A_145 = arith.constant 0 : i32
    %dma_wait3A_146 = tpu.memref_slice %arg3[%dma_wait3A_144, %dma_wait3A_145] : memref<1000000x64xf32, #tpu.memory_space<hbm>> -> memref<1000000x64xf32, #tpu.memory_space<hbm>>
    tpu.wait_indirect_dma semaphore(%arg8 : memref<!tpu.dma_semaphore, #tpu.memory_space<semaphore_mem>>) src(%dma_wait3A_146 : memref<1000000x64xf32, #tpu.memory_space<hbm>>) dst(%dma_wait3A_140 : memref<128x64xf32, #tpu.memory_space<vmem>>)
    %dma_wait3A_147 = arith.constant 0 : i32
    %dma_wait3A_148 = arith.constant 0 : i32
    %dma_wait3A_149 = arith.constant 128 : i32
    %dma_wait3A_150 = arith.constant 0 : i32
    %dma_wait3A_151 = tpu.memref_slice %arg6[%dma_wait3A_148, %dma_wait3A_149, %dma_wait3A_150] : memref<4x200x64xf32, #tpu.memory_space<vmem>> -> memref<1x72x64xf32, #tpu.memory_space<vmem>>
    %dma_wait3A_152 = tpu.memref_squeeze %dma_wait3A_151 : memref<1x72x64xf32, #tpu.memory_space<vmem>> -> memref<72x64xf32, #tpu.memory_space<vmem>>
    %dma_wait3A_153 = arith.constant 128 : i32
    %dma_wait3A_154 = tpu.memref_slice %arg5[%dma_wait3A_147, %dma_wait3A_153] : memref<4x200xi32, #tpu.memory_space<vmem>> -> memref<1x72xi32, #tpu.memory_space<vmem>>
    %dma_wait3A_155 = tpu.memref_squeeze %dma_wait3A_154 : memref<1x72xi32, #tpu.memory_space<vmem>> -> memref<72xi32, #tpu.memory_space<vmem>>
    %dma_wait3A_156 = arith.constant 0 : i32
    %dma_wait3A_157 = arith.constant 0 : i32
    %dma_wait3A_158 = tpu.memref_slice %arg3[%dma_wait3A_156, %dma_wait3A_157] : memref<1000000x64xf32, #tpu.memory_space<hbm>> -> memref<1000000x64xf32, #tpu.memory_space<hbm>>
    tpu.wait_indirect_dma semaphore(%arg8 : memref<!tpu.dma_semaphore, #tpu.memory_space<semaphore_mem>>) src(%dma_wait3A_158 : memref<1000000x64xf32, #tpu.memory_space<hbm>>) dst(%dma_wait3A_152 : memref<72x64xf32, #tpu.memory_space<vmem>>)
    %add3A_159 = arith.constant 800 : i32
    %add3A_160 = arith.addi %mul3A_4, %add3A_159 : i32
    %dma_start3A_161 = arith.constant 0 : i32
    %dma_start3A_162 = arith.constant 0 : i32
    %dma_start3A_163 = arith.constant 0 : i32
    %dma_start3A_164 = tpu.memref_slice %arg5[%dma_start3A_161, %dma_start3A_163] : memref<4x200xi32, #tpu.memory_space<vmem>> -> memref<1x200xi32, #tpu.memory_space<vmem>>
    %dma_start3A_165 = tpu.memref_squeeze %dma_start3A_164 : memref<1x200xi32, #tpu.memory_space<vmem>> -> memref<200xi32, #tpu.memory_space<vmem>>
    %dma_start3A_166 = tpu.memref_slice %arg2[%add3A_160] : memref<819200xi32, #tpu.memory_space<hbm>> -> memref<200xi32, #tpu.memory_space<hbm>>
    %dma_start3A_167 = tpu.memref_slice %arg7[%dma_start3A_162] : memref<4x!tpu.dma_semaphore, #tpu.memory_space<semaphore_mem>> -> memref<1x!tpu.dma_semaphore, #tpu.memory_space<semaphore_mem>>
    %dma_start3A_168 = tpu.memref_squeeze %dma_start3A_167 : memref<1x!tpu.dma_semaphore, #tpu.memory_space<semaphore_mem>> -> memref<!tpu.dma_semaphore, #tpu.memory_space<semaphore_mem>>
    %dma_start3A_169 = arith.constant 0 : i32
    %dma_start3A_170 = tpu.memref_slice %arg5[%dma_start3A_161, %dma_start3A_169] : memref<4x200xi32, #tpu.memory_space<vmem>> -> memref<1x200xi32, #tpu.memory_space<vmem>>
    %dma_start3A_171 = tpu.memref_squeeze %dma_start3A_170 : memref<1x200xi32, #tpu.memory_space<vmem>> -> memref<200xi32, #tpu.memory_space<vmem>>
    %dma_start3A_172 = tpu.memref_slice %arg2[%add3A_160] : memref<819200xi32, #tpu.memory_space<hbm>> -> memref<200xi32, #tpu.memory_space<hbm>>
    tpu.enqueue_dma source(%dma_start3A_172 : memref<200xi32, #tpu.memory_space<hbm>>) target(%dma_start3A_171 : memref<200xi32, #tpu.memory_space<vmem>>) target_semaphore(%dma_start3A_168 : memref<!tpu.dma_semaphore, #tpu.memory_space<semaphore_mem>>)
    %add3A_173 = arith.constant 0 : i32
    %add3A_174 = arith.addi %mul3A_2, %add3A_173 : i32
    %dma_start3A_175 = arith.constant 0 : i32
    %dma_start3A_176 = arith.constant 0 : i32
    %dma_start3A_177 = arith.constant 0 : i32
    %dma_start3A_178 = arith.constant 0 : i32
    %dma_start3A_179 = tpu.memref_slice %arg6[%dma_start3A_175, %dma_start3A_177, %dma_start3A_178] : memref<4x200x64xf32, #tpu.memory_space<vmem>> -> memref<1x200x64xf32, #tpu.memory_space<vmem>>
    %dma_start3A_180 = tpu.memref_squeeze %dma_start3A_179 : memref<1x200x64xf32, #tpu.memory_space<vmem>> -> memref<200x64xf32, #tpu.memory_space<vmem>>
    %dma_start3A_181 = arith.constant 0 : i32
    %dma_start3A_182 = arith.constant 0 : i32
    %dma_start3A_183 = tpu.memref_slice %arg4[%add3A_174, %dma_start3A_181, %dma_start3A_182] : memref<4096x200x64xf32, #tpu.memory_space<hbm>> -> memref<1x200x64xf32, #tpu.memory_space<hbm>>
    %dma_start3A_184 = tpu.memref_squeeze %dma_start3A_183 : memref<1x200x64xf32, #tpu.memory_space<hbm>> -> memref<200x64xf32, #tpu.memory_space<hbm>>
    %dma_start3A_185 = tpu.memref_slice %arg9[%dma_start3A_176] : memref<4x!tpu.dma_semaphore, #tpu.memory_space<semaphore_mem>> -> memref<1x!tpu.dma_semaphore, #tpu.memory_space<semaphore_mem>>
    %dma_start3A_186 = tpu.memref_squeeze %dma_start3A_185 : memref<1x!tpu.dma_semaphore, #tpu.memory_space<semaphore_mem>> -> memref<!tpu.dma_semaphore, #tpu.memory_space<semaphore_mem>>
    %dma_start3A_187 = arith.constant 0 : i32
    %dma_start3A_188 = arith.constant 0 : i32
    %dma_start3A_189 = tpu.memref_slice %arg4[%add3A_174, %dma_start3A_187, %dma_start3A_188] : memref<4096x200x64xf32, #tpu.memory_space<hbm>> -> memref<1x200x64xf32, #tpu.memory_space<hbm>>
    %dma_start3A_190 = tpu.memref_squeeze %dma_start3A_189 : memref<1x200x64xf32, #tpu.memory_space<hbm>> -> memref<200x64xf32, #tpu.memory_space<hbm>>
    %dma_start3A_191 = arith.constant 0 : i32
    %dma_start3A_192 = arith.constant 0 : i32
    %dma_start3A_193 = tpu.memref_slice %arg6[%dma_start3A_175, %dma_start3A_191, %dma_start3A_192] : memref<4x200x64xf32, #tpu.memory_space<vmem>> -> memref<1x200x64xf32, #tpu.memory_space<vmem>>
    %dma_start3A_194 = tpu.memref_squeeze %dma_start3A_193 : memref<1x200x64xf32, #tpu.memory_space<vmem>> -> memref<200x64xf32, #tpu.memory_space<vmem>>
    tpu.enqueue_dma source(%dma_start3A_194 : memref<200x64xf32, #tpu.memory_space<vmem>>) target(%dma_start3A_190 : memref<200x64xf32, #tpu.memory_space<hbm>>) target_semaphore(%dma_start3A_186 : memref<!tpu.dma_semaphore, #tpu.memory_space<semaphore_mem>>)
    %add3A_195 = arith.constant 400 : i32
    %add3A_196 = arith.addi %mul3A_4, %add3A_195 : i32
    %dma_wait3A_197 = arith.constant 2 : i32
    %dma_wait3A_198 = arith.constant 2 : i32
    %dma_wait3A_199 = arith.constant 0 : i32
    %dma_wait3A_200 = tpu.memref_slice %arg5[%dma_wait3A_197, %dma_wait3A_199] : memref<4x200xi32, #tpu.memory_space<vmem>> -> memref<1x200xi32, #tpu.memory_space<vmem>>
    %dma_wait3A_201 = tpu.memref_squeeze %dma_wait3A_200 : memref<1x200xi32, #tpu.memory_space<vmem>> -> memref<200xi32, #tpu.memory_space<vmem>>
    %dma_wait3A_202 = tpu.memref_slice %arg2[%add3A_196] : memref<819200xi32, #tpu.memory_space<hbm>> -> memref<200xi32, #tpu.memory_space<hbm>>
    %dma_wait3A_203 = tpu.memref_slice %arg7[%dma_wait3A_198] : memref<4x!tpu.dma_semaphore, #tpu.memory_space<semaphore_mem>> -> memref<1x!tpu.dma_semaphore, #tpu.memory_space<semaphore_mem>>
    %dma_wait3A_204 = tpu.memref_squeeze %dma_wait3A_203 : memref<1x!tpu.dma_semaphore, #tpu.memory_space<semaphore_mem>> -> memref<!tpu.dma_semaphore, #tpu.memory_space<semaphore_mem>>
    %dma_wait3A_205 = arith.constant 0 : i32
    %dma_wait3A_206 = tpu.memref_slice %arg5[%dma_wait3A_197, %dma_wait3A_205] : memref<4x200xi32, #tpu.memory_space<vmem>> -> memref<1x200xi32, #tpu.memory_space<vmem>>
    %dma_wait3A_207 = tpu.memref_squeeze %dma_wait3A_206 : memref<1x200xi32, #tpu.memory_space<vmem>> -> memref<200xi32, #tpu.memory_space<vmem>>
    %dma_wait3A_208 = tpu.memref_slice %arg2[%add3A_196] : memref<819200xi32, #tpu.memory_space<hbm>> -> memref<200xi32, #tpu.memory_space<hbm>>
    tpu.wait_dma2 semaphore(%dma_wait3A_204 : memref<!tpu.dma_semaphore, #tpu.memory_space<semaphore_mem>>) src(%dma_wait3A_208 : memref<200xi32, #tpu.memory_space<hbm>>) dst(%dma_wait3A_207 : memref<200xi32, #tpu.memory_space<vmem>>)
    %dma_start3A_209 = arith.constant 2 : i32
    %dma_start3A_210 = arith.constant 2 : i32
    %dma_start3A_211 = arith.constant 0 : i32
    %dma_start3A_212 = arith.constant 0 : i32
    %dma_start3A_213 = tpu.memref_slice %arg6[%dma_start3A_210, %dma_start3A_211, %dma_start3A_212] : memref<4x200x64xf32, #tpu.memory_space<vmem>> -> memref<1x128x64xf32, #tpu.memory_space<vmem>>
    %dma_start3A_214 = tpu.memref_squeeze %dma_start3A_213 : memref<1x128x64xf32, #tpu.memory_space<vmem>> -> memref<128x64xf32, #tpu.memory_space<vmem>>
    %dma_start3A_215 = arith.constant 0 : i32
    %dma_start3A_216 = tpu.memref_slice %arg5[%dma_start3A_209, %dma_start3A_215] : memref<4x200xi32, #tpu.memory_space<vmem>> -> memref<1x128xi32, #tpu.memory_space<vmem>>
    %dma_start3A_217 = tpu.memref_squeeze %dma_start3A_216 : memref<1x128xi32, #tpu.memory_space<vmem>> -> memref<128xi32, #tpu.memory_space<vmem>>
    %dma_start3A_218 = arith.constant 0 : i32
    %dma_start3A_219 = arith.constant 0 : i32
    %dma_start3A_220 = tpu.memref_slice %arg3[%dma_start3A_218, %dma_start3A_219] : memref<1000000x64xf32, #tpu.memory_space<hbm>> -> memref<1000000x64xf32, #tpu.memory_space<hbm>>
    tpu.enqueue_indirect_dma source(%dma_start3A_220 : memref<1000000x64xf32, #tpu.memory_space<hbm>>) target(%dma_start3A_214 : memref<128x64xf32, #tpu.memory_space<vmem>>) offsets(%dma_start3A_217 : memref<128xi32, #tpu.memory_space<vmem>>) semaphore(%arg8 : memref<!tpu.dma_semaphore, #tpu.memory_space<semaphore_mem>>)
    %dma_start3A_221 = arith.constant 2 : i32
    %dma_start3A_222 = arith.constant 2 : i32
    %dma_start3A_223 = arith.constant 128 : i32
    %dma_start3A_224 = arith.constant 0 : i32
    %dma_start3A_225 = tpu.memref_slice %arg6[%dma_start3A_222, %dma_start3A_223, %dma_start3A_224] : memref<4x200x64xf32, #tpu.memory_space<vmem>> -> memref<1x72x64xf32, #tpu.memory_space<vmem>>
    %dma_start3A_226 = tpu.memref_squeeze %dma_start3A_225 : memref<1x72x64xf32, #tpu.memory_space<vmem>> -> memref<72x64xf32, #tpu.memory_space<vmem>>
    %dma_start3A_227 = arith.constant 128 : i32
    %dma_start3A_228 = tpu.memref_slice %arg5[%dma_start3A_221, %dma_start3A_227] : memref<4x200xi32, #tpu.memory_space<vmem>> -> memref<1x72xi32, #tpu.memory_space<vmem>>
    %dma_start3A_229 = tpu.memref_squeeze %dma_start3A_228 : memref<1x72xi32, #tpu.memory_space<vmem>> -> memref<72xi32, #tpu.memory_space<vmem>>
    %dma_start3A_230 = arith.constant 0 : i32
    %dma_start3A_231 = arith.constant 0 : i32
    %dma_start3A_232 = tpu.memref_slice %arg3[%dma_start3A_230, %dma_start3A_231] : memref<1000000x64xf32, #tpu.memory_space<hbm>> -> memref<1000000x64xf32, #tpu.memory_space<hbm>>
    tpu.enqueue_indirect_dma source(%dma_start3A_232 : memref<1000000x64xf32, #tpu.memory_space<hbm>>) target(%dma_start3A_226 : memref<72x64xf32, #tpu.memory_space<vmem>>) offsets(%dma_start3A_229 : memref<72xi32, #tpu.memory_space<vmem>>) semaphore(%arg8 : memref<!tpu.dma_semaphore, #tpu.memory_space<semaphore_mem>>)
    %dma_wait3A_233 = arith.constant 1 : i32
    %dma_wait3A_234 = arith.constant 1 : i32
    %dma_wait3A_235 = arith.constant 0 : i32
    %dma_wait3A_236 = arith.constant 0 : i32
    %dma_wait3A_237 = tpu.memref_slice %arg6[%dma_wait3A_234, %dma_wait3A_235, %dma_wait3A_236] : memref<4x200x64xf32, #tpu.memory_space<vmem>> -> memref<1x128x64xf32, #tpu.memory_space<vmem>>
    %dma_wait3A_238 = tpu.memref_squeeze %dma_wait3A_237 : memref<1x128x64xf32, #tpu.memory_space<vmem>> -> memref<128x64xf32, #tpu.memory_space<vmem>>
    %dma_wait3A_239 = arith.constant 0 : i32
    %dma_wait3A_240 = tpu.memref_slice %arg5[%dma_wait3A_233, %dma_wait3A_239] : memref<4x200xi32, #tpu.memory_space<vmem>> -> memref<1x128xi32, #tpu.memory_space<vmem>>
    %dma_wait3A_241 = tpu.memref_squeeze %dma_wait3A_240 : memref<1x128xi32, #tpu.memory_space<vmem>> -> memref<128xi32, #tpu.memory_space<vmem>>
    %dma_wait3A_242 = arith.constant 0 : i32
    %dma_wait3A_243 = arith.constant 0 : i32
    %dma_wait3A_244 = tpu.memref_slice %arg3[%dma_wait3A_242, %dma_wait3A_243] : memref<1000000x64xf32, #tpu.memory_space<hbm>> -> memref<1000000x64xf32, #tpu.memory_space<hbm>>
    tpu.wait_indirect_dma semaphore(%arg8 : memref<!tpu.dma_semaphore, #tpu.memory_space<semaphore_mem>>) src(%dma_wait3A_244 : memref<1000000x64xf32, #tpu.memory_space<hbm>>) dst(%dma_wait3A_238 : memref<128x64xf32, #tpu.memory_space<vmem>>)
    %dma_wait3A_245 = arith.constant 1 : i32
    %dma_wait3A_246 = arith.constant 1 : i32
    %dma_wait3A_247 = arith.constant 128 : i32
    %dma_wait3A_248 = arith.constant 0 : i32
    %dma_wait3A_249 = tpu.memref_slice %arg6[%dma_wait3A_246, %dma_wait3A_247, %dma_wait3A_248] : memref<4x200x64xf32, #tpu.memory_space<vmem>> -> memref<1x72x64xf32, #tpu.memory_space<vmem>>
    %dma_wait3A_250 = tpu.memref_squeeze %dma_wait3A_249 : memref<1x72x64xf32, #tpu.memory_space<vmem>> -> memref<72x64xf32, #tpu.memory_space<vmem>>
    %dma_wait3A_251 = arith.constant 128 : i32
    %dma_wait3A_252 = tpu.memref_slice %arg5[%dma_wait3A_245, %dma_wait3A_251] : memref<4x200xi32, #tpu.memory_space<vmem>> -> memref<1x72xi32, #tpu.memory_space<vmem>>
    %dma_wait3A_253 = tpu.memref_squeeze %dma_wait3A_252 : memref<1x72xi32, #tpu.memory_space<vmem>> -> memref<72xi32, #tpu.memory_space<vmem>>
    %dma_wait3A_254 = arith.constant 0 : i32
    %dma_wait3A_255 = arith.constant 0 : i32
    %dma_wait3A_256 = tpu.memref_slice %arg3[%dma_wait3A_254, %dma_wait3A_255] : memref<1000000x64xf32, #tpu.memory_space<hbm>> -> memref<1000000x64xf32, #tpu.memory_space<hbm>>
    tpu.wait_indirect_dma semaphore(%arg8 : memref<!tpu.dma_semaphore, #tpu.memory_space<semaphore_mem>>) src(%dma_wait3A_256 : memref<1000000x64xf32, #tpu.memory_space<hbm>>) dst(%dma_wait3A_250 : memref<72x64xf32, #tpu.memory_space<vmem>>)
    %add3A_257 = arith.constant 1000 : i32
    %add3A_258 = arith.addi %mul3A_4, %add3A_257 : i32
    %dma_start3A_259 = arith.constant 1 : i32
    %dma_start3A_260 = arith.constant 1 : i32
    %dma_start3A_261 = arith.constant 0 : i32
    %dma_start3A_262 = tpu.memref_slice %arg5[%dma_start3A_259, %dma_start3A_261] : memref<4x200xi32, #tpu.memory_space<vmem>> -> memref<1x200xi32, #tpu.memory_space<vmem>>
    %dma_start3A_263 = tpu.memref_squeeze %dma_start3A_262 : memref<1x200xi32, #tpu.memory_space<vmem>> -> memref<200xi32, #tpu.memory_space<vmem>>
    %dma_start3A_264 = tpu.memref_slice %arg2[%add3A_258] : memref<819200xi32, #tpu.memory_space<hbm>> -> memref<200xi32, #tpu.memory_space<hbm>>
    %dma_start3A_265 = tpu.memref_slice %arg7[%dma_start3A_260] : memref<4x!tpu.dma_semaphore, #tpu.memory_space<semaphore_mem>> -> memref<1x!tpu.dma_semaphore, #tpu.memory_space<semaphore_mem>>
    %dma_start3A_266 = tpu.memref_squeeze %dma_start3A_265 : memref<1x!tpu.dma_semaphore, #tpu.memory_space<semaphore_mem>> -> memref<!tpu.dma_semaphore, #tpu.memory_space<semaphore_mem>>
    %dma_start3A_267 = arith.constant 0 : i32
    %dma_start3A_268 = tpu.memref_slice %arg5[%dma_start3A_259, %dma_start3A_267] : memref<4x200xi32, #tpu.memory_space<vmem>> -> memref<1x200xi32, #tpu.memory_space<vmem>>
    %dma_start3A_269 = tpu.memref_squeeze %dma_start3A_268 : memref<1x200xi32, #tpu.memory_space<vmem>> -> memref<200xi32, #tpu.memory_space<vmem>>
    %dma_start3A_270 = tpu.memref_slice %arg2[%add3A_258] : memref<819200xi32, #tpu.memory_space<hbm>> -> memref<200xi32, #tpu.memory_space<hbm>>
    tpu.enqueue_dma source(%dma_start3A_270 : memref<200xi32, #tpu.memory_space<hbm>>) target(%dma_start3A_269 : memref<200xi32, #tpu.memory_space<vmem>>) target_semaphore(%dma_start3A_266 : memref<!tpu.dma_semaphore, #tpu.memory_space<semaphore_mem>>)
    %add3A_271 = arith.constant 1 : i32
    %add3A_272 = arith.addi %mul3A_2, %add3A_271 : i32
    %dma_start3A_273 = arith.constant 1 : i32
    %dma_start3A_274 = arith.constant 1 : i32
    %dma_start3A_275 = arith.constant 0 : i32
    %dma_start3A_276 = arith.constant 0 : i32
    %dma_start3A_277 = tpu.memref_slice %arg6[%dma_start3A_273, %dma_start3A_275, %dma_start3A_276] : memref<4x200x64xf32, #tpu.memory_space<vmem>> -> memref<1x200x64xf32, #tpu.memory_space<vmem>>
    %dma_start3A_278 = tpu.memref_squeeze %dma_start3A_277 : memref<1x200x64xf32, #tpu.memory_space<vmem>> -> memref<200x64xf32, #tpu.memory_space<vmem>>
    %dma_start3A_279 = arith.constant 0 : i32
    %dma_start3A_280 = arith.constant 0 : i32
    %dma_start3A_281 = tpu.memref_slice %arg4[%add3A_272, %dma_start3A_279, %dma_start3A_280] : memref<4096x200x64xf32, #tpu.memory_space<hbm>> -> memref<1x200x64xf32, #tpu.memory_space<hbm>>
    %dma_start3A_282 = tpu.memref_squeeze %dma_start3A_281 : memref<1x200x64xf32, #tpu.memory_space<hbm>> -> memref<200x64xf32, #tpu.memory_space<hbm>>
    %dma_start3A_283 = tpu.memref_slice %arg9[%dma_start3A_274] : memref<4x!tpu.dma_semaphore, #tpu.memory_space<semaphore_mem>> -> memref<1x!tpu.dma_semaphore, #tpu.memory_space<semaphore_mem>>
    %dma_start3A_284 = tpu.memref_squeeze %dma_start3A_283 : memref<1x!tpu.dma_semaphore, #tpu.memory_space<semaphore_mem>> -> memref<!tpu.dma_semaphore, #tpu.memory_space<semaphore_mem>>
    %dma_start3A_285 = arith.constant 0 : i32
    %dma_start3A_286 = arith.constant 0 : i32
    %dma_start3A_287 = tpu.memref_slice %arg4[%add3A_272, %dma_start3A_285, %dma_start3A_286] : memref<4096x200x64xf32, #tpu.memory_space<hbm>> -> memref<1x200x64xf32, #tpu.memory_space<hbm>>
    %dma_start3A_288 = tpu.memref_squeeze %dma_start3A_287 : memref<1x200x64xf32, #tpu.memory_space<hbm>> -> memref<200x64xf32, #tpu.memory_space<hbm>>
    %dma_start3A_289 = arith.constant 0 : i32
    %dma_start3A_290 = arith.constant 0 : i32
    %dma_start3A_291 = tpu.memref_slice %arg6[%dma_start3A_273, %dma_start3A_289, %dma_start3A_290] : memref<4x200x64xf32, #tpu.memory_space<vmem>> -> memref<1x200x64xf32, #tpu.memory_space<vmem>>
    %dma_start3A_292 = tpu.memref_squeeze %dma_start3A_291 : memref<1x200x64xf32, #tpu.memory_space<vmem>> -> memref<200x64xf32, #tpu.memory_space<vmem>>
    tpu.enqueue_dma source(%dma_start3A_292 : memref<200x64xf32, #tpu.memory_space<vmem>>) target(%dma_start3A_288 : memref<200x64xf32, #tpu.memory_space<hbm>>) target_semaphore(%dma_start3A_284 : memref<!tpu.dma_semaphore, #tpu.memory_space<semaphore_mem>>)
    %add3A_293 = arith.constant 600 : i32
    %add3A_294 = arith.addi %mul3A_4, %add3A_293 : i32
    %dma_wait3A_295 = arith.constant 3 : i32
    %dma_wait3A_296 = arith.constant 3 : i32
    %dma_wait3A_297 = arith.constant 0 : i32
    %dma_wait3A_298 = tpu.memref_slice %arg5[%dma_wait3A_295, %dma_wait3A_297] : memref<4x200xi32, #tpu.memory_space<vmem>> -> memref<1x200xi32, #tpu.memory_space<vmem>>
    %dma_wait3A_299 = tpu.memref_squeeze %dma_wait3A_298 : memref<1x200xi32, #tpu.memory_space<vmem>> -> memref<200xi32, #tpu.memory_space<vmem>>
    %dma_wait3A_300 = tpu.memref_slice %arg2[%add3A_294] : memref<819200xi32, #tpu.memory_space<hbm>> -> memref<200xi32, #tpu.memory_space<hbm>>
    %dma_wait3A_301 = tpu.memref_slice %arg7[%dma_wait3A_296] : memref<4x!tpu.dma_semaphore, #tpu.memory_space<semaphore_mem>> -> memref<1x!tpu.dma_semaphore, #tpu.memory_space<semaphore_mem>>
    %dma_wait3A_302 = tpu.memref_squeeze %dma_wait3A_301 : memref<1x!tpu.dma_semaphore, #tpu.memory_space<semaphore_mem>> -> memref<!tpu.dma_semaphore, #tpu.memory_space<semaphore_mem>>
    %dma_wait3A_303 = arith.constant 0 : i32
    %dma_wait3A_304 = tpu.memref_slice %arg5[%dma_wait3A_295, %dma_wait3A_303] : memref<4x200xi32, #tpu.memory_space<vmem>> -> memref<1x200xi32, #tpu.memory_space<vmem>>
    %dma_wait3A_305 = tpu.memref_squeeze %dma_wait3A_304 : memref<1x200xi32, #tpu.memory_space<vmem>> -> memref<200xi32, #tpu.memory_space<vmem>>
    %dma_wait3A_306 = tpu.memref_slice %arg2[%add3A_294] : memref<819200xi32, #tpu.memory_space<hbm>> -> memref<200xi32, #tpu.memory_space<hbm>>
    tpu.wait_dma2 semaphore(%dma_wait3A_302 : memref<!tpu.dma_semaphore, #tpu.memory_space<semaphore_mem>>) src(%dma_wait3A_306 : memref<200xi32, #tpu.memory_space<hbm>>) dst(%dma_wait3A_305 : memref<200xi32, #tpu.memory_space<vmem>>)
    %dma_start3A_307 = arith.constant 3 : i32
    %dma_start3A_308 = arith.constant 3 : i32
    %dma_start3A_309 = arith.constant 0 : i32
    %dma_start3A_310 = arith.constant 0 : i32
    %dma_start3A_311 = tpu.memref_slice %arg6[%dma_start3A_308, %dma_start3A_309, %dma_start3A_310] : memref<4x200x64xf32, #tpu.memory_space<vmem>> -> memref<1x128x64xf32, #tpu.memory_space<vmem>>
    %dma_start3A_312 = tpu.memref_squeeze %dma_start3A_311 : memref<1x128x64xf32, #tpu.memory_space<vmem>> -> memref<128x64xf32, #tpu.memory_space<vmem>>
    %dma_start3A_313 = arith.constant 0 : i32
    %dma_start3A_314 = tpu.memref_slice %arg5[%dma_start3A_307, %dma_start3A_313] : memref<4x200xi32, #tpu.memory_space<vmem>> -> memref<1x128xi32, #tpu.memory_space<vmem>>
    %dma_start3A_315 = tpu.memref_squeeze %dma_start3A_314 : memref<1x128xi32, #tpu.memory_space<vmem>> -> memref<128xi32, #tpu.memory_space<vmem>>
    %dma_start3A_316 = arith.constant 0 : i32
    %dma_start3A_317 = arith.constant 0 : i32
    %dma_start3A_318 = tpu.memref_slice %arg3[%dma_start3A_316, %dma_start3A_317] : memref<1000000x64xf32, #tpu.memory_space<hbm>> -> memref<1000000x64xf32, #tpu.memory_space<hbm>>
    tpu.enqueue_indirect_dma source(%dma_start3A_318 : memref<1000000x64xf32, #tpu.memory_space<hbm>>) target(%dma_start3A_312 : memref<128x64xf32, #tpu.memory_space<vmem>>) offsets(%dma_start3A_315 : memref<128xi32, #tpu.memory_space<vmem>>) semaphore(%arg8 : memref<!tpu.dma_semaphore, #tpu.memory_space<semaphore_mem>>)
    %dma_start3A_319 = arith.constant 3 : i32
    %dma_start3A_320 = arith.constant 3 : i32
    %dma_start3A_321 = arith.constant 128 : i32
    %dma_start3A_322 = arith.constant 0 : i32
    %dma_start3A_323 = tpu.memref_slice %arg6[%dma_start3A_320, %dma_start3A_321, %dma_start3A_322] : memref<4x200x64xf32, #tpu.memory_space<vmem>> -> memref<1x72x64xf32, #tpu.memory_space<vmem>>
    %dma_start3A_324 = tpu.memref_squeeze %dma_start3A_323 : memref<1x72x64xf32, #tpu.memory_space<vmem>> -> memref<72x64xf32, #tpu.memory_space<vmem>>
    %dma_start3A_325 = arith.constant 128 : i32
    %dma_start3A_326 = tpu.memref_slice %arg5[%dma_start3A_319, %dma_start3A_325] : memref<4x200xi32, #tpu.memory_space<vmem>> -> memref<1x72xi32, #tpu.memory_space<vmem>>
    %dma_start3A_327 = tpu.memref_squeeze %dma_start3A_326 : memref<1x72xi32, #tpu.memory_space<vmem>> -> memref<72xi32, #tpu.memory_space<vmem>>
    %dma_start3A_328 = arith.constant 0 : i32
    %dma_start3A_329 = arith.constant 0 : i32
    %dma_start3A_330 = tpu.memref_slice %arg3[%dma_start3A_328, %dma_start3A_329] : memref<1000000x64xf32, #tpu.memory_space<hbm>> -> memref<1000000x64xf32, #tpu.memory_space<hbm>>
    tpu.enqueue_indirect_dma source(%dma_start3A_330 : memref<1000000x64xf32, #tpu.memory_space<hbm>>) target(%dma_start3A_324 : memref<72x64xf32, #tpu.memory_space<vmem>>) offsets(%dma_start3A_327 : memref<72xi32, #tpu.memory_space<vmem>>) semaphore(%arg8 : memref<!tpu.dma_semaphore, #tpu.memory_space<semaphore_mem>>)
    %dma_wait3A_331 = arith.constant 2 : i32
    %dma_wait3A_332 = arith.constant 2 : i32
    %dma_wait3A_333 = arith.constant 0 : i32
    %dma_wait3A_334 = arith.constant 0 : i32
    %dma_wait3A_335 = tpu.memref_slice %arg6[%dma_wait3A_332, %dma_wait3A_333, %dma_wait3A_334] : memref<4x200x64xf32, #tpu.memory_space<vmem>> -> memref<1x128x64xf32, #tpu.memory_space<vmem>>
    %dma_wait3A_336 = tpu.memref_squeeze %dma_wait3A_335 : memref<1x128x64xf32, #tpu.memory_space<vmem>> -> memref<128x64xf32, #tpu.memory_space<vmem>>
    %dma_wait3A_337 = arith.constant 0 : i32
    %dma_wait3A_338 = tpu.memref_slice %arg5[%dma_wait3A_331, %dma_wait3A_337] : memref<4x200xi32, #tpu.memory_space<vmem>> -> memref<1x128xi32, #tpu.memory_space<vmem>>
    %dma_wait3A_339 = tpu.memref_squeeze %dma_wait3A_338 : memref<1x128xi32, #tpu.memory_space<vmem>> -> memref<128xi32, #tpu.memory_space<vmem>>
    %dma_wait3A_340 = arith.constant 0 : i32
    %dma_wait3A_341 = arith.constant 0 : i32
    %dma_wait3A_342 = tpu.memref_slice %arg3[%dma_wait3A_340, %dma_wait3A_341] : memref<1000000x64xf32, #tpu.memory_space<hbm>> -> memref<1000000x64xf32, #tpu.memory_space<hbm>>
    tpu.wait_indirect_dma semaphore(%arg8 : memref<!tpu.dma_semaphore, #tpu.memory_space<semaphore_mem>>) src(%dma_wait3A_342 : memref<1000000x64xf32, #tpu.memory_space<hbm>>) dst(%dma_wait3A_336 : memref<128x64xf32, #tpu.memory_space<vmem>>)
    %dma_wait3A_343 = arith.constant 2 : i32
    %dma_wait3A_344 = arith.constant 2 : i32
    %dma_wait3A_345 = arith.constant 128 : i32
    %dma_wait3A_346 = arith.constant 0 : i32
    %dma_wait3A_347 = tpu.memref_slice %arg6[%dma_wait3A_344, %dma_wait3A_345, %dma_wait3A_346] : memref<4x200x64xf32, #tpu.memory_space<vmem>> -> memref<1x72x64xf32, #tpu.memory_space<vmem>>
    %dma_wait3A_348 = tpu.memref_squeeze %dma_wait3A_347 : memref<1x72x64xf32, #tpu.memory_space<vmem>> -> memref<72x64xf32, #tpu.memory_space<vmem>>
    %dma_wait3A_349 = arith.constant 128 : i32
    %dma_wait3A_350 = tpu.memref_slice %arg5[%dma_wait3A_343, %dma_wait3A_349] : memref<4x200xi32, #tpu.memory_space<vmem>> -> memref<1x72xi32, #tpu.memory_space<vmem>>
    %dma_wait3A_351 = tpu.memref_squeeze %dma_wait3A_350 : memref<1x72xi32, #tpu.memory_space<vmem>> -> memref<72xi32, #tpu.memory_space<vmem>>
    %dma_wait3A_352 = arith.constant 0 : i32
    %dma_wait3A_353 = arith.constant 0 : i32
    %dma_wait3A_354 = tpu.memref_slice %arg3[%dma_wait3A_352, %dma_wait3A_353] : memref<1000000x64xf32, #tpu.memory_space<hbm>> -> memref<1000000x64xf32, #tpu.memory_space<hbm>>
    tpu.wait_indirect_dma semaphore(%arg8 : memref<!tpu.dma_semaphore, #tpu.memory_space<semaphore_mem>>) src(%dma_wait3A_354 : memref<1000000x64xf32, #tpu.memory_space<hbm>>) dst(%dma_wait3A_348 : memref<72x64xf32, #tpu.memory_space<vmem>>)
    %add3A_355 = arith.constant 1200 : i32
    %add3A_356 = arith.addi %mul3A_4, %add3A_355 : i32
    %dma_start3A_357 = arith.constant 2 : i32
    %dma_start3A_358 = arith.constant 2 : i32
    %dma_start3A_359 = arith.constant 0 : i32
    %dma_start3A_360 = tpu.memref_slice %arg5[%dma_start3A_357, %dma_start3A_359] : memref<4x200xi32, #tpu.memory_space<vmem>> -> memref<1x200xi32, #tpu.memory_space<vmem>>
    %dma_start3A_361 = tpu.memref_squeeze %dma_start3A_360 : memref<1x200xi32, #tpu.memory_space<vmem>> -> memref<200xi32, #tpu.memory_space<vmem>>
    %dma_start3A_362 = tpu.memref_slice %arg2[%add3A_356] : memref<819200xi32, #tpu.memory_space<hbm>> -> memref<200xi32, #tpu.memory_space<hbm>>
    %dma_start3A_363 = tpu.memref_slice %arg7[%dma_start3A_358] : memref<4x!tpu.dma_semaphore, #tpu.memory_space<semaphore_mem>> -> memref<1x!tpu.dma_semaphore, #tpu.memory_space<semaphore_mem>>
    %dma_start3A_364 = tpu.memref_squeeze %dma_start3A_363 : memref<1x!tpu.dma_semaphore, #tpu.memory_space<semaphore_mem>> -> memref<!tpu.dma_semaphore, #tpu.memory_space<semaphore_mem>>
    %dma_start3A_365 = arith.constant 0 : i32
    %dma_start3A_366 = tpu.memref_slice %arg5[%dma_start3A_357, %dma_start3A_365] : memref<4x200xi32, #tpu.memory_space<vmem>> -> memref<1x200xi32, #tpu.memory_space<vmem>>
    %dma_start3A_367 = tpu.memref_squeeze %dma_start3A_366 : memref<1x200xi32, #tpu.memory_space<vmem>> -> memref<200xi32, #tpu.memory_space<vmem>>
    %dma_start3A_368 = tpu.memref_slice %arg2[%add3A_356] : memref<819200xi32, #tpu.memory_space<hbm>> -> memref<200xi32, #tpu.memory_space<hbm>>
    tpu.enqueue_dma source(%dma_start3A_368 : memref<200xi32, #tpu.memory_space<hbm>>) target(%dma_start3A_367 : memref<200xi32, #tpu.memory_space<vmem>>) target_semaphore(%dma_start3A_364 : memref<!tpu.dma_semaphore, #tpu.memory_space<semaphore_mem>>)
    %add3A_369 = arith.constant 2 : i32
    %add3A_370 = arith.addi %mul3A_2, %add3A_369 : i32
    %dma_start3A_371 = arith.constant 2 : i32
    %dma_start3A_372 = arith.constant 2 : i32
    %dma_start3A_373 = arith.constant 0 : i32
    %dma_start3A_374 = arith.constant 0 : i32
    %dma_start3A_375 = tpu.memref_slice %arg6[%dma_start3A_371, %dma_start3A_373, %dma_start3A_374] : memref<4x200x64xf32, #tpu.memory_space<vmem>> -> memref<1x200x64xf32, #tpu.memory_space<vmem>>
    %dma_start3A_376 = tpu.memref_squeeze %dma_start3A_375 : memref<1x200x64xf32, #tpu.memory_space<vmem>> -> memref<200x64xf32, #tpu.memory_space<vmem>>
    %dma_start3A_377 = arith.constant 0 : i32
    %dma_start3A_378 = arith.constant 0 : i32
    %dma_start3A_379 = tpu.memref_slice %arg4[%add3A_370, %dma_start3A_377, %dma_start3A_378] : memref<4096x200x64xf32, #tpu.memory_space<hbm>> -> memref<1x200x64xf32, #tpu.memory_space<hbm>>
    %dma_start3A_380 = tpu.memref_squeeze %dma_start3A_379 : memref<1x200x64xf32, #tpu.memory_space<hbm>> -> memref<200x64xf32, #tpu.memory_space<hbm>>
    %dma_start3A_381 = tpu.memref_slice %arg9[%dma_start3A_372] : memref<4x!tpu.dma_semaphore, #tpu.memory_space<semaphore_mem>> -> memref<1x!tpu.dma_semaphore, #tpu.memory_space<semaphore_mem>>
    %dma_start3A_382 = tpu.memref_squeeze %dma_start3A_381 : memref<1x!tpu.dma_semaphore, #tpu.memory_space<semaphore_mem>> -> memref<!tpu.dma_semaphore, #tpu.memory_space<semaphore_mem>>
    %dma_start3A_383 = arith.constant 0 : i32
    %dma_start3A_384 = arith.constant 0 : i32
    %dma_start3A_385 = tpu.memref_slice %arg4[%add3A_370, %dma_start3A_383, %dma_start3A_384] : memref<4096x200x64xf32, #tpu.memory_space<hbm>> -> memref<1x200x64xf32, #tpu.memory_space<hbm>>
    %dma_start3A_386 = tpu.memref_squeeze %dma_start3A_385 : memref<1x200x64xf32, #tpu.memory_space<hbm>> -> memref<200x64xf32, #tpu.memory_space<hbm>>
    %dma_start3A_387 = arith.constant 0 : i32
    %dma_start3A_388 = arith.constant 0 : i32
    %dma_start3A_389 = tpu.memref_slice %arg6[%dma_start3A_371, %dma_start3A_387, %dma_start3A_388] : memref<4x200x64xf32, #tpu.memory_space<vmem>> -> memref<1x200x64xf32, #tpu.memory_space<vmem>>
    %dma_start3A_390 = tpu.memref_squeeze %dma_start3A_389 : memref<1x200x64xf32, #tpu.memory_space<vmem>> -> memref<200x64xf32, #tpu.memory_space<vmem>>
    tpu.enqueue_dma source(%dma_start3A_390 : memref<200x64xf32, #tpu.memory_space<vmem>>) target(%dma_start3A_386 : memref<200x64xf32, #tpu.memory_space<hbm>>) target_semaphore(%dma_start3A_382 : memref<!tpu.dma_semaphore, #tpu.memory_space<semaphore_mem>>)
    %add3A_391 = arith.constant 800 : i32
    %add3A_392 = arith.addi %mul3A_4, %add3A_391 : i32
    %dma_wait3A_393 = arith.constant 0 : i32
    %dma_wait3A_394 = arith.constant 0 : i32
    %dma_wait3A_395 = arith.constant 0 : i32
    %dma_wait3A_396 = tpu.memref_slice %arg5[%dma_wait3A_393, %dma_wait3A_395] : memref<4x200xi32, #tpu.memory_space<vmem>> -> memref<1x200xi32, #tpu.memory_space<vmem>>
    %dma_wait3A_397 = tpu.memref_squeeze %dma_wait3A_396 : memref<1x200xi32, #tpu.memory_space<vmem>> -> memref<200xi32, #tpu.memory_space<vmem>>
    %dma_wait3A_398 = tpu.memref_slice %arg2[%add3A_392] : memref<819200xi32, #tpu.memory_space<hbm>> -> memref<200xi32, #tpu.memory_space<hbm>>
    %dma_wait3A_399 = tpu.memref_slice %arg7[%dma_wait3A_394] : memref<4x!tpu.dma_semaphore, #tpu.memory_space<semaphore_mem>> -> memref<1x!tpu.dma_semaphore, #tpu.memory_space<semaphore_mem>>
    %dma_wait3A_400 = tpu.memref_squeeze %dma_wait3A_399 : memref<1x!tpu.dma_semaphore, #tpu.memory_space<semaphore_mem>> -> memref<!tpu.dma_semaphore, #tpu.memory_space<semaphore_mem>>
    %dma_wait3A_401 = arith.constant 0 : i32
    %dma_wait3A_402 = tpu.memref_slice %arg5[%dma_wait3A_393, %dma_wait3A_401] : memref<4x200xi32, #tpu.memory_space<vmem>> -> memref<1x200xi32, #tpu.memory_space<vmem>>
    %dma_wait3A_403 = tpu.memref_squeeze %dma_wait3A_402 : memref<1x200xi32, #tpu.memory_space<vmem>> -> memref<200xi32, #tpu.memory_space<vmem>>
    %dma_wait3A_404 = tpu.memref_slice %arg2[%add3A_392] : memref<819200xi32, #tpu.memory_space<hbm>> -> memref<200xi32, #tpu.memory_space<hbm>>
    tpu.wait_dma2 semaphore(%dma_wait3A_400 : memref<!tpu.dma_semaphore, #tpu.memory_space<semaphore_mem>>) src(%dma_wait3A_404 : memref<200xi32, #tpu.memory_space<hbm>>) dst(%dma_wait3A_403 : memref<200xi32, #tpu.memory_space<vmem>>)
    %add3A_405 = arith.constant 0 : i32
    %add3A_406 = arith.addi %mul3A_2, %add3A_405 : i32
    %dma_wait3A_407 = arith.constant 0 : i32
    %dma_wait3A_408 = arith.constant 0 : i32
    %dma_wait3A_409 = arith.constant 0 : i32
    %dma_wait3A_410 = arith.constant 0 : i32
    %dma_wait3A_411 = tpu.memref_slice %arg6[%dma_wait3A_407, %dma_wait3A_409, %dma_wait3A_410] : memref<4x200x64xf32, #tpu.memory_space<vmem>> -> memref<1x200x64xf32, #tpu.memory_space<vmem>>
    %dma_wait3A_412 = tpu.memref_squeeze %dma_wait3A_411 : memref<1x200x64xf32, #tpu.memory_space<vmem>> -> memref<200x64xf32, #tpu.memory_space<vmem>>
    %dma_wait3A_413 = arith.constant 0 : i32
    %dma_wait3A_414 = arith.constant 0 : i32
    %dma_wait3A_415 = tpu.memref_slice %arg4[%add3A_406, %dma_wait3A_413, %dma_wait3A_414] : memref<4096x200x64xf32, #tpu.memory_space<hbm>> -> memref<1x200x64xf32, #tpu.memory_space<hbm>>
    %dma_wait3A_416 = tpu.memref_squeeze %dma_wait3A_415 : memref<1x200x64xf32, #tpu.memory_space<hbm>> -> memref<200x64xf32, #tpu.memory_space<hbm>>
    %dma_wait3A_417 = tpu.memref_slice %arg9[%dma_wait3A_408] : memref<4x!tpu.dma_semaphore, #tpu.memory_space<semaphore_mem>> -> memref<1x!tpu.dma_semaphore, #tpu.memory_space<semaphore_mem>>
    %dma_wait3A_418 = tpu.memref_squeeze %dma_wait3A_417 : memref<1x!tpu.dma_semaphore, #tpu.memory_space<semaphore_mem>> -> memref<!tpu.dma_semaphore, #tpu.memory_space<semaphore_mem>>
    %dma_wait3A_419 = arith.constant 0 : i32
    %dma_wait3A_420 = arith.constant 0 : i32
    %dma_wait3A_421 = tpu.memref_slice %arg4[%add3A_406, %dma_wait3A_419, %dma_wait3A_420] : memref<4096x200x64xf32, #tpu.memory_space<hbm>> -> memref<1x200x64xf32, #tpu.memory_space<hbm>>
    %dma_wait3A_422 = tpu.memref_squeeze %dma_wait3A_421 : memref<1x200x64xf32, #tpu.memory_space<hbm>> -> memref<200x64xf32, #tpu.memory_space<hbm>>
    %dma_wait3A_423 = arith.constant 0 : i32
    %dma_wait3A_424 = arith.constant 0 : i32
    %dma_wait3A_425 = tpu.memref_slice %arg6[%dma_wait3A_407, %dma_wait3A_423, %dma_wait3A_424] : memref<4x200x64xf32, #tpu.memory_space<vmem>> -> memref<1x200x64xf32, #tpu.memory_space<vmem>>
    %dma_wait3A_426 = tpu.memref_squeeze %dma_wait3A_425 : memref<1x200x64xf32, #tpu.memory_space<vmem>> -> memref<200x64xf32, #tpu.memory_space<vmem>>
    tpu.wait_dma2 semaphore(%dma_wait3A_418 : memref<!tpu.dma_semaphore, #tpu.memory_space<semaphore_mem>>) src(%dma_wait3A_426 : memref<200x64xf32, #tpu.memory_space<vmem>>) dst(%dma_wait3A_422 : memref<200x64xf32, #tpu.memory_space<hbm>>)
    %dma_start3A_427 = arith.constant 0 : i32
    %dma_start3A_428 = arith.constant 0 : i32
    %dma_start3A_429 = arith.constant 0 : i32
    %dma_start3A_430 = arith.constant 0 : i32
    %dma_start3A_431 = tpu.memref_slice %arg6[%dma_start3A_428, %dma_start3A_429, %dma_start3A_430] : memref<4x200x64xf32, #tpu.memory_space<vmem>> -> memref<1x128x64xf32, #tpu.memory_space<vmem>>
    %dma_start3A_432 = tpu.memref_squeeze %dma_start3A_431 : memref<1x128x64xf32, #tpu.memory_space<vmem>> -> memref<128x64xf32, #tpu.memory_space<vmem>>
    %dma_start3A_433 = arith.constant 0 : i32
    %dma_start3A_434 = tpu.memref_slice %arg5[%dma_start3A_427, %dma_start3A_433] : memref<4x200xi32, #tpu.memory_space<vmem>> -> memref<1x128xi32, #tpu.memory_space<vmem>>
    %dma_start3A_435 = tpu.memref_squeeze %dma_start3A_434 : memref<1x128xi32, #tpu.memory_space<vmem>> -> memref<128xi32, #tpu.memory_space<vmem>>
    %dma_start3A_436 = arith.constant 0 : i32
    %dma_start3A_437 = arith.constant 0 : i32
    %dma_start3A_438 = tpu.memref_slice %arg3[%dma_start3A_436, %dma_start3A_437] : memref<1000000x64xf32, #tpu.memory_space<hbm>> -> memref<1000000x64xf32, #tpu.memory_space<hbm>>
    tpu.enqueue_indirect_dma source(%dma_start3A_438 : memref<1000000x64xf32, #tpu.memory_space<hbm>>) target(%dma_start3A_432 : memref<128x64xf32, #tpu.memory_space<vmem>>) offsets(%dma_start3A_435 : memref<128xi32, #tpu.memory_space<vmem>>) semaphore(%arg8 : memref<!tpu.dma_semaphore, #tpu.memory_space<semaphore_mem>>)
    %dma_start3A_439 = arith.constant 0 : i32
    %dma_start3A_440 = arith.constant 0 : i32
    %dma_start3A_441 = arith.constant 128 : i32
    %dma_start3A_442 = arith.constant 0 : i32
    %dma_start3A_443 = tpu.memref_slice %arg6[%dma_start3A_440, %dma_start3A_441, %dma_start3A_442] : memref<4x200x64xf32, #tpu.memory_space<vmem>> -> memref<1x72x64xf32, #tpu.memory_space<vmem>>
    %dma_start3A_444 = tpu.memref_squeeze %dma_start3A_443 : memref<1x72x64xf32, #tpu.memory_space<vmem>> -> memref<72x64xf32, #tpu.memory_space<vmem>>
    %dma_start3A_445 = arith.constant 128 : i32
    %dma_start3A_446 = tpu.memref_slice %arg5[%dma_start3A_439, %dma_start3A_445] : memref<4x200xi32, #tpu.memory_space<vmem>> -> memref<1x72xi32, #tpu.memory_space<vmem>>
    %dma_start3A_447 = tpu.memref_squeeze %dma_start3A_446 : memref<1x72xi32, #tpu.memory_space<vmem>> -> memref<72xi32, #tpu.memory_space<vmem>>
    %dma_start3A_448 = arith.constant 0 : i32
    %dma_start3A_449 = arith.constant 0 : i32
    %dma_start3A_450 = tpu.memref_slice %arg3[%dma_start3A_448, %dma_start3A_449] : memref<1000000x64xf32, #tpu.memory_space<hbm>> -> memref<1000000x64xf32, #tpu.memory_space<hbm>>
    tpu.enqueue_indirect_dma source(%dma_start3A_450 : memref<1000000x64xf32, #tpu.memory_space<hbm>>) target(%dma_start3A_444 : memref<72x64xf32, #tpu.memory_space<vmem>>) offsets(%dma_start3A_447 : memref<72xi32, #tpu.memory_space<vmem>>) semaphore(%arg8 : memref<!tpu.dma_semaphore, #tpu.memory_space<semaphore_mem>>)
    %dma_wait3A_451 = arith.constant 3 : i32
    %dma_wait3A_452 = arith.constant 3 : i32
    %dma_wait3A_453 = arith.constant 0 : i32
    %dma_wait3A_454 = arith.constant 0 : i32
    %dma_wait3A_455 = tpu.memref_slice %arg6[%dma_wait3A_452, %dma_wait3A_453, %dma_wait3A_454] : memref<4x200x64xf32, #tpu.memory_space<vmem>> -> memref<1x128x64xf32, #tpu.memory_space<vmem>>
    %dma_wait3A_456 = tpu.memref_squeeze %dma_wait3A_455 : memref<1x128x64xf32, #tpu.memory_space<vmem>> -> memref<128x64xf32, #tpu.memory_space<vmem>>
    %dma_wait3A_457 = arith.constant 0 : i32
    %dma_wait3A_458 = tpu.memref_slice %arg5[%dma_wait3A_451, %dma_wait3A_457] : memref<4x200xi32, #tpu.memory_space<vmem>> -> memref<1x128xi32, #tpu.memory_space<vmem>>
    %dma_wait3A_459 = tpu.memref_squeeze %dma_wait3A_458 : memref<1x128xi32, #tpu.memory_space<vmem>> -> memref<128xi32, #tpu.memory_space<vmem>>
    %dma_wait3A_460 = arith.constant 0 : i32
    %dma_wait3A_461 = arith.constant 0 : i32
    %dma_wait3A_462 = tpu.memref_slice %arg3[%dma_wait3A_460, %dma_wait3A_461] : memref<1000000x64xf32, #tpu.memory_space<hbm>> -> memref<1000000x64xf32, #tpu.memory_space<hbm>>
    tpu.wait_indirect_dma semaphore(%arg8 : memref<!tpu.dma_semaphore, #tpu.memory_space<semaphore_mem>>) src(%dma_wait3A_462 : memref<1000000x64xf32, #tpu.memory_space<hbm>>) dst(%dma_wait3A_456 : memref<128x64xf32, #tpu.memory_space<vmem>>)
    %dma_wait3A_463 = arith.constant 3 : i32
    %dma_wait3A_464 = arith.constant 3 : i32
    %dma_wait3A_465 = arith.constant 128 : i32
    %dma_wait3A_466 = arith.constant 0 : i32
    %dma_wait3A_467 = tpu.memref_slice %arg6[%dma_wait3A_464, %dma_wait3A_465, %dma_wait3A_466] : memref<4x200x64xf32, #tpu.memory_space<vmem>> -> memref<1x72x64xf32, #tpu.memory_space<vmem>>
    %dma_wait3A_468 = tpu.memref_squeeze %dma_wait3A_467 : memref<1x72x64xf32, #tpu.memory_space<vmem>> -> memref<72x64xf32, #tpu.memory_space<vmem>>
    %dma_wait3A_469 = arith.constant 128 : i32
    %dma_wait3A_470 = tpu.memref_slice %arg5[%dma_wait3A_463, %dma_wait3A_469] : memref<4x200xi32, #tpu.memory_space<vmem>> -> memref<1x72xi32, #tpu.memory_space<vmem>>
    %dma_wait3A_471 = tpu.memref_squeeze %dma_wait3A_470 : memref<1x72xi32, #tpu.memory_space<vmem>> -> memref<72xi32, #tpu.memory_space<vmem>>
    %dma_wait3A_472 = arith.constant 0 : i32
    %dma_wait3A_473 = arith.constant 0 : i32
    %dma_wait3A_474 = tpu.memref_slice %arg3[%dma_wait3A_472, %dma_wait3A_473] : memref<1000000x64xf32, #tpu.memory_space<hbm>> -> memref<1000000x64xf32, #tpu.memory_space<hbm>>
    tpu.wait_indirect_dma semaphore(%arg8 : memref<!tpu.dma_semaphore, #tpu.memory_space<semaphore_mem>>) src(%dma_wait3A_474 : memref<1000000x64xf32, #tpu.memory_space<hbm>>) dst(%dma_wait3A_468 : memref<72x64xf32, #tpu.memory_space<vmem>>)
    %add3A_475 = arith.constant 1400 : i32
    %add3A_476 = arith.addi %mul3A_4, %add3A_475 : i32
    %dma_start3A_477 = arith.constant 3 : i32
    %dma_start3A_478 = arith.constant 3 : i32
    %dma_start3A_479 = arith.constant 0 : i32
    %dma_start3A_480 = tpu.memref_slice %arg5[%dma_start3A_477, %dma_start3A_479] : memref<4x200xi32, #tpu.memory_space<vmem>> -> memref<1x200xi32, #tpu.memory_space<vmem>>
    %dma_start3A_481 = tpu.memref_squeeze %dma_start3A_480 : memref<1x200xi32, #tpu.memory_space<vmem>> -> memref<200xi32, #tpu.memory_space<vmem>>
    %dma_start3A_482 = tpu.memref_slice %arg2[%add3A_476] : memref<819200xi32, #tpu.memory_space<hbm>> -> memref<200xi32, #tpu.memory_space<hbm>>
    %dma_start3A_483 = tpu.memref_slice %arg7[%dma_start3A_478] : memref<4x!tpu.dma_semaphore, #tpu.memory_space<semaphore_mem>> -> memref<1x!tpu.dma_semaphore, #tpu.memory_space<semaphore_mem>>
    %dma_start3A_484 = tpu.memref_squeeze %dma_start3A_483 : memref<1x!tpu.dma_semaphore, #tpu.memory_space<semaphore_mem>> -> memref<!tpu.dma_semaphore, #tpu.memory_space<semaphore_mem>>
    %dma_start3A_485 = arith.constant 0 : i32
    %dma_start3A_486 = tpu.memref_slice %arg5[%dma_start3A_477, %dma_start3A_485] : memref<4x200xi32, #tpu.memory_space<vmem>> -> memref<1x200xi32, #tpu.memory_space<vmem>>
    %dma_start3A_487 = tpu.memref_squeeze %dma_start3A_486 : memref<1x200xi32, #tpu.memory_space<vmem>> -> memref<200xi32, #tpu.memory_space<vmem>>
    %dma_start3A_488 = tpu.memref_slice %arg2[%add3A_476] : memref<819200xi32, #tpu.memory_space<hbm>> -> memref<200xi32, #tpu.memory_space<hbm>>
    tpu.enqueue_dma source(%dma_start3A_488 : memref<200xi32, #tpu.memory_space<hbm>>) target(%dma_start3A_487 : memref<200xi32, #tpu.memory_space<vmem>>) target_semaphore(%dma_start3A_484 : memref<!tpu.dma_semaphore, #tpu.memory_space<semaphore_mem>>)
    %add3A_489 = arith.constant 3 : i32
    %add3A_490 = arith.addi %mul3A_2, %add3A_489 : i32
    %dma_start3A_491 = arith.constant 3 : i32
    %dma_start3A_492 = arith.constant 3 : i32
    %dma_start3A_493 = arith.constant 0 : i32
    %dma_start3A_494 = arith.constant 0 : i32
    %dma_start3A_495 = tpu.memref_slice %arg6[%dma_start3A_491, %dma_start3A_493, %dma_start3A_494] : memref<4x200x64xf32, #tpu.memory_space<vmem>> -> memref<1x200x64xf32, #tpu.memory_space<vmem>>
    %dma_start3A_496 = tpu.memref_squeeze %dma_start3A_495 : memref<1x200x64xf32, #tpu.memory_space<vmem>> -> memref<200x64xf32, #tpu.memory_space<vmem>>
    %dma_start3A_497 = arith.constant 0 : i32
    %dma_start3A_498 = arith.constant 0 : i32
    %dma_start3A_499 = tpu.memref_slice %arg4[%add3A_490, %dma_start3A_497, %dma_start3A_498] : memref<4096x200x64xf32, #tpu.memory_space<hbm>> -> memref<1x200x64xf32, #tpu.memory_space<hbm>>
    %dma_start3A_500 = tpu.memref_squeeze %dma_start3A_499 : memref<1x200x64xf32, #tpu.memory_space<hbm>> -> memref<200x64xf32, #tpu.memory_space<hbm>>
    %dma_start3A_501 = tpu.memref_slice %arg9[%dma_start3A_492] : memref<4x!tpu.dma_semaphore, #tpu.memory_space<semaphore_mem>> -> memref<1x!tpu.dma_semaphore, #tpu.memory_space<semaphore_mem>>
    %dma_start3A_502 = tpu.memref_squeeze %dma_start3A_501 : memref<1x!tpu.dma_semaphore, #tpu.memory_space<semaphore_mem>> -> memref<!tpu.dma_semaphore, #tpu.memory_space<semaphore_mem>>
    %dma_start3A_503 = arith.constant 0 : i32
    %dma_start3A_504 = arith.constant 0 : i32
    %dma_start3A_505 = tpu.memref_slice %arg4[%add3A_490, %dma_start3A_503, %dma_start3A_504] : memref<4096x200x64xf32, #tpu.memory_space<hbm>> -> memref<1x200x64xf32, #tpu.memory_space<hbm>>
    %dma_start3A_506 = tpu.memref_squeeze %dma_start3A_505 : memref<1x200x64xf32, #tpu.memory_space<hbm>> -> memref<200x64xf32, #tpu.memory_space<hbm>>
    %dma_start3A_507 = arith.constant 0 : i32
    %dma_start3A_508 = arith.constant 0 : i32
    %dma_start3A_509 = tpu.memref_slice %arg6[%dma_start3A_491, %dma_start3A_507, %dma_start3A_508] : memref<4x200x64xf32, #tpu.memory_space<vmem>> -> memref<1x200x64xf32, #tpu.memory_space<vmem>>
    %dma_start3A_510 = tpu.memref_squeeze %dma_start3A_509 : memref<1x200x64xf32, #tpu.memory_space<vmem>> -> memref<200x64xf32, #tpu.memory_space<vmem>>
    tpu.enqueue_dma source(%dma_start3A_510 : memref<200x64xf32, #tpu.memory_space<vmem>>) target(%dma_start3A_506 : memref<200x64xf32, #tpu.memory_space<hbm>>) target_semaphore(%dma_start3A_502 : memref<!tpu.dma_semaphore, #tpu.memory_space<semaphore_mem>>)
    %scan3A = arith.constant 0 : i32
    %scan3A_511 = arith.constant 0 : i32
    %scan3A_512 = arith.constant 30 : i32
    %scan3A_513 = arith.addi %scan3A_511, %scan3A_512 : i32
    %scan3A_514 = arith.constant 1 : i32
    scf.for %scan3A_968 = %scan3A_511 to %scan3A_513 step %scan3A_514  : i32 {
      %mul3A_969 = arith.constant 4 : i32
      %mul3A_970 = arith.muli %scan3A_968, %mul3A_969 : i32
      %add3A_971 = arith.constant 4 : i32
      %add3A_972 = arith.addi %add3A_971, %mul3A_970 : i32
      %add3A_973 = arith.constant 0 : i32
      %add3A_974 = arith.addi %add3A_972, %add3A_973 : i32
      %add3A_975 = arith.constant 1 : i32
      %add3A_976 = arith.addi %add3A_974, %add3A_975 : i32
      %add3A_977 = arith.constant 1 : i32
      %add3A_978 = arith.addi %add3A_974, %add3A_977 : i32
      %jit3A = arith.constant 4 : i32
      %eq3A = arith.constant 0 : i32
      %eq3A_979 = arith.cmpi eq, %jit3A, %eq3A : i32
      %jit3A_980 = arith.constant 1 : i32
      %select_n3A = arith.select %eq3A_979, %jit3A_980, %jit3A : i32
      %rem3A = arith.remsi %add3A_978, %select_n3A : i32
      %ne3A = arith.constant 0 : i32
      %ne3A_981 = arith.cmpi ne, %rem3A, %ne3A : i32
      %lt3A = arith.constant 0 : i32
      %lt3A_982 = arith.cmpi slt, %rem3A, %lt3A : i32
      %lt3A_983 = arith.constant 0 : i32
      %lt3A_984 = arith.cmpi slt, %select_n3A, %lt3A_983 : i32
      %ne3A_985 = arith.xori %lt3A_982, %lt3A_984 : i1
      %and3A = arith.andi %ne3A_985, %ne3A_981 : i1
      %add3A_986 = arith.addi %rem3A, %select_n3A : i32
      %select_n3A_987 = arith.select %and3A, %add3A_986, %rem3A : i32
      %mul3A_988 = arith.constant 200 : i32
      %mul3A_989 = arith.muli %add3A_976, %mul3A_988 : i32
      %add3A_990 = arith.addi %mul3A_4, %mul3A_989 : i32
      %dma_wait3A_991 = arith.constant 0 : i32
      %dma_wait3A_992 = tpu.memref_slice %arg5[%select_n3A_987, %dma_wait3A_991] : memref<4x200xi32, #tpu.memory_space<vmem>> -> memref<1x200xi32, #tpu.memory_space<vmem>>
      %dma_wait3A_993 = tpu.memref_squeeze %dma_wait3A_992 : memref<1x200xi32, #tpu.memory_space<vmem>> -> memref<200xi32, #tpu.memory_space<vmem>>
      %dma_wait3A_994 = tpu.memref_slice %arg2[%add3A_990] : memref<819200xi32, #tpu.memory_space<hbm>> -> memref<200xi32, #tpu.memory_space<hbm>>
      %dma_wait3A_995 = tpu.memref_slice %arg7[%select_n3A_987] : memref<4x!tpu.dma_semaphore, #tpu.memory_space<semaphore_mem>> -> memref<1x!tpu.dma_semaphore, #tpu.memory_space<semaphore_mem>>
      %dma_wait3A_996 = tpu.memref_squeeze %dma_wait3A_995 : memref<1x!tpu.dma_semaphore, #tpu.memory_space<semaphore_mem>> -> memref<!tpu.dma_semaphore, #tpu.memory_space<semaphore_mem>>
      %dma_wait3A_997 = arith.constant 0 : i32
      %dma_wait3A_998 = tpu.memref_slice %arg5[%select_n3A_987, %dma_wait3A_997] : memref<4x200xi32, #tpu.memory_space<vmem>> -> memref<1x200xi32, #tpu.memory_space<vmem>>
      %dma_wait3A_999 = tpu.memref_squeeze %dma_wait3A_998 : memref<1x200xi32, #tpu.memory_space<vmem>> -> memref<200xi32, #tpu.memory_space<vmem>>
      %dma_wait3A_1000 = tpu.memref_slice %arg2[%add3A_990] : memref<819200xi32, #tpu.memory_space<hbm>> -> memref<200xi32, #tpu.memory_space<hbm>>
      tpu.wait_dma2 semaphore(%dma_wait3A_996 : memref<!tpu.dma_semaphore, #tpu.memory_space<semaphore_mem>>) src(%dma_wait3A_1000 : memref<200xi32, #tpu.memory_space<hbm>>) dst(%dma_wait3A_999 : memref<200xi32, #tpu.memory_space<vmem>>)
      %add3A_1001 = arith.constant 1 : i32
      %add3A_1002 = arith.addi %add3A_974, %add3A_1001 : i32
      %sub3A = arith.constant 4 : i32
      %sub3A_1003 = arith.subi %add3A_1002, %sub3A : i32
      %add3A_1004 = arith.constant 1 : i32
      %add3A_1005 = arith.addi %add3A_974, %add3A_1004 : i32
      %jit3A_1006 = arith.constant 4 : i32
      %eq3A_1007 = arith.constant 0 : i32
      %eq3A_1008 = arith.cmpi eq, %jit3A_1006, %eq3A_1007 : i32
      %jit3A_1009 = arith.constant 1 : i32
      %select_n3A_1010 = arith.select %eq3A_1008, %jit3A_1009, %jit3A_1006 : i32
      %rem3A_1011 = arith.remsi %add3A_1005, %select_n3A_1010 : i32
      %ne3A_1012 = arith.constant 0 : i32
      %ne3A_1013 = arith.cmpi ne, %rem3A_1011, %ne3A_1012 : i32
      %lt3A_1014 = arith.constant 0 : i32
      %lt3A_1015 = arith.cmpi slt, %rem3A_1011, %lt3A_1014 : i32
      %lt3A_1016 = arith.constant 0 : i32
      %lt3A_1017 = arith.cmpi slt, %select_n3A_1010, %lt3A_1016 : i32
      %ne3A_1018 = arith.xori %lt3A_1015, %lt3A_1017 : i1
      %and3A_1019 = arith.andi %ne3A_1018, %ne3A_1013 : i1
      %add3A_1020 = arith.addi %rem3A_1011, %select_n3A_1010 : i32
      %select_n3A_1021 = arith.select %and3A_1019, %add3A_1020, %rem3A_1011 : i32
      %add3A_1022 = arith.addi %mul3A_2, %sub3A_1003 : i32
      %dma_wait3A_1023 = arith.constant 0 : i32
      %dma_wait3A_1024 = arith.constant 0 : i32
      %dma_wait3A_1025 = tpu.memref_slice %arg6[%select_n3A_1021, %dma_wait3A_1023, %dma_wait3A_1024] : memref<4x200x64xf32, #tpu.memory_space<vmem>> -> memref<1x200x64xf32, #tpu.memory_space<vmem>>
      %dma_wait3A_1026 = tpu.memref_squeeze %dma_wait3A_1025 : memref<1x200x64xf32, #tpu.memory_space<vmem>> -> memref<200x64xf32, #tpu.memory_space<vmem>>
      %dma_wait3A_1027 = arith.constant 0 : i32
      %dma_wait3A_1028 = arith.constant 0 : i32
      %dma_wait3A_1029 = tpu.memref_slice %arg4[%add3A_1022, %dma_wait3A_1027, %dma_wait3A_1028] : memref<4096x200x64xf32, #tpu.memory_space<hbm>> -> memref<1x200x64xf32, #tpu.memory_space<hbm>>
      %dma_wait3A_1030 = tpu.memref_squeeze %dma_wait3A_1029 : memref<1x200x64xf32, #tpu.memory_space<hbm>> -> memref<200x64xf32, #tpu.memory_space<hbm>>
      %dma_wait3A_1031 = tpu.memref_slice %arg9[%select_n3A_1021] : memref<4x!tpu.dma_semaphore, #tpu.memory_space<semaphore_mem>> -> memref<1x!tpu.dma_semaphore, #tpu.memory_space<semaphore_mem>>
      %dma_wait3A_1032 = tpu.memref_squeeze %dma_wait3A_1031 : memref<1x!tpu.dma_semaphore, #tpu.memory_space<semaphore_mem>> -> memref<!tpu.dma_semaphore, #tpu.memory_space<semaphore_mem>>
      %dma_wait3A_1033 = arith.constant 0 : i32
      %dma_wait3A_1034 = arith.constant 0 : i32
      %dma_wait3A_1035 = tpu.memref_slice %arg4[%add3A_1022, %dma_wait3A_1033, %dma_wait3A_1034] : memref<4096x200x64xf32, #tpu.memory_space<hbm>> -> memref<1x200x64xf32, #tpu.memory_space<hbm>>
      %dma_wait3A_1036 = tpu.memref_squeeze %dma_wait3A_1035 : memref<1x200x64xf32, #tpu.memory_space<hbm>> -> memref<200x64xf32, #tpu.memory_space<hbm>>
      %dma_wait3A_1037 = arith.constant 0 : i32
      %dma_wait3A_1038 = arith.constant 0 : i32
      %dma_wait3A_1039 = tpu.memref_slice %arg6[%select_n3A_1021, %dma_wait3A_1037, %dma_wait3A_1038] : memref<4x200x64xf32, #tpu.memory_space<vmem>> -> memref<1x200x64xf32, #tpu.memory_space<vmem>>
      %dma_wait3A_1040 = tpu.memref_squeeze %dma_wait3A_1039 : memref<1x200x64xf32, #tpu.memory_space<vmem>> -> memref<200x64xf32, #tpu.memory_space<vmem>>
      tpu.wait_dma2 semaphore(%dma_wait3A_1032 : memref<!tpu.dma_semaphore, #tpu.memory_space<semaphore_mem>>) src(%dma_wait3A_1040 : memref<200x64xf32, #tpu.memory_space<vmem>>) dst(%dma_wait3A_1036 : memref<200x64xf32, #tpu.memory_space<hbm>>)
      %add3A_1041 = arith.constant 1 : i32
      %add3A_1042 = arith.addi %add3A_974, %add3A_1041 : i32
      %jit3A_1043 = arith.constant 4 : i32
      %eq3A_1044 = arith.constant 0 : i32
      %eq3A_1045 = arith.cmpi eq, %jit3A_1043, %eq3A_1044 : i32
      %jit3A_1046 = arith.constant 1 : i32
      %select_n3A_1047 = arith.select %eq3A_1045, %jit3A_1046, %jit3A_1043 : i32
      %rem3A_1048 = arith.remsi %add3A_1042, %select_n3A_1047 : i32
      %ne3A_1049 = arith.constant 0 : i32
      %ne3A_1050 = arith.cmpi ne, %rem3A_1048, %ne3A_1049 : i32
      %lt3A_1051 = arith.constant 0 : i32
      %lt3A_1052 = arith.cmpi slt, %rem3A_1048, %lt3A_1051 : i32
      %lt3A_1053 = arith.constant 0 : i32
      %lt3A_1054 = arith.cmpi slt, %select_n3A_1047, %lt3A_1053 : i32
      %ne3A_1055 = arith.xori %lt3A_1052, %lt3A_1054 : i1
      %and3A_1056 = arith.andi %ne3A_1055, %ne3A_1050 : i1
      %add3A_1057 = arith.addi %rem3A_1048, %select_n3A_1047 : i32
      %select_n3A_1058 = arith.select %and3A_1056, %add3A_1057, %rem3A_1048 : i32
      %dma_start3A_1059 = arith.constant 0 : i32
      %dma_start3A_1060 = arith.constant 0 : i32
      %dma_start3A_1061 = tpu.memref_slice %arg6[%select_n3A_1058, %dma_start3A_1059, %dma_start3A_1060] : memref<4x200x64xf32, #tpu.memory_space<vmem>> -> memref<1x128x64xf32, #tpu.memory_space<vmem>>
      %dma_start3A_1062 = tpu.memref_squeeze %dma_start3A_1061 : memref<1x128x64xf32, #tpu.memory_space<vmem>> -> memref<128x64xf32, #tpu.memory_space<vmem>>
      %dma_start3A_1063 = arith.constant 0 : i32
      %dma_start3A_1064 = tpu.memref_slice %arg5[%select_n3A_1058, %dma_start3A_1063] : memref<4x200xi32, #tpu.memory_space<vmem>> -> memref<1x128xi32, #tpu.memory_space<vmem>>
      %dma_start3A_1065 = tpu.memref_squeeze %dma_start3A_1064 : memref<1x128xi32, #tpu.memory_space<vmem>> -> memref<128xi32, #tpu.memory_space<vmem>>
      %dma_start3A_1066 = arith.constant 0 : i32
      %dma_start3A_1067 = arith.constant 0 : i32
      %dma_start3A_1068 = tpu.memref_slice %arg3[%dma_start3A_1066, %dma_start3A_1067] : memref<1000000x64xf32, #tpu.memory_space<hbm>> -> memref<1000000x64xf32, #tpu.memory_space<hbm>>
      tpu.enqueue_indirect_dma source(%dma_start3A_1068 : memref<1000000x64xf32, #tpu.memory_space<hbm>>) target(%dma_start3A_1062 : memref<128x64xf32, #tpu.memory_space<vmem>>) offsets(%dma_start3A_1065 : memref<128xi32, #tpu.memory_space<vmem>>) semaphore(%arg8 : memref<!tpu.dma_semaphore, #tpu.memory_space<semaphore_mem>>)
      %dma_start3A_1069 = arith.constant 128 : i32
      %dma_start3A_1070 = arith.constant 0 : i32
      %dma_start3A_1071 = tpu.memref_slice %arg6[%select_n3A_1058, %dma_start3A_1069, %dma_start3A_1070] : memref<4x200x64xf32, #tpu.memory_space<vmem>> -> memref<1x72x64xf32, #tpu.memory_space<vmem>>
      %dma_start3A_1072 = tpu.memref_squeeze %dma_start3A_1071 : memref<1x72x64xf32, #tpu.memory_space<vmem>> -> memref<72x64xf32, #tpu.memory_space<vmem>>
      %dma_start3A_1073 = arith.constant 128 : i32
      %dma_start3A_1074 = tpu.memref_slice %arg5[%select_n3A_1058, %dma_start3A_1073] : memref<4x200xi32, #tpu.memory_space<vmem>> -> memref<1x72xi32, #tpu.memory_space<vmem>>
      %dma_start3A_1075 = tpu.memref_squeeze %dma_start3A_1074 : memref<1x72xi32, #tpu.memory_space<vmem>> -> memref<72xi32, #tpu.memory_space<vmem>>
      %dma_start3A_1076 = arith.constant 0 : i32
      %dma_start3A_1077 = arith.constant 0 : i32
      %dma_start3A_1078 = tpu.memref_slice %arg3[%dma_start3A_1076, %dma_start3A_1077] : memref<1000000x64xf32, #tpu.memory_space<hbm>> -> memref<1000000x64xf32, #tpu.memory_space<hbm>>
      tpu.enqueue_indirect_dma source(%dma_start3A_1078 : memref<1000000x64xf32, #tpu.memory_space<hbm>>) target(%dma_start3A_1072 : memref<72x64xf32, #tpu.memory_space<vmem>>) offsets(%dma_start3A_1075 : memref<72xi32, #tpu.memory_space<vmem>>) semaphore(%arg8 : memref<!tpu.dma_semaphore, #tpu.memory_space<semaphore_mem>>)
      %jit3A_1079 = arith.constant 4 : i32
      %eq3A_1080 = arith.constant 0 : i32
      %eq3A_1081 = arith.cmpi eq, %jit3A_1079, %eq3A_1080 : i32
      %jit3A_1082 = arith.constant 1 : i32
      %select_n3A_1083 = arith.select %eq3A_1081, %jit3A_1082, %jit3A_1079 : i32
      %rem3A_1084 = arith.remsi %add3A_974, %select_n3A_1083 : i32
      %ne3A_1085 = arith.constant 0 : i32
      %ne3A_1086 = arith.cmpi ne, %rem3A_1084, %ne3A_1085 : i32
      %lt3A_1087 = arith.constant 0 : i32
      %lt3A_1088 = arith.cmpi slt, %rem3A_1084, %lt3A_1087 : i32
      %lt3A_1089 = arith.constant 0 : i32
      %lt3A_1090 = arith.cmpi slt, %select_n3A_1083, %lt3A_1089 : i32
      %ne3A_1091 = arith.xori %lt3A_1088, %lt3A_1090 : i1
      %and3A_1092 = arith.andi %ne3A_1091, %ne3A_1086 : i1
      %add3A_1093 = arith.addi %rem3A_1084, %select_n3A_1083 : i32
      %select_n3A_1094 = arith.select %and3A_1092, %add3A_1093, %rem3A_1084 : i32
      %dma_wait3A_1095 = arith.constant 0 : i32
      %dma_wait3A_1096 = arith.constant 0 : i32
      %dma_wait3A_1097 = tpu.memref_slice %arg6[%select_n3A_1094, %dma_wait3A_1095, %dma_wait3A_1096] : memref<4x200x64xf32, #tpu.memory_space<vmem>> -> memref<1x128x64xf32, #tpu.memory_space<vmem>>
      %dma_wait3A_1098 = tpu.memref_squeeze %dma_wait3A_1097 : memref<1x128x64xf32, #tpu.memory_space<vmem>> -> memref<128x64xf32, #tpu.memory_space<vmem>>
      %dma_wait3A_1099 = arith.constant 0 : i32
      %dma_wait3A_1100 = tpu.memref_slice %arg5[%select_n3A_1094, %dma_wait3A_1099] : memref<4x200xi32, #tpu.memory_space<vmem>> -> memref<1x128xi32, #tpu.memory_space<vmem>>
      %dma_wait3A_1101 = tpu.memref_squeeze %dma_wait3A_1100 : memref<1x128xi32, #tpu.memory_space<vmem>> -> memref<128xi32, #tpu.memory_space<vmem>>
      %dma_wait3A_1102 = arith.constant 0 : i32
      %dma_wait3A_1103 = arith.constant 0 : i32
      %dma_wait3A_1104 = tpu.memref_slice %arg3[%dma_wait3A_1102, %dma_wait3A_1103] : memref<1000000x64xf32, #tpu.memory_space<hbm>> -> memref<1000000x64xf32, #tpu.memory_space<hbm>>
      tpu.wait_indirect_dma semaphore(%arg8 : memref<!tpu.dma_semaphore, #tpu.memory_space<semaphore_mem>>) src(%dma_wait3A_1104 : memref<1000000x64xf32, #tpu.memory_space<hbm>>) dst(%dma_wait3A_1098 : memref<128x64xf32, #tpu.memory_space<vmem>>)
      %dma_wait3A_1105 = arith.constant 128 : i32
      %dma_wait3A_1106 = arith.constant 0 : i32
      %dma_wait3A_1107 = tpu.memref_slice %arg6[%select_n3A_1094, %dma_wait3A_1105, %dma_wait3A_1106] : memref<4x200x64xf32, #tpu.memory_space<vmem>> -> memref<1x72x64xf32, #tpu.memory_space<vmem>>
      %dma_wait3A_1108 = tpu.memref_squeeze %dma_wait3A_1107 : memref<1x72x64xf32, #tpu.memory_space<vmem>> -> memref<72x64xf32, #tpu.memory_space<vmem>>
      %dma_wait3A_1109 = arith.constant 128 : i32
      %dma_wait3A_1110 = tpu.memref_slice %arg5[%select_n3A_1094, %dma_wait3A_1109] : memref<4x200xi32, #tpu.memory_space<vmem>> -> memref<1x72xi32, #tpu.memory_space<vmem>>
      %dma_wait3A_1111 = tpu.memref_squeeze %dma_wait3A_1110 : memref<1x72xi32, #tpu.memory_space<vmem>> -> memref<72xi32, #tpu.memory_space<vmem>>
      %dma_wait3A_1112 = arith.constant 0 : i32
      %dma_wait3A_1113 = arith.constant 0 : i32
      %dma_wait3A_1114 = tpu.memref_slice %arg3[%dma_wait3A_1112, %dma_wait3A_1113] : memref<1000000x64xf32, #tpu.memory_space<hbm>> -> memref<1000000x64xf32, #tpu.memory_space<hbm>>
      tpu.wait_indirect_dma semaphore(%arg8 : memref<!tpu.dma_semaphore, #tpu.memory_space<semaphore_mem>>) src(%dma_wait3A_1114 : memref<1000000x64xf32, #tpu.memory_space<hbm>>) dst(%dma_wait3A_1108 : memref<72x64xf32, #tpu.memory_space<vmem>>)
      %add3A_1115 = arith.constant 4 : i32
      %add3A_1116 = arith.addi %add3A_974, %add3A_1115 : i32
      %jit3A_1117 = arith.constant 4 : i32
      %eq3A_1118 = arith.constant 0 : i32
      %eq3A_1119 = arith.cmpi eq, %jit3A_1117, %eq3A_1118 : i32
      %jit3A_1120 = arith.constant 1 : i32
      %select_n3A_1121 = arith.select %eq3A_1119, %jit3A_1120, %jit3A_1117 : i32
      %rem3A_1122 = arith.remsi %add3A_974, %select_n3A_1121 : i32
      %ne3A_1123 = arith.constant 0 : i32
      %ne3A_1124 = arith.cmpi ne, %rem3A_1122, %ne3A_1123 : i32
      %lt3A_1125 = arith.constant 0 : i32
      %lt3A_1126 = arith.cmpi slt, %rem3A_1122, %lt3A_1125 : i32
      %lt3A_1127 = arith.constant 0 : i32
      %lt3A_1128 = arith.cmpi slt, %select_n3A_1121, %lt3A_1127 : i32
      %ne3A_1129 = arith.xori %lt3A_1126, %lt3A_1128 : i1
      %and3A_1130 = arith.andi %ne3A_1129, %ne3A_1124 : i1
      %add3A_1131 = arith.addi %rem3A_1122, %select_n3A_1121 : i32
      %select_n3A_1132 = arith.select %and3A_1130, %add3A_1131, %rem3A_1122 : i32
      %mul3A_1133 = arith.constant 200 : i32
      %mul3A_1134 = arith.muli %add3A_1116, %mul3A_1133 : i32
      %add3A_1135 = arith.addi %mul3A_4, %mul3A_1134 : i32
      %dma_start3A_1136 = arith.constant 0 : i32
      %dma_start3A_1137 = tpu.memref_slice %arg5[%select_n3A_1132, %dma_start3A_1136] : memref<4x200xi32, #tpu.memory_space<vmem>> -> memref<1x200xi32, #tpu.memory_space<vmem>>
      %dma_start3A_1138 = tpu.memref_squeeze %dma_start3A_1137 : memref<1x200xi32, #tpu.memory_space<vmem>> -> memref<200xi32, #tpu.memory_space<vmem>>
      %dma_start3A_1139 = tpu.memref_slice %arg2[%add3A_1135] : memref<819200xi32, #tpu.memory_space<hbm>> -> memref<200xi32, #tpu.memory_space<hbm>>
      %dma_start3A_1140 = tpu.memref_slice %arg7[%select_n3A_1132] : memref<4x!tpu.dma_semaphore, #tpu.memory_space<semaphore_mem>> -> memref<1x!tpu.dma_semaphore, #tpu.memory_space<semaphore_mem>>
      %dma_start3A_1141 = tpu.memref_squeeze %dma_start3A_1140 : memref<1x!tpu.dma_semaphore, #tpu.memory_space<semaphore_mem>> -> memref<!tpu.dma_semaphore, #tpu.memory_space<semaphore_mem>>
      %dma_start3A_1142 = arith.constant 0 : i32
      %dma_start3A_1143 = tpu.memref_slice %arg5[%select_n3A_1132, %dma_start3A_1142] : memref<4x200xi32, #tpu.memory_space<vmem>> -> memref<1x200xi32, #tpu.memory_space<vmem>>
      %dma_start3A_1144 = tpu.memref_squeeze %dma_start3A_1143 : memref<1x200xi32, #tpu.memory_space<vmem>> -> memref<200xi32, #tpu.memory_space<vmem>>
      %dma_start3A_1145 = tpu.memref_slice %arg2[%add3A_1135] : memref<819200xi32, #tpu.memory_space<hbm>> -> memref<200xi32, #tpu.memory_space<hbm>>
      tpu.enqueue_dma source(%dma_start3A_1145 : memref<200xi32, #tpu.memory_space<hbm>>) target(%dma_start3A_1144 : memref<200xi32, #tpu.memory_space<vmem>>) target_semaphore(%dma_start3A_1141 : memref<!tpu.dma_semaphore, #tpu.memory_space<semaphore_mem>>)
      %jit3A_1146 = arith.constant 4 : i32
      %eq3A_1147 = arith.constant 0 : i32
      %eq3A_1148 = arith.cmpi eq, %jit3A_1146, %eq3A_1147 : i32
      %jit3A_1149 = arith.constant 1 : i32
      %select_n3A_1150 = arith.select %eq3A_1148, %jit3A_1149, %jit3A_1146 : i32
      %rem3A_1151 = arith.remsi %add3A_974, %select_n3A_1150 : i32
      %ne3A_1152 = arith.constant 0 : i32
      %ne3A_1153 = arith.cmpi ne, %rem3A_1151, %ne3A_1152 : i32
      %lt3A_1154 = arith.constant 0 : i32
      %lt3A_1155 = arith.cmpi slt, %rem3A_1151, %lt3A_1154 : i32
      %lt3A_1156 = arith.constant 0 : i32
      %lt3A_1157 = arith.cmpi slt, %select_n3A_1150, %lt3A_1156 : i32
      %ne3A_1158 = arith.xori %lt3A_1155, %lt3A_1157 : i1
      %and3A_1159 = arith.andi %ne3A_1158, %ne3A_1153 : i1
      %add3A_1160 = arith.addi %rem3A_1151, %select_n3A_1150 : i32
      %select_n3A_1161 = arith.select %and3A_1159, %add3A_1160, %rem3A_1151 : i32
      %add3A_1162 = arith.addi %mul3A_2, %add3A_974 : i32
      %dma_start3A_1163 = arith.constant 0 : i32
      %dma_start3A_1164 = arith.constant 0 : i32
      %dma_start3A_1165 = tpu.memref_slice %arg6[%select_n3A_1161, %dma_start3A_1163, %dma_start3A_1164] : memref<4x200x64xf32, #tpu.memory_space<vmem>> -> memref<1x200x64xf32, #tpu.memory_space<vmem>>
      %dma_start3A_1166 = tpu.memref_squeeze %dma_start3A_1165 : memref<1x200x64xf32, #tpu.memory_space<vmem>> -> memref<200x64xf32, #tpu.memory_space<vmem>>
      %dma_start3A_1167 = arith.constant 0 : i32
      %dma_start3A_1168 = arith.constant 0 : i32
      %dma_start3A_1169 = tpu.memref_slice %arg4[%add3A_1162, %dma_start3A_1167, %dma_start3A_1168] : memref<4096x200x64xf32, #tpu.memory_space<hbm>> -> memref<1x200x64xf32, #tpu.memory_space<hbm>>
      %dma_start3A_1170 = tpu.memref_squeeze %dma_start3A_1169 : memref<1x200x64xf32, #tpu.memory_space<hbm>> -> memref<200x64xf32, #tpu.memory_space<hbm>>
      %dma_start3A_1171 = tpu.memref_slice %arg9[%select_n3A_1161] : memref<4x!tpu.dma_semaphore, #tpu.memory_space<semaphore_mem>> -> memref<1x!tpu.dma_semaphore, #tpu.memory_space<semaphore_mem>>
      %dma_start3A_1172 = tpu.memref_squeeze %dma_start3A_1171 : memref<1x!tpu.dma_semaphore, #tpu.memory_space<semaphore_mem>> -> memref<!tpu.dma_semaphore, #tpu.memory_space<semaphore_mem>>
      %dma_start3A_1173 = arith.constant 0 : i32
      %dma_start3A_1174 = arith.constant 0 : i32
      %dma_start3A_1175 = tpu.memref_slice %arg4[%add3A_1162, %dma_start3A_1173, %dma_start3A_1174] : memref<4096x200x64xf32, #tpu.memory_space<hbm>> -> memref<1x200x64xf32, #tpu.memory_space<hbm>>
      %dma_start3A_1176 = tpu.memref_squeeze %dma_start3A_1175 : memref<1x200x64xf32, #tpu.memory_space<hbm>> -> memref<200x64xf32, #tpu.memory_space<hbm>>
      %dma_start3A_1177 = arith.constant 0 : i32
      %dma_start3A_1178 = arith.constant 0 : i32
      %dma_start3A_1179 = tpu.memref_slice %arg6[%select_n3A_1161, %dma_start3A_1177, %dma_start3A_1178] : memref<4x200x64xf32, #tpu.memory_space<vmem>> -> memref<1x200x64xf32, #tpu.memory_space<vmem>>
      %dma_start3A_1180 = tpu.memref_squeeze %dma_start3A_1179 : memref<1x200x64xf32, #tpu.memory_space<vmem>> -> memref<200x64xf32, #tpu.memory_space<vmem>>
      tpu.enqueue_dma source(%dma_start3A_1180 : memref<200x64xf32, #tpu.memory_space<vmem>>) target(%dma_start3A_1176 : memref<200x64xf32, #tpu.memory_space<hbm>>) target_semaphore(%dma_start3A_1172 : memref<!tpu.dma_semaphore, #tpu.memory_space<semaphore_mem>>)
      %add3A_1181 = arith.constant 1 : i32
      %add3A_1182 = arith.addi %add3A_972, %add3A_1181 : i32
      %add3A_1183 = arith.constant 1 : i32
      %add3A_1184 = arith.addi %add3A_1182, %add3A_1183 : i32
      %add3A_1185 = arith.constant 1 : i32
      %add3A_1186 = arith.addi %add3A_1182, %add3A_1185 : i32
      %jit3A_1187 = arith.constant 4 : i32
      %eq3A_1188 = arith.constant 0 : i32
      %eq3A_1189 = arith.cmpi eq, %jit3A_1187, %eq3A_1188 : i32
      %jit3A_1190 = arith.constant 1 : i32
      %select_n3A_1191 = arith.select %eq3A_1189, %jit3A_1190, %jit3A_1187 : i32
      %rem3A_1192 = arith.remsi %add3A_1186, %select_n3A_1191 : i32
      %ne3A_1193 = arith.constant 0 : i32
      %ne3A_1194 = arith.cmpi ne, %rem3A_1192, %ne3A_1193 : i32
      %lt3A_1195 = arith.constant 0 : i32
      %lt3A_1196 = arith.cmpi slt, %rem3A_1192, %lt3A_1195 : i32
      %lt3A_1197 = arith.constant 0 : i32
      %lt3A_1198 = arith.cmpi slt, %select_n3A_1191, %lt3A_1197 : i32
      %ne3A_1199 = arith.xori %lt3A_1196, %lt3A_1198 : i1
      %and3A_1200 = arith.andi %ne3A_1199, %ne3A_1194 : i1
      %add3A_1201 = arith.addi %rem3A_1192, %select_n3A_1191 : i32
      %select_n3A_1202 = arith.select %and3A_1200, %add3A_1201, %rem3A_1192 : i32
      %mul3A_1203 = arith.constant 200 : i32
      %mul3A_1204 = arith.muli %add3A_1184, %mul3A_1203 : i32
      %add3A_1205 = arith.addi %mul3A_4, %mul3A_1204 : i32
      %dma_wait3A_1206 = arith.constant 0 : i32
      %dma_wait3A_1207 = tpu.memref_slice %arg5[%select_n3A_1202, %dma_wait3A_1206] : memref<4x200xi32, #tpu.memory_space<vmem>> -> memref<1x200xi32, #tpu.memory_space<vmem>>
      %dma_wait3A_1208 = tpu.memref_squeeze %dma_wait3A_1207 : memref<1x200xi32, #tpu.memory_space<vmem>> -> memref<200xi32, #tpu.memory_space<vmem>>
      %dma_wait3A_1209 = tpu.memref_slice %arg2[%add3A_1205] : memref<819200xi32, #tpu.memory_space<hbm>> -> memref<200xi32, #tpu.memory_space<hbm>>
      %dma_wait3A_1210 = tpu.memref_slice %arg7[%select_n3A_1202] : memref<4x!tpu.dma_semaphore, #tpu.memory_space<semaphore_mem>> -> memref<1x!tpu.dma_semaphore, #tpu.memory_space<semaphore_mem>>
      %dma_wait3A_1211 = tpu.memref_squeeze %dma_wait3A_1210 : memref<1x!tpu.dma_semaphore, #tpu.memory_space<semaphore_mem>> -> memref<!tpu.dma_semaphore, #tpu.memory_space<semaphore_mem>>
      %dma_wait3A_1212 = arith.constant 0 : i32
      %dma_wait3A_1213 = tpu.memref_slice %arg5[%select_n3A_1202, %dma_wait3A_1212] : memref<4x200xi32, #tpu.memory_space<vmem>> -> memref<1x200xi32, #tpu.memory_space<vmem>>
      %dma_wait3A_1214 = tpu.memref_squeeze %dma_wait3A_1213 : memref<1x200xi32, #tpu.memory_space<vmem>> -> memref<200xi32, #tpu.memory_space<vmem>>
      %dma_wait3A_1215 = tpu.memref_slice %arg2[%add3A_1205] : memref<819200xi32, #tpu.memory_space<hbm>> -> memref<200xi32, #tpu.memory_space<hbm>>
      tpu.wait_dma2 semaphore(%dma_wait3A_1211 : memref<!tpu.dma_semaphore, #tpu.memory_space<semaphore_mem>>) src(%dma_wait3A_1215 : memref<200xi32, #tpu.memory_space<hbm>>) dst(%dma_wait3A_1214 : memref<200xi32, #tpu.memory_space<vmem>>)
      %add3A_1216 = arith.constant 1 : i32
      %add3A_1217 = arith.addi %add3A_1182, %add3A_1216 : i32
      %sub3A_1218 = arith.constant 4 : i32
      %sub3A_1219 = arith.subi %add3A_1217, %sub3A_1218 : i32
      %add3A_1220 = arith.constant 1 : i32
      %add3A_1221 = arith.addi %add3A_1182, %add3A_1220 : i32
      %jit3A_1222 = arith.constant 4 : i32
      %eq3A_1223 = arith.constant 0 : i32
      %eq3A_1224 = arith.cmpi eq, %jit3A_1222, %eq3A_1223 : i32
      %jit3A_1225 = arith.constant 1 : i32
      %select_n3A_1226 = arith.select %eq3A_1224, %jit3A_1225, %jit3A_1222 : i32
      %rem3A_1227 = arith.remsi %add3A_1221, %select_n3A_1226 : i32
      %ne3A_1228 = arith.constant 0 : i32
      %ne3A_1229 = arith.cmpi ne, %rem3A_1227, %ne3A_1228 : i32
      %lt3A_1230 = arith.constant 0 : i32
      %lt3A_1231 = arith.cmpi slt, %rem3A_1227, %lt3A_1230 : i32
      %lt3A_1232 = arith.constant 0 : i32
      %lt3A_1233 = arith.cmpi slt, %select_n3A_1226, %lt3A_1232 : i32
      %ne3A_1234 = arith.xori %lt3A_1231, %lt3A_1233 : i1
      %and3A_1235 = arith.andi %ne3A_1234, %ne3A_1229 : i1
      %add3A_1236 = arith.addi %rem3A_1227, %select_n3A_1226 : i32
      %select_n3A_1237 = arith.select %and3A_1235, %add3A_1236, %rem3A_1227 : i32
      %add3A_1238 = arith.addi %mul3A_2, %sub3A_1219 : i32
      %dma_wait3A_1239 = arith.constant 0 : i32
      %dma_wait3A_1240 = arith.constant 0 : i32
      %dma_wait3A_1241 = tpu.memref_slice %arg6[%select_n3A_1237, %dma_wait3A_1239, %dma_wait3A_1240] : memref<4x200x64xf32, #tpu.memory_space<vmem>> -> memref<1x200x64xf32, #tpu.memory_space<vmem>>
      %dma_wait3A_1242 = tpu.memref_squeeze %dma_wait3A_1241 : memref<1x200x64xf32, #tpu.memory_space<vmem>> -> memref<200x64xf32, #tpu.memory_space<vmem>>
      %dma_wait3A_1243 = arith.constant 0 : i32
      %dma_wait3A_1244 = arith.constant 0 : i32
      %dma_wait3A_1245 = tpu.memref_slice %arg4[%add3A_1238, %dma_wait3A_1243, %dma_wait3A_1244] : memref<4096x200x64xf32, #tpu.memory_space<hbm>> -> memref<1x200x64xf32, #tpu.memory_space<hbm>>
      %dma_wait3A_1246 = tpu.memref_squeeze %dma_wait3A_1245 : memref<1x200x64xf32, #tpu.memory_space<hbm>> -> memref<200x64xf32, #tpu.memory_space<hbm>>
      %dma_wait3A_1247 = tpu.memref_slice %arg9[%select_n3A_1237] : memref<4x!tpu.dma_semaphore, #tpu.memory_space<semaphore_mem>> -> memref<1x!tpu.dma_semaphore, #tpu.memory_space<semaphore_mem>>
      %dma_wait3A_1248 = tpu.memref_squeeze %dma_wait3A_1247 : memref<1x!tpu.dma_semaphore, #tpu.memory_space<semaphore_mem>> -> memref<!tpu.dma_semaphore, #tpu.memory_space<semaphore_mem>>
      %dma_wait3A_1249 = arith.constant 0 : i32
      %dma_wait3A_1250 = arith.constant 0 : i32
      %dma_wait3A_1251 = tpu.memref_slice %arg4[%add3A_1238, %dma_wait3A_1249, %dma_wait3A_1250] : memref<4096x200x64xf32, #tpu.memory_space<hbm>> -> memref<1x200x64xf32, #tpu.memory_space<hbm>>
      %dma_wait3A_1252 = tpu.memref_squeeze %dma_wait3A_1251 : memref<1x200x64xf32, #tpu.memory_space<hbm>> -> memref<200x64xf32, #tpu.memory_space<hbm>>
      %dma_wait3A_1253 = arith.constant 0 : i32
      %dma_wait3A_1254 = arith.constant 0 : i32
      %dma_wait3A_1255 = tpu.memref_slice %arg6[%select_n3A_1237, %dma_wait3A_1253, %dma_wait3A_1254] : memref<4x200x64xf32, #tpu.memory_space<vmem>> -> memref<1x200x64xf32, #tpu.memory_space<vmem>>
      %dma_wait3A_1256 = tpu.memref_squeeze %dma_wait3A_1255 : memref<1x200x64xf32, #tpu.memory_space<vmem>> -> memref<200x64xf32, #tpu.memory_space<vmem>>
      tpu.wait_dma2 semaphore(%dma_wait3A_1248 : memref<!tpu.dma_semaphore, #tpu.memory_space<semaphore_mem>>) src(%dma_wait3A_1256 : memref<200x64xf32, #tpu.memory_space<vmem>>) dst(%dma_wait3A_1252 : memref<200x64xf32, #tpu.memory_space<hbm>>)
      %add3A_1257 = arith.constant 1 : i32
      %add3A_1258 = arith.addi %add3A_1182, %add3A_1257 : i32
      %jit3A_1259 = arith.constant 4 : i32
      %eq3A_1260 = arith.constant 0 : i32
      %eq3A_1261 = arith.cmpi eq, %jit3A_1259, %eq3A_1260 : i32
      %jit3A_1262 = arith.constant 1 : i32
      %select_n3A_1263 = arith.select %eq3A_1261, %jit3A_1262, %jit3A_1259 : i32
      %rem3A_1264 = arith.remsi %add3A_1258, %select_n3A_1263 : i32
      %ne3A_1265 = arith.constant 0 : i32
      %ne3A_1266 = arith.cmpi ne, %rem3A_1264, %ne3A_1265 : i32
      %lt3A_1267 = arith.constant 0 : i32
      %lt3A_1268 = arith.cmpi slt, %rem3A_1264, %lt3A_1267 : i32
      %lt3A_1269 = arith.constant 0 : i32
      %lt3A_1270 = arith.cmpi slt, %select_n3A_1263, %lt3A_1269 : i32
      %ne3A_1271 = arith.xori %lt3A_1268, %lt3A_1270 : i1
      %and3A_1272 = arith.andi %ne3A_1271, %ne3A_1266 : i1
      %add3A_1273 = arith.addi %rem3A_1264, %select_n3A_1263 : i32
      %select_n3A_1274 = arith.select %and3A_1272, %add3A_1273, %rem3A_1264 : i32
      %dma_start3A_1275 = arith.constant 0 : i32
      %dma_start3A_1276 = arith.constant 0 : i32
      %dma_start3A_1277 = tpu.memref_slice %arg6[%select_n3A_1274, %dma_start3A_1275, %dma_start3A_1276] : memref<4x200x64xf32, #tpu.memory_space<vmem>> -> memref<1x128x64xf32, #tpu.memory_space<vmem>>
      %dma_start3A_1278 = tpu.memref_squeeze %dma_start3A_1277 : memref<1x128x64xf32, #tpu.memory_space<vmem>> -> memref<128x64xf32, #tpu.memory_space<vmem>>
      %dma_start3A_1279 = arith.constant 0 : i32
      %dma_start3A_1280 = tpu.memref_slice %arg5[%select_n3A_1274, %dma_start3A_1279] : memref<4x200xi32, #tpu.memory_space<vmem>> -> memref<1x128xi32, #tpu.memory_space<vmem>>
      %dma_start3A_1281 = tpu.memref_squeeze %dma_start3A_1280 : memref<1x128xi32, #tpu.memory_space<vmem>> -> memref<128xi32, #tpu.memory_space<vmem>>
      %dma_start3A_1282 = arith.constant 0 : i32
      %dma_start3A_1283 = arith.constant 0 : i32
      %dma_start3A_1284 = tpu.memref_slice %arg3[%dma_start3A_1282, %dma_start3A_1283] : memref<1000000x64xf32, #tpu.memory_space<hbm>> -> memref<1000000x64xf32, #tpu.memory_space<hbm>>
      tpu.enqueue_indirect_dma source(%dma_start3A_1284 : memref<1000000x64xf32, #tpu.memory_space<hbm>>) target(%dma_start3A_1278 : memref<128x64xf32, #tpu.memory_space<vmem>>) offsets(%dma_start3A_1281 : memref<128xi32, #tpu.memory_space<vmem>>) semaphore(%arg8 : memref<!tpu.dma_semaphore, #tpu.memory_space<semaphore_mem>>)
      %dma_start3A_1285 = arith.constant 128 : i32
      %dma_start3A_1286 = arith.constant 0 : i32
      %dma_start3A_1287 = tpu.memref_slice %arg6[%select_n3A_1274, %dma_start3A_1285, %dma_start3A_1286] : memref<4x200x64xf32, #tpu.memory_space<vmem>> -> memref<1x72x64xf32, #tpu.memory_space<vmem>>
      %dma_start3A_1288 = tpu.memref_squeeze %dma_start3A_1287 : memref<1x72x64xf32, #tpu.memory_space<vmem>> -> memref<72x64xf32, #tpu.memory_space<vmem>>
      %dma_start3A_1289 = arith.constant 128 : i32
      %dma_start3A_1290 = tpu.memref_slice %arg5[%select_n3A_1274, %dma_start3A_1289] : memref<4x200xi32, #tpu.memory_space<vmem>> -> memref<1x72xi32, #tpu.memory_space<vmem>>
      %dma_start3A_1291 = tpu.memref_squeeze %dma_start3A_1290 : memref<1x72xi32, #tpu.memory_space<vmem>> -> memref<72xi32, #tpu.memory_space<vmem>>
      %dma_start3A_1292 = arith.constant 0 : i32
      %dma_start3A_1293 = arith.constant 0 : i32
      %dma_start3A_1294 = tpu.memref_slice %arg3[%dma_start3A_1292, %dma_start3A_1293] : memref<1000000x64xf32, #tpu.memory_space<hbm>> -> memref<1000000x64xf32, #tpu.memory_space<hbm>>
      tpu.enqueue_indirect_dma source(%dma_start3A_1294 : memref<1000000x64xf32, #tpu.memory_space<hbm>>) target(%dma_start3A_1288 : memref<72x64xf32, #tpu.memory_space<vmem>>) offsets(%dma_start3A_1291 : memref<72xi32, #tpu.memory_space<vmem>>) semaphore(%arg8 : memref<!tpu.dma_semaphore, #tpu.memory_space<semaphore_mem>>)
      %jit3A_1295 = arith.constant 4 : i32
      %eq3A_1296 = arith.constant 0 : i32
      %eq3A_1297 = arith.cmpi eq, %jit3A_1295, %eq3A_1296 : i32
      %jit3A_1298 = arith.constant 1 : i32
      %select_n3A_1299 = arith.select %eq3A_1297, %jit3A_1298, %jit3A_1295 : i32
      %rem3A_1300 = arith.remsi %add3A_1182, %select_n3A_1299 : i32
      %ne3A_1301 = arith.constant 0 : i32
      %ne3A_1302 = arith.cmpi ne, %rem3A_1300, %ne3A_1301 : i32
      %lt3A_1303 = arith.constant 0 : i32
      %lt3A_1304 = arith.cmpi slt, %rem3A_1300, %lt3A_1303 : i32
      %lt3A_1305 = arith.constant 0 : i32
      %lt3A_1306 = arith.cmpi slt, %select_n3A_1299, %lt3A_1305 : i32
      %ne3A_1307 = arith.xori %lt3A_1304, %lt3A_1306 : i1
      %and3A_1308 = arith.andi %ne3A_1307, %ne3A_1302 : i1
      %add3A_1309 = arith.addi %rem3A_1300, %select_n3A_1299 : i32
      %select_n3A_1310 = arith.select %and3A_1308, %add3A_1309, %rem3A_1300 : i32
      %dma_wait3A_1311 = arith.constant 0 : i32
      %dma_wait3A_1312 = arith.constant 0 : i32
      %dma_wait3A_1313 = tpu.memref_slice %arg6[%select_n3A_1310, %dma_wait3A_1311, %dma_wait3A_1312] : memref<4x200x64xf32, #tpu.memory_space<vmem>> -> memref<1x128x64xf32, #tpu.memory_space<vmem>>
      %dma_wait3A_1314 = tpu.memref_squeeze %dma_wait3A_1313 : memref<1x128x64xf32, #tpu.memory_space<vmem>> -> memref<128x64xf32, #tpu.memory_space<vmem>>
      %dma_wait3A_1315 = arith.constant 0 : i32
      %dma_wait3A_1316 = tpu.memref_slice %arg5[%select_n3A_1310, %dma_wait3A_1315] : memref<4x200xi32, #tpu.memory_space<vmem>> -> memref<1x128xi32, #tpu.memory_space<vmem>>
      %dma_wait3A_1317 = tpu.memref_squeeze %dma_wait3A_1316 : memref<1x128xi32, #tpu.memory_space<vmem>> -> memref<128xi32, #tpu.memory_space<vmem>>
      %dma_wait3A_1318 = arith.constant 0 : i32
      %dma_wait3A_1319 = arith.constant 0 : i32
      %dma_wait3A_1320 = tpu.memref_slice %arg3[%dma_wait3A_1318, %dma_wait3A_1319] : memref<1000000x64xf32, #tpu.memory_space<hbm>> -> memref<1000000x64xf32, #tpu.memory_space<hbm>>
      tpu.wait_indirect_dma semaphore(%arg8 : memref<!tpu.dma_semaphore, #tpu.memory_space<semaphore_mem>>) src(%dma_wait3A_1320 : memref<1000000x64xf32, #tpu.memory_space<hbm>>) dst(%dma_wait3A_1314 : memref<128x64xf32, #tpu.memory_space<vmem>>)
      %dma_wait3A_1321 = arith.constant 128 : i32
      %dma_wait3A_1322 = arith.constant 0 : i32
      %dma_wait3A_1323 = tpu.memref_slice %arg6[%select_n3A_1310, %dma_wait3A_1321, %dma_wait3A_1322] : memref<4x200x64xf32, #tpu.memory_space<vmem>> -> memref<1x72x64xf32, #tpu.memory_space<vmem>>
      %dma_wait3A_1324 = tpu.memref_squeeze %dma_wait3A_1323 : memref<1x72x64xf32, #tpu.memory_space<vmem>> -> memref<72x64xf32, #tpu.memory_space<vmem>>
      %dma_wait3A_1325 = arith.constant 128 : i32
      %dma_wait3A_1326 = tpu.memref_slice %arg5[%select_n3A_1310, %dma_wait3A_1325] : memref<4x200xi32, #tpu.memory_space<vmem>> -> memref<1x72xi32, #tpu.memory_space<vmem>>
      %dma_wait3A_1327 = tpu.memref_squeeze %dma_wait3A_1326 : memref<1x72xi32, #tpu.memory_space<vmem>> -> memref<72xi32, #tpu.memory_space<vmem>>
      %dma_wait3A_1328 = arith.constant 0 : i32
      %dma_wait3A_1329 = arith.constant 0 : i32
      %dma_wait3A_1330 = tpu.memref_slice %arg3[%dma_wait3A_1328, %dma_wait3A_1329] : memref<1000000x64xf32, #tpu.memory_space<hbm>> -> memref<1000000x64xf32, #tpu.memory_space<hbm>>
      tpu.wait_indirect_dma semaphore(%arg8 : memref<!tpu.dma_semaphore, #tpu.memory_space<semaphore_mem>>) src(%dma_wait3A_1330 : memref<1000000x64xf32, #tpu.memory_space<hbm>>) dst(%dma_wait3A_1324 : memref<72x64xf32, #tpu.memory_space<vmem>>)
      %add3A_1331 = arith.constant 4 : i32
      %add3A_1332 = arith.addi %add3A_1182, %add3A_1331 : i32
      %jit3A_1333 = arith.constant 4 : i32
      %eq3A_1334 = arith.constant 0 : i32
      %eq3A_1335 = arith.cmpi eq, %jit3A_1333, %eq3A_1334 : i32
      %jit3A_1336 = arith.constant 1 : i32
      %select_n3A_1337 = arith.select %eq3A_1335, %jit3A_1336, %jit3A_1333 : i32
      %rem3A_1338 = arith.remsi %add3A_1182, %select_n3A_1337 : i32
      %ne3A_1339 = arith.constant 0 : i32
      %ne3A_1340 = arith.cmpi ne, %rem3A_1338, %ne3A_1339 : i32
      %lt3A_1341 = arith.constant 0 : i32
      %lt3A_1342 = arith.cmpi slt, %rem3A_1338, %lt3A_1341 : i32
      %lt3A_1343 = arith.constant 0 : i32
      %lt3A_1344 = arith.cmpi slt, %select_n3A_1337, %lt3A_1343 : i32
      %ne3A_1345 = arith.xori %lt3A_1342, %lt3A_1344 : i1
      %and3A_1346 = arith.andi %ne3A_1345, %ne3A_1340 : i1
      %add3A_1347 = arith.addi %rem3A_1338, %select_n3A_1337 : i32
      %select_n3A_1348 = arith.select %and3A_1346, %add3A_1347, %rem3A_1338 : i32
      %mul3A_1349 = arith.constant 200 : i32
      %mul3A_1350 = arith.muli %add3A_1332, %mul3A_1349 : i32
      %add3A_1351 = arith.addi %mul3A_4, %mul3A_1350 : i32
      %dma_start3A_1352 = arith.constant 0 : i32
      %dma_start3A_1353 = tpu.memref_slice %arg5[%select_n3A_1348, %dma_start3A_1352] : memref<4x200xi32, #tpu.memory_space<vmem>> -> memref<1x200xi32, #tpu.memory_space<vmem>>
      %dma_start3A_1354 = tpu.memref_squeeze %dma_start3A_1353 : memref<1x200xi32, #tpu.memory_space<vmem>> -> memref<200xi32, #tpu.memory_space<vmem>>
      %dma_start3A_1355 = tpu.memref_slice %arg2[%add3A_1351] : memref<819200xi32, #tpu.memory_space<hbm>> -> memref<200xi32, #tpu.memory_space<hbm>>
      %dma_start3A_1356 = tpu.memref_slice %arg7[%select_n3A_1348] : memref<4x!tpu.dma_semaphore, #tpu.memory_space<semaphore_mem>> -> memref<1x!tpu.dma_semaphore, #tpu.memory_space<semaphore_mem>>
      %dma_start3A_1357 = tpu.memref_squeeze %dma_start3A_1356 : memref<1x!tpu.dma_semaphore, #tpu.memory_space<semaphore_mem>> -> memref<!tpu.dma_semaphore, #tpu.memory_space<semaphore_mem>>
      %dma_start3A_1358 = arith.constant 0 : i32
      %dma_start3A_1359 = tpu.memref_slice %arg5[%select_n3A_1348, %dma_start3A_1358] : memref<4x200xi32, #tpu.memory_space<vmem>> -> memref<1x200xi32, #tpu.memory_space<vmem>>
      %dma_start3A_1360 = tpu.memref_squeeze %dma_start3A_1359 : memref<1x200xi32, #tpu.memory_space<vmem>> -> memref<200xi32, #tpu.memory_space<vmem>>
      %dma_start3A_1361 = tpu.memref_slice %arg2[%add3A_1351] : memref<819200xi32, #tpu.memory_space<hbm>> -> memref<200xi32, #tpu.memory_space<hbm>>
      tpu.enqueue_dma source(%dma_start3A_1361 : memref<200xi32, #tpu.memory_space<hbm>>) target(%dma_start3A_1360 : memref<200xi32, #tpu.memory_space<vmem>>) target_semaphore(%dma_start3A_1357 : memref<!tpu.dma_semaphore, #tpu.memory_space<semaphore_mem>>)
      %jit3A_1362 = arith.constant 4 : i32
      %eq3A_1363 = arith.constant 0 : i32
      %eq3A_1364 = arith.cmpi eq, %jit3A_1362, %eq3A_1363 : i32
      %jit3A_1365 = arith.constant 1 : i32
      %select_n3A_1366 = arith.select %eq3A_1364, %jit3A_1365, %jit3A_1362 : i32
      %rem3A_1367 = arith.remsi %add3A_1182, %select_n3A_1366 : i32
      %ne3A_1368 = arith.constant 0 : i32
      %ne3A_1369 = arith.cmpi ne, %rem3A_1367, %ne3A_1368 : i32
      %lt3A_1370 = arith.constant 0 : i32
      %lt3A_1371 = arith.cmpi slt, %rem3A_1367, %lt3A_1370 : i32
      %lt3A_1372 = arith.constant 0 : i32
      %lt3A_1373 = arith.cmpi slt, %select_n3A_1366, %lt3A_1372 : i32
      %ne3A_1374 = arith.xori %lt3A_1371, %lt3A_1373 : i1
      %and3A_1375 = arith.andi %ne3A_1374, %ne3A_1369 : i1
      %add3A_1376 = arith.addi %rem3A_1367, %select_n3A_1366 : i32
      %select_n3A_1377 = arith.select %and3A_1375, %add3A_1376, %rem3A_1367 : i32
      %add3A_1378 = arith.addi %mul3A_2, %add3A_1182 : i32
      %dma_start3A_1379 = arith.constant 0 : i32
      %dma_start3A_1380 = arith.constant 0 : i32
      %dma_start3A_1381 = tpu.memref_slice %arg6[%select_n3A_1377, %dma_start3A_1379, %dma_start3A_1380] : memref<4x200x64xf32, #tpu.memory_space<vmem>> -> memref<1x200x64xf32, #tpu.memory_space<vmem>>
      %dma_start3A_1382 = tpu.memref_squeeze %dma_start3A_1381 : memref<1x200x64xf32, #tpu.memory_space<vmem>> -> memref<200x64xf32, #tpu.memory_space<vmem>>
      %dma_start3A_1383 = arith.constant 0 : i32
      %dma_start3A_1384 = arith.constant 0 : i32
      %dma_start3A_1385 = tpu.memref_slice %arg4[%add3A_1378, %dma_start3A_1383, %dma_start3A_1384] : memref<4096x200x64xf32, #tpu.memory_space<hbm>> -> memref<1x200x64xf32, #tpu.memory_space<hbm>>
      %dma_start3A_1386 = tpu.memref_squeeze %dma_start3A_1385 : memref<1x200x64xf32, #tpu.memory_space<hbm>> -> memref<200x64xf32, #tpu.memory_space<hbm>>
      %dma_start3A_1387 = tpu.memref_slice %arg9[%select_n3A_1377] : memref<4x!tpu.dma_semaphore, #tpu.memory_space<semaphore_mem>> -> memref<1x!tpu.dma_semaphore, #tpu.memory_space<semaphore_mem>>
      %dma_start3A_1388 = tpu.memref_squeeze %dma_start3A_1387 : memref<1x!tpu.dma_semaphore, #tpu.memory_space<semaphore_mem>> -> memref<!tpu.dma_semaphore, #tpu.memory_space<semaphore_mem>>
      %dma_start3A_1389 = arith.constant 0 : i32
      %dma_start3A_1390 = arith.constant 0 : i32
      %dma_start3A_1391 = tpu.memref_slice %arg4[%add3A_1378, %dma_start3A_1389, %dma_start3A_1390] : memref<4096x200x64xf32, #tpu.memory_space<hbm>> -> memref<1x200x64xf32, #tpu.memory_space<hbm>>
      %dma_start3A_1392 = tpu.memref_squeeze %dma_start3A_1391 : memref<1x200x64xf32, #tpu.memory_space<hbm>> -> memref<200x64xf32, #tpu.memory_space<hbm>>
      %dma_start3A_1393 = arith.constant 0 : i32
      %dma_start3A_1394 = arith.constant 0 : i32
      %dma_start3A_1395 = tpu.memref_slice %arg6[%select_n3A_1377, %dma_start3A_1393, %dma_start3A_1394] : memref<4x200x64xf32, #tpu.memory_space<vmem>> -> memref<1x200x64xf32, #tpu.memory_space<vmem>>
      %dma_start3A_1396 = tpu.memref_squeeze %dma_start3A_1395 : memref<1x200x64xf32, #tpu.memory_space<vmem>> -> memref<200x64xf32, #tpu.memory_space<vmem>>
      tpu.enqueue_dma source(%dma_start3A_1396 : memref<200x64xf32, #tpu.memory_space<vmem>>) target(%dma_start3A_1392 : memref<200x64xf32, #tpu.memory_space<hbm>>) target_semaphore(%dma_start3A_1388 : memref<!tpu.dma_semaphore, #tpu.memory_space<semaphore_mem>>)
      %add3A_1397 = arith.constant 2 : i32
      %add3A_1398 = arith.addi %add3A_972, %add3A_1397 : i32
      %add3A_1399 = arith.constant 1 : i32
      %add3A_1400 = arith.addi %add3A_1398, %add3A_1399 : i32
      %add3A_1401 = arith.constant 1 : i32
      %add3A_1402 = arith.addi %add3A_1398, %add3A_1401 : i32
      %jit3A_1403 = arith.constant 4 : i32
      %eq3A_1404 = arith.constant 0 : i32
      %eq3A_1405 = arith.cmpi eq, %jit3A_1403, %eq3A_1404 : i32
      %jit3A_1406 = arith.constant 1 : i32
      %select_n3A_1407 = arith.select %eq3A_1405, %jit3A_1406, %jit3A_1403 : i32
      %rem3A_1408 = arith.remsi %add3A_1402, %select_n3A_1407 : i32
      %ne3A_1409 = arith.constant 0 : i32
      %ne3A_1410 = arith.cmpi ne, %rem3A_1408, %ne3A_1409 : i32
      %lt3A_1411 = arith.constant 0 : i32
      %lt3A_1412 = arith.cmpi slt, %rem3A_1408, %lt3A_1411 : i32
      %lt3A_1413 = arith.constant 0 : i32
      %lt3A_1414 = arith.cmpi slt, %select_n3A_1407, %lt3A_1413 : i32
      %ne3A_1415 = arith.xori %lt3A_1412, %lt3A_1414 : i1
      %and3A_1416 = arith.andi %ne3A_1415, %ne3A_1410 : i1
      %add3A_1417 = arith.addi %rem3A_1408, %select_n3A_1407 : i32
      %select_n3A_1418 = arith.select %and3A_1416, %add3A_1417, %rem3A_1408 : i32
      %mul3A_1419 = arith.constant 200 : i32
      %mul3A_1420 = arith.muli %add3A_1400, %mul3A_1419 : i32
      %add3A_1421 = arith.addi %mul3A_4, %mul3A_1420 : i32
      %dma_wait3A_1422 = arith.constant 0 : i32
      %dma_wait3A_1423 = tpu.memref_slice %arg5[%select_n3A_1418, %dma_wait3A_1422] : memref<4x200xi32, #tpu.memory_space<vmem>> -> memref<1x200xi32, #tpu.memory_space<vmem>>
      %dma_wait3A_1424 = tpu.memref_squeeze %dma_wait3A_1423 : memref<1x200xi32, #tpu.memory_space<vmem>> -> memref<200xi32, #tpu.memory_space<vmem>>
      %dma_wait3A_1425 = tpu.memref_slice %arg2[%add3A_1421] : memref<819200xi32, #tpu.memory_space<hbm>> -> memref<200xi32, #tpu.memory_space<hbm>>
      %dma_wait3A_1426 = tpu.memref_slice %arg7[%select_n3A_1418] : memref<4x!tpu.dma_semaphore, #tpu.memory_space<semaphore_mem>> -> memref<1x!tpu.dma_semaphore, #tpu.memory_space<semaphore_mem>>
      %dma_wait3A_1427 = tpu.memref_squeeze %dma_wait3A_1426 : memref<1x!tpu.dma_semaphore, #tpu.memory_space<semaphore_mem>> -> memref<!tpu.dma_semaphore, #tpu.memory_space<semaphore_mem>>
      %dma_wait3A_1428 = arith.constant 0 : i32
      %dma_wait3A_1429 = tpu.memref_slice %arg5[%select_n3A_1418, %dma_wait3A_1428] : memref<4x200xi32, #tpu.memory_space<vmem>> -> memref<1x200xi32, #tpu.memory_space<vmem>>
      %dma_wait3A_1430 = tpu.memref_squeeze %dma_wait3A_1429 : memref<1x200xi32, #tpu.memory_space<vmem>> -> memref<200xi32, #tpu.memory_space<vmem>>
      %dma_wait3A_1431 = tpu.memref_slice %arg2[%add3A_1421] : memref<819200xi32, #tpu.memory_space<hbm>> -> memref<200xi32, #tpu.memory_space<hbm>>
      tpu.wait_dma2 semaphore(%dma_wait3A_1427 : memref<!tpu.dma_semaphore, #tpu.memory_space<semaphore_mem>>) src(%dma_wait3A_1431 : memref<200xi32, #tpu.memory_space<hbm>>) dst(%dma_wait3A_1430 : memref<200xi32, #tpu.memory_space<vmem>>)
      %add3A_1432 = arith.constant 1 : i32
      %add3A_1433 = arith.addi %add3A_1398, %add3A_1432 : i32
      %sub3A_1434 = arith.constant 4 : i32
      %sub3A_1435 = arith.subi %add3A_1433, %sub3A_1434 : i32
      %add3A_1436 = arith.constant 1 : i32
      %add3A_1437 = arith.addi %add3A_1398, %add3A_1436 : i32
      %jit3A_1438 = arith.constant 4 : i32
      %eq3A_1439 = arith.constant 0 : i32
      %eq3A_1440 = arith.cmpi eq, %jit3A_1438, %eq3A_1439 : i32
      %jit3A_1441 = arith.constant 1 : i32
      %select_n3A_1442 = arith.select %eq3A_1440, %jit3A_1441, %jit3A_1438 : i32
      %rem3A_1443 = arith.remsi %add3A_1437, %select_n3A_1442 : i32
      %ne3A_1444 = arith.constant 0 : i32
      %ne3A_1445 = arith.cmpi ne, %rem3A_1443, %ne3A_1444 : i32
      %lt3A_1446 = arith.constant 0 : i32
      %lt3A_1447 = arith.cmpi slt, %rem3A_1443, %lt3A_1446 : i32
      %lt3A_1448 = arith.constant 0 : i32
      %lt3A_1449 = arith.cmpi slt, %select_n3A_1442, %lt3A_1448 : i32
      %ne3A_1450 = arith.xori %lt3A_1447, %lt3A_1449 : i1
      %and3A_1451 = arith.andi %ne3A_1450, %ne3A_1445 : i1
      %add3A_1452 = arith.addi %rem3A_1443, %select_n3A_1442 : i32
      %select_n3A_1453 = arith.select %and3A_1451, %add3A_1452, %rem3A_1443 : i32
      %add3A_1454 = arith.addi %mul3A_2, %sub3A_1435 : i32
      %dma_wait3A_1455 = arith.constant 0 : i32
      %dma_wait3A_1456 = arith.constant 0 : i32
      %dma_wait3A_1457 = tpu.memref_slice %arg6[%select_n3A_1453, %dma_wait3A_1455, %dma_wait3A_1456] : memref<4x200x64xf32, #tpu.memory_space<vmem>> -> memref<1x200x64xf32, #tpu.memory_space<vmem>>
      %dma_wait3A_1458 = tpu.memref_squeeze %dma_wait3A_1457 : memref<1x200x64xf32, #tpu.memory_space<vmem>> -> memref<200x64xf32, #tpu.memory_space<vmem>>
      %dma_wait3A_1459 = arith.constant 0 : i32
      %dma_wait3A_1460 = arith.constant 0 : i32
      %dma_wait3A_1461 = tpu.memref_slice %arg4[%add3A_1454, %dma_wait3A_1459, %dma_wait3A_1460] : memref<4096x200x64xf32, #tpu.memory_space<hbm>> -> memref<1x200x64xf32, #tpu.memory_space<hbm>>
      %dma_wait3A_1462 = tpu.memref_squeeze %dma_wait3A_1461 : memref<1x200x64xf32, #tpu.memory_space<hbm>> -> memref<200x64xf32, #tpu.memory_space<hbm>>
      %dma_wait3A_1463 = tpu.memref_slice %arg9[%select_n3A_1453] : memref<4x!tpu.dma_semaphore, #tpu.memory_space<semaphore_mem>> -> memref<1x!tpu.dma_semaphore, #tpu.memory_space<semaphore_mem>>
      %dma_wait3A_1464 = tpu.memref_squeeze %dma_wait3A_1463 : memref<1x!tpu.dma_semaphore, #tpu.memory_space<semaphore_mem>> -> memref<!tpu.dma_semaphore, #tpu.memory_space<semaphore_mem>>
      %dma_wait3A_1465 = arith.constant 0 : i32
      %dma_wait3A_1466 = arith.constant 0 : i32
      %dma_wait3A_1467 = tpu.memref_slice %arg4[%add3A_1454, %dma_wait3A_1465, %dma_wait3A_1466] : memref<4096x200x64xf32, #tpu.memory_space<hbm>> -> memref<1x200x64xf32, #tpu.memory_space<hbm>>
      %dma_wait3A_1468 = tpu.memref_squeeze %dma_wait3A_1467 : memref<1x200x64xf32, #tpu.memory_space<hbm>> -> memref<200x64xf32, #tpu.memory_space<hbm>>
      %dma_wait3A_1469 = arith.constant 0 : i32
      %dma_wait3A_1470 = arith.constant 0 : i32
      %dma_wait3A_1471 = tpu.memref_slice %arg6[%select_n3A_1453, %dma_wait3A_1469, %dma_wait3A_1470] : memref<4x200x64xf32, #tpu.memory_space<vmem>> -> memref<1x200x64xf32, #tpu.memory_space<vmem>>
      %dma_wait3A_1472 = tpu.memref_squeeze %dma_wait3A_1471 : memref<1x200x64xf32, #tpu.memory_space<vmem>> -> memref<200x64xf32, #tpu.memory_space<vmem>>
      tpu.wait_dma2 semaphore(%dma_wait3A_1464 : memref<!tpu.dma_semaphore, #tpu.memory_space<semaphore_mem>>) src(%dma_wait3A_1472 : memref<200x64xf32, #tpu.memory_space<vmem>>) dst(%dma_wait3A_1468 : memref<200x64xf32, #tpu.memory_space<hbm>>)
      %add3A_1473 = arith.constant 1 : i32
      %add3A_1474 = arith.addi %add3A_1398, %add3A_1473 : i32
      %jit3A_1475 = arith.constant 4 : i32
      %eq3A_1476 = arith.constant 0 : i32
      %eq3A_1477 = arith.cmpi eq, %jit3A_1475, %eq3A_1476 : i32
      %jit3A_1478 = arith.constant 1 : i32
      %select_n3A_1479 = arith.select %eq3A_1477, %jit3A_1478, %jit3A_1475 : i32
      %rem3A_1480 = arith.remsi %add3A_1474, %select_n3A_1479 : i32
      %ne3A_1481 = arith.constant 0 : i32
      %ne3A_1482 = arith.cmpi ne, %rem3A_1480, %ne3A_1481 : i32
      %lt3A_1483 = arith.constant 0 : i32
      %lt3A_1484 = arith.cmpi slt, %rem3A_1480, %lt3A_1483 : i32
      %lt3A_1485 = arith.constant 0 : i32
      %lt3A_1486 = arith.cmpi slt, %select_n3A_1479, %lt3A_1485 : i32
      %ne3A_1487 = arith.xori %lt3A_1484, %lt3A_1486 : i1
      %and3A_1488 = arith.andi %ne3A_1487, %ne3A_1482 : i1
      %add3A_1489 = arith.addi %rem3A_1480, %select_n3A_1479 : i32
      %select_n3A_1490 = arith.select %and3A_1488, %add3A_1489, %rem3A_1480 : i32
      %dma_start3A_1491 = arith.constant 0 : i32
      %dma_start3A_1492 = arith.constant 0 : i32
      %dma_start3A_1493 = tpu.memref_slice %arg6[%select_n3A_1490, %dma_start3A_1491, %dma_start3A_1492] : memref<4x200x64xf32, #tpu.memory_space<vmem>> -> memref<1x128x64xf32, #tpu.memory_space<vmem>>
      %dma_start3A_1494 = tpu.memref_squeeze %dma_start3A_1493 : memref<1x128x64xf32, #tpu.memory_space<vmem>> -> memref<128x64xf32, #tpu.memory_space<vmem>>
      %dma_start3A_1495 = arith.constant 0 : i32
      %dma_start3A_1496 = tpu.memref_slice %arg5[%select_n3A_1490, %dma_start3A_1495] : memref<4x200xi32, #tpu.memory_space<vmem>> -> memref<1x128xi32, #tpu.memory_space<vmem>>
      %dma_start3A_1497 = tpu.memref_squeeze %dma_start3A_1496 : memref<1x128xi32, #tpu.memory_space<vmem>> -> memref<128xi32, #tpu.memory_space<vmem>>
      %dma_start3A_1498 = arith.constant 0 : i32
      %dma_start3A_1499 = arith.constant 0 : i32
      %dma_start3A_1500 = tpu.memref_slice %arg3[%dma_start3A_1498, %dma_start3A_1499] : memref<1000000x64xf32, #tpu.memory_space<hbm>> -> memref<1000000x64xf32, #tpu.memory_space<hbm>>
      tpu.enqueue_indirect_dma source(%dma_start3A_1500 : memref<1000000x64xf32, #tpu.memory_space<hbm>>) target(%dma_start3A_1494 : memref<128x64xf32, #tpu.memory_space<vmem>>) offsets(%dma_start3A_1497 : memref<128xi32, #tpu.memory_space<vmem>>) semaphore(%arg8 : memref<!tpu.dma_semaphore, #tpu.memory_space<semaphore_mem>>)
      %dma_start3A_1501 = arith.constant 128 : i32
      %dma_start3A_1502 = arith.constant 0 : i32
      %dma_start3A_1503 = tpu.memref_slice %arg6[%select_n3A_1490, %dma_start3A_1501, %dma_start3A_1502] : memref<4x200x64xf32, #tpu.memory_space<vmem>> -> memref<1x72x64xf32, #tpu.memory_space<vmem>>
      %dma_start3A_1504 = tpu.memref_squeeze %dma_start3A_1503 : memref<1x72x64xf32, #tpu.memory_space<vmem>> -> memref<72x64xf32, #tpu.memory_space<vmem>>
      %dma_start3A_1505 = arith.constant 128 : i32
      %dma_start3A_1506 = tpu.memref_slice %arg5[%select_n3A_1490, %dma_start3A_1505] : memref<4x200xi32, #tpu.memory_space<vmem>> -> memref<1x72xi32, #tpu.memory_space<vmem>>
      %dma_start3A_1507 = tpu.memref_squeeze %dma_start3A_1506 : memref<1x72xi32, #tpu.memory_space<vmem>> -> memref<72xi32, #tpu.memory_space<vmem>>
      %dma_start3A_1508 = arith.constant 0 : i32
      %dma_start3A_1509 = arith.constant 0 : i32
      %dma_start3A_1510 = tpu.memref_slice %arg3[%dma_start3A_1508, %dma_start3A_1509] : memref<1000000x64xf32, #tpu.memory_space<hbm>> -> memref<1000000x64xf32, #tpu.memory_space<hbm>>
      tpu.enqueue_indirect_dma source(%dma_start3A_1510 : memref<1000000x64xf32, #tpu.memory_space<hbm>>) target(%dma_start3A_1504 : memref<72x64xf32, #tpu.memory_space<vmem>>) offsets(%dma_start3A_1507 : memref<72xi32, #tpu.memory_space<vmem>>) semaphore(%arg8 : memref<!tpu.dma_semaphore, #tpu.memory_space<semaphore_mem>>)
      %jit3A_1511 = arith.constant 4 : i32
      %eq3A_1512 = arith.constant 0 : i32
      %eq3A_1513 = arith.cmpi eq, %jit3A_1511, %eq3A_1512 : i32
      %jit3A_1514 = arith.constant 1 : i32
      %select_n3A_1515 = arith.select %eq3A_1513, %jit3A_1514, %jit3A_1511 : i32
      %rem3A_1516 = arith.remsi %add3A_1398, %select_n3A_1515 : i32
      %ne3A_1517 = arith.constant 0 : i32
      %ne3A_1518 = arith.cmpi ne, %rem3A_1516, %ne3A_1517 : i32
      %lt3A_1519 = arith.constant 0 : i32
      %lt3A_1520 = arith.cmpi slt, %rem3A_1516, %lt3A_1519 : i32
      %lt3A_1521 = arith.constant 0 : i32
      %lt3A_1522 = arith.cmpi slt, %select_n3A_1515, %lt3A_1521 : i32
      %ne3A_1523 = arith.xori %lt3A_1520, %lt3A_1522 : i1
      %and3A_1524 = arith.andi %ne3A_1523, %ne3A_1518 : i1
      %add3A_1525 = arith.addi %rem3A_1516, %select_n3A_1515 : i32
      %select_n3A_1526 = arith.select %and3A_1524, %add3A_1525, %rem3A_1516 : i32
      %dma_wait3A_1527 = arith.constant 0 : i32
      %dma_wait3A_1528 = arith.constant 0 : i32
      %dma_wait3A_1529 = tpu.memref_slice %arg6[%select_n3A_1526, %dma_wait3A_1527, %dma_wait3A_1528] : memref<4x200x64xf32, #tpu.memory_space<vmem>> -> memref<1x128x64xf32, #tpu.memory_space<vmem>>
      %dma_wait3A_1530 = tpu.memref_squeeze %dma_wait3A_1529 : memref<1x128x64xf32, #tpu.memory_space<vmem>> -> memref<128x64xf32, #tpu.memory_space<vmem>>
      %dma_wait3A_1531 = arith.constant 0 : i32
      %dma_wait3A_1532 = tpu.memref_slice %arg5[%select_n3A_1526, %dma_wait3A_1531] : memref<4x200xi32, #tpu.memory_space<vmem>> -> memref<1x128xi32, #tpu.memory_space<vmem>>
      %dma_wait3A_1533 = tpu.memref_squeeze %dma_wait3A_1532 : memref<1x128xi32, #tpu.memory_space<vmem>> -> memref<128xi32, #tpu.memory_space<vmem>>
      %dma_wait3A_1534 = arith.constant 0 : i32
      %dma_wait3A_1535 = arith.constant 0 : i32
      %dma_wait3A_1536 = tpu.memref_slice %arg3[%dma_wait3A_1534, %dma_wait3A_1535] : memref<1000000x64xf32, #tpu.memory_space<hbm>> -> memref<1000000x64xf32, #tpu.memory_space<hbm>>
      tpu.wait_indirect_dma semaphore(%arg8 : memref<!tpu.dma_semaphore, #tpu.memory_space<semaphore_mem>>) src(%dma_wait3A_1536 : memref<1000000x64xf32, #tpu.memory_space<hbm>>) dst(%dma_wait3A_1530 : memref<128x64xf32, #tpu.memory_space<vmem>>)
      %dma_wait3A_1537 = arith.constant 128 : i32
      %dma_wait3A_1538 = arith.constant 0 : i32
      %dma_wait3A_1539 = tpu.memref_slice %arg6[%select_n3A_1526, %dma_wait3A_1537, %dma_wait3A_1538] : memref<4x200x64xf32, #tpu.memory_space<vmem>> -> memref<1x72x64xf32, #tpu.memory_space<vmem>>
      %dma_wait3A_1540 = tpu.memref_squeeze %dma_wait3A_1539 : memref<1x72x64xf32, #tpu.memory_space<vmem>> -> memref<72x64xf32, #tpu.memory_space<vmem>>
      %dma_wait3A_1541 = arith.constant 128 : i32
      %dma_wait3A_1542 = tpu.memref_slice %arg5[%select_n3A_1526, %dma_wait3A_1541] : memref<4x200xi32, #tpu.memory_space<vmem>> -> memref<1x72xi32, #tpu.memory_space<vmem>>
      %dma_wait3A_1543 = tpu.memref_squeeze %dma_wait3A_1542 : memref<1x72xi32, #tpu.memory_space<vmem>> -> memref<72xi32, #tpu.memory_space<vmem>>
      %dma_wait3A_1544 = arith.constant 0 : i32
      %dma_wait3A_1545 = arith.constant 0 : i32
      %dma_wait3A_1546 = tpu.memref_slice %arg3[%dma_wait3A_1544, %dma_wait3A_1545] : memref<1000000x64xf32, #tpu.memory_space<hbm>> -> memref<1000000x64xf32, #tpu.memory_space<hbm>>
      tpu.wait_indirect_dma semaphore(%arg8 : memref<!tpu.dma_semaphore, #tpu.memory_space<semaphore_mem>>) src(%dma_wait3A_1546 : memref<1000000x64xf32, #tpu.memory_space<hbm>>) dst(%dma_wait3A_1540 : memref<72x64xf32, #tpu.memory_space<vmem>>)
      %add3A_1547 = arith.constant 4 : i32
      %add3A_1548 = arith.addi %add3A_1398, %add3A_1547 : i32
      %jit3A_1549 = arith.constant 4 : i32
      %eq3A_1550 = arith.constant 0 : i32
      %eq3A_1551 = arith.cmpi eq, %jit3A_1549, %eq3A_1550 : i32
      %jit3A_1552 = arith.constant 1 : i32
      %select_n3A_1553 = arith.select %eq3A_1551, %jit3A_1552, %jit3A_1549 : i32
      %rem3A_1554 = arith.remsi %add3A_1398, %select_n3A_1553 : i32
      %ne3A_1555 = arith.constant 0 : i32
      %ne3A_1556 = arith.cmpi ne, %rem3A_1554, %ne3A_1555 : i32
      %lt3A_1557 = arith.constant 0 : i32
      %lt3A_1558 = arith.cmpi slt, %rem3A_1554, %lt3A_1557 : i32
      %lt3A_1559 = arith.constant 0 : i32
      %lt3A_1560 = arith.cmpi slt, %select_n3A_1553, %lt3A_1559 : i32
      %ne3A_1561 = arith.xori %lt3A_1558, %lt3A_1560 : i1
      %and3A_1562 = arith.andi %ne3A_1561, %ne3A_1556 : i1
      %add3A_1563 = arith.addi %rem3A_1554, %select_n3A_1553 : i32
      %select_n3A_1564 = arith.select %and3A_1562, %add3A_1563, %rem3A_1554 : i32
      %mul3A_1565 = arith.constant 200 : i32
      %mul3A_1566 = arith.muli %add3A_1548, %mul3A_1565 : i32
      %add3A_1567 = arith.addi %mul3A_4, %mul3A_1566 : i32
      %dma_start3A_1568 = arith.constant 0 : i32
      %dma_start3A_1569 = tpu.memref_slice %arg5[%select_n3A_1564, %dma_start3A_1568] : memref<4x200xi32, #tpu.memory_space<vmem>> -> memref<1x200xi32, #tpu.memory_space<vmem>>
      %dma_start3A_1570 = tpu.memref_squeeze %dma_start3A_1569 : memref<1x200xi32, #tpu.memory_space<vmem>> -> memref<200xi32, #tpu.memory_space<vmem>>
      %dma_start3A_1571 = tpu.memref_slice %arg2[%add3A_1567] : memref<819200xi32, #tpu.memory_space<hbm>> -> memref<200xi32, #tpu.memory_space<hbm>>
      %dma_start3A_1572 = tpu.memref_slice %arg7[%select_n3A_1564] : memref<4x!tpu.dma_semaphore, #tpu.memory_space<semaphore_mem>> -> memref<1x!tpu.dma_semaphore, #tpu.memory_space<semaphore_mem>>
      %dma_start3A_1573 = tpu.memref_squeeze %dma_start3A_1572 : memref<1x!tpu.dma_semaphore, #tpu.memory_space<semaphore_mem>> -> memref<!tpu.dma_semaphore, #tpu.memory_space<semaphore_mem>>
      %dma_start3A_1574 = arith.constant 0 : i32
      %dma_start3A_1575 = tpu.memref_slice %arg5[%select_n3A_1564, %dma_start3A_1574] : memref<4x200xi32, #tpu.memory_space<vmem>> -> memref<1x200xi32, #tpu.memory_space<vmem>>
      %dma_start3A_1576 = tpu.memref_squeeze %dma_start3A_1575 : memref<1x200xi32, #tpu.memory_space<vmem>> -> memref<200xi32, #tpu.memory_space<vmem>>
      %dma_start3A_1577 = tpu.memref_slice %arg2[%add3A_1567] : memref<819200xi32, #tpu.memory_space<hbm>> -> memref<200xi32, #tpu.memory_space<hbm>>
      tpu.enqueue_dma source(%dma_start3A_1577 : memref<200xi32, #tpu.memory_space<hbm>>) target(%dma_start3A_1576 : memref<200xi32, #tpu.memory_space<vmem>>) target_semaphore(%dma_start3A_1573 : memref<!tpu.dma_semaphore, #tpu.memory_space<semaphore_mem>>)
      %jit3A_1578 = arith.constant 4 : i32
      %eq3A_1579 = arith.constant 0 : i32
      %eq3A_1580 = arith.cmpi eq, %jit3A_1578, %eq3A_1579 : i32
      %jit3A_1581 = arith.constant 1 : i32
      %select_n3A_1582 = arith.select %eq3A_1580, %jit3A_1581, %jit3A_1578 : i32
      %rem3A_1583 = arith.remsi %add3A_1398, %select_n3A_1582 : i32
      %ne3A_1584 = arith.constant 0 : i32
      %ne3A_1585 = arith.cmpi ne, %rem3A_1583, %ne3A_1584 : i32
      %lt3A_1586 = arith.constant 0 : i32
      %lt3A_1587 = arith.cmpi slt, %rem3A_1583, %lt3A_1586 : i32
      %lt3A_1588 = arith.constant 0 : i32
      %lt3A_1589 = arith.cmpi slt, %select_n3A_1582, %lt3A_1588 : i32
      %ne3A_1590 = arith.xori %lt3A_1587, %lt3A_1589 : i1
      %and3A_1591 = arith.andi %ne3A_1590, %ne3A_1585 : i1
      %add3A_1592 = arith.addi %rem3A_1583, %select_n3A_1582 : i32
      %select_n3A_1593 = arith.select %and3A_1591, %add3A_1592, %rem3A_1583 : i32
      %add3A_1594 = arith.addi %mul3A_2, %add3A_1398 : i32
      %dma_start3A_1595 = arith.constant 0 : i32
      %dma_start3A_1596 = arith.constant 0 : i32
      %dma_start3A_1597 = tpu.memref_slice %arg6[%select_n3A_1593, %dma_start3A_1595, %dma_start3A_1596] : memref<4x200x64xf32, #tpu.memory_space<vmem>> -> memref<1x200x64xf32, #tpu.memory_space<vmem>>
      %dma_start3A_1598 = tpu.memref_squeeze %dma_start3A_1597 : memref<1x200x64xf32, #tpu.memory_space<vmem>> -> memref<200x64xf32, #tpu.memory_space<vmem>>
      %dma_start3A_1599 = arith.constant 0 : i32
      %dma_start3A_1600 = arith.constant 0 : i32
      %dma_start3A_1601 = tpu.memref_slice %arg4[%add3A_1594, %dma_start3A_1599, %dma_start3A_1600] : memref<4096x200x64xf32, #tpu.memory_space<hbm>> -> memref<1x200x64xf32, #tpu.memory_space<hbm>>
      %dma_start3A_1602 = tpu.memref_squeeze %dma_start3A_1601 : memref<1x200x64xf32, #tpu.memory_space<hbm>> -> memref<200x64xf32, #tpu.memory_space<hbm>>
      %dma_start3A_1603 = tpu.memref_slice %arg9[%select_n3A_1593] : memref<4x!tpu.dma_semaphore, #tpu.memory_space<semaphore_mem>> -> memref<1x!tpu.dma_semaphore, #tpu.memory_space<semaphore_mem>>
      %dma_start3A_1604 = tpu.memref_squeeze %dma_start3A_1603 : memref<1x!tpu.dma_semaphore, #tpu.memory_space<semaphore_mem>> -> memref<!tpu.dma_semaphore, #tpu.memory_space<semaphore_mem>>
      %dma_start3A_1605 = arith.constant 0 : i32
      %dma_start3A_1606 = arith.constant 0 : i32
      %dma_start3A_1607 = tpu.memref_slice %arg4[%add3A_1594, %dma_start3A_1605, %dma_start3A_1606] : memref<4096x200x64xf32, #tpu.memory_space<hbm>> -> memref<1x200x64xf32, #tpu.memory_space<hbm>>
      %dma_start3A_1608 = tpu.memref_squeeze %dma_start3A_1607 : memref<1x200x64xf32, #tpu.memory_space<hbm>> -> memref<200x64xf32, #tpu.memory_space<hbm>>
      %dma_start3A_1609 = arith.constant 0 : i32
      %dma_start3A_1610 = arith.constant 0 : i32
      %dma_start3A_1611 = tpu.memref_slice %arg6[%select_n3A_1593, %dma_start3A_1609, %dma_start3A_1610] : memref<4x200x64xf32, #tpu.memory_space<vmem>> -> memref<1x200x64xf32, #tpu.memory_space<vmem>>
      %dma_start3A_1612 = tpu.memref_squeeze %dma_start3A_1611 : memref<1x200x64xf32, #tpu.memory_space<vmem>> -> memref<200x64xf32, #tpu.memory_space<vmem>>
      tpu.enqueue_dma source(%dma_start3A_1612 : memref<200x64xf32, #tpu.memory_space<vmem>>) target(%dma_start3A_1608 : memref<200x64xf32, #tpu.memory_space<hbm>>) target_semaphore(%dma_start3A_1604 : memref<!tpu.dma_semaphore, #tpu.memory_space<semaphore_mem>>)
      %add3A_1613 = arith.constant 3 : i32
      %add3A_1614 = arith.addi %add3A_972, %add3A_1613 : i32
      %add3A_1615 = arith.constant 1 : i32
      %add3A_1616 = arith.addi %add3A_1614, %add3A_1615 : i32
      %add3A_1617 = arith.constant 1 : i32
      %add3A_1618 = arith.addi %add3A_1614, %add3A_1617 : i32
      %jit3A_1619 = arith.constant 4 : i32
      %eq3A_1620 = arith.constant 0 : i32
      %eq3A_1621 = arith.cmpi eq, %jit3A_1619, %eq3A_1620 : i32
      %jit3A_1622 = arith.constant 1 : i32
      %select_n3A_1623 = arith.select %eq3A_1621, %jit3A_1622, %jit3A_1619 : i32
      %rem3A_1624 = arith.remsi %add3A_1618, %select_n3A_1623 : i32
      %ne3A_1625 = arith.constant 0 : i32
      %ne3A_1626 = arith.cmpi ne, %rem3A_1624, %ne3A_1625 : i32
      %lt3A_1627 = arith.constant 0 : i32
      %lt3A_1628 = arith.cmpi slt, %rem3A_1624, %lt3A_1627 : i32
      %lt3A_1629 = arith.constant 0 : i32
      %lt3A_1630 = arith.cmpi slt, %select_n3A_1623, %lt3A_1629 : i32
      %ne3A_1631 = arith.xori %lt3A_1628, %lt3A_1630 : i1
      %and3A_1632 = arith.andi %ne3A_1631, %ne3A_1626 : i1
      %add3A_1633 = arith.addi %rem3A_1624, %select_n3A_1623 : i32
      %select_n3A_1634 = arith.select %and3A_1632, %add3A_1633, %rem3A_1624 : i32
      %mul3A_1635 = arith.constant 200 : i32
      %mul3A_1636 = arith.muli %add3A_1616, %mul3A_1635 : i32
      %add3A_1637 = arith.addi %mul3A_4, %mul3A_1636 : i32
      %dma_wait3A_1638 = arith.constant 0 : i32
      %dma_wait3A_1639 = tpu.memref_slice %arg5[%select_n3A_1634, %dma_wait3A_1638] : memref<4x200xi32, #tpu.memory_space<vmem>> -> memref<1x200xi32, #tpu.memory_space<vmem>>
      %dma_wait3A_1640 = tpu.memref_squeeze %dma_wait3A_1639 : memref<1x200xi32, #tpu.memory_space<vmem>> -> memref<200xi32, #tpu.memory_space<vmem>>
      %dma_wait3A_1641 = tpu.memref_slice %arg2[%add3A_1637] : memref<819200xi32, #tpu.memory_space<hbm>> -> memref<200xi32, #tpu.memory_space<hbm>>
      %dma_wait3A_1642 = tpu.memref_slice %arg7[%select_n3A_1634] : memref<4x!tpu.dma_semaphore, #tpu.memory_space<semaphore_mem>> -> memref<1x!tpu.dma_semaphore, #tpu.memory_space<semaphore_mem>>
      %dma_wait3A_1643 = tpu.memref_squeeze %dma_wait3A_1642 : memref<1x!tpu.dma_semaphore, #tpu.memory_space<semaphore_mem>> -> memref<!tpu.dma_semaphore, #tpu.memory_space<semaphore_mem>>
      %dma_wait3A_1644 = arith.constant 0 : i32
      %dma_wait3A_1645 = tpu.memref_slice %arg5[%select_n3A_1634, %dma_wait3A_1644] : memref<4x200xi32, #tpu.memory_space<vmem>> -> memref<1x200xi32, #tpu.memory_space<vmem>>
      %dma_wait3A_1646 = tpu.memref_squeeze %dma_wait3A_1645 : memref<1x200xi32, #tpu.memory_space<vmem>> -> memref<200xi32, #tpu.memory_space<vmem>>
      %dma_wait3A_1647 = tpu.memref_slice %arg2[%add3A_1637] : memref<819200xi32, #tpu.memory_space<hbm>> -> memref<200xi32, #tpu.memory_space<hbm>>
      tpu.wait_dma2 semaphore(%dma_wait3A_1643 : memref<!tpu.dma_semaphore, #tpu.memory_space<semaphore_mem>>) src(%dma_wait3A_1647 : memref<200xi32, #tpu.memory_space<hbm>>) dst(%dma_wait3A_1646 : memref<200xi32, #tpu.memory_space<vmem>>)
      %add3A_1648 = arith.constant 1 : i32
      %add3A_1649 = arith.addi %add3A_1614, %add3A_1648 : i32
      %sub3A_1650 = arith.constant 4 : i32
      %sub3A_1651 = arith.subi %add3A_1649, %sub3A_1650 : i32
      %add3A_1652 = arith.constant 1 : i32
      %add3A_1653 = arith.addi %add3A_1614, %add3A_1652 : i32
      %jit3A_1654 = arith.constant 4 : i32
      %eq3A_1655 = arith.constant 0 : i32
      %eq3A_1656 = arith.cmpi eq, %jit3A_1654, %eq3A_1655 : i32
      %jit3A_1657 = arith.constant 1 : i32
      %select_n3A_1658 = arith.select %eq3A_1656, %jit3A_1657, %jit3A_1654 : i32
      %rem3A_1659 = arith.remsi %add3A_1653, %select_n3A_1658 : i32
      %ne3A_1660 = arith.constant 0 : i32
      %ne3A_1661 = arith.cmpi ne, %rem3A_1659, %ne3A_1660 : i32
      %lt3A_1662 = arith.constant 0 : i32
      %lt3A_1663 = arith.cmpi slt, %rem3A_1659, %lt3A_1662 : i32
      %lt3A_1664 = arith.constant 0 : i32
      %lt3A_1665 = arith.cmpi slt, %select_n3A_1658, %lt3A_1664 : i32
      %ne3A_1666 = arith.xori %lt3A_1663, %lt3A_1665 : i1
      %and3A_1667 = arith.andi %ne3A_1666, %ne3A_1661 : i1
      %add3A_1668 = arith.addi %rem3A_1659, %select_n3A_1658 : i32
      %select_n3A_1669 = arith.select %and3A_1667, %add3A_1668, %rem3A_1659 : i32
      %add3A_1670 = arith.addi %mul3A_2, %sub3A_1651 : i32
      %dma_wait3A_1671 = arith.constant 0 : i32
      %dma_wait3A_1672 = arith.constant 0 : i32
      %dma_wait3A_1673 = tpu.memref_slice %arg6[%select_n3A_1669, %dma_wait3A_1671, %dma_wait3A_1672] : memref<4x200x64xf32, #tpu.memory_space<vmem>> -> memref<1x200x64xf32, #tpu.memory_space<vmem>>
      %dma_wait3A_1674 = tpu.memref_squeeze %dma_wait3A_1673 : memref<1x200x64xf32, #tpu.memory_space<vmem>> -> memref<200x64xf32, #tpu.memory_space<vmem>>
      %dma_wait3A_1675 = arith.constant 0 : i32
      %dma_wait3A_1676 = arith.constant 0 : i32
      %dma_wait3A_1677 = tpu.memref_slice %arg4[%add3A_1670, %dma_wait3A_1675, %dma_wait3A_1676] : memref<4096x200x64xf32, #tpu.memory_space<hbm>> -> memref<1x200x64xf32, #tpu.memory_space<hbm>>
      %dma_wait3A_1678 = tpu.memref_squeeze %dma_wait3A_1677 : memref<1x200x64xf32, #tpu.memory_space<hbm>> -> memref<200x64xf32, #tpu.memory_space<hbm>>
      %dma_wait3A_1679 = tpu.memref_slice %arg9[%select_n3A_1669] : memref<4x!tpu.dma_semaphore, #tpu.memory_space<semaphore_mem>> -> memref<1x!tpu.dma_semaphore, #tpu.memory_space<semaphore_mem>>
      %dma_wait3A_1680 = tpu.memref_squeeze %dma_wait3A_1679 : memref<1x!tpu.dma_semaphore, #tpu.memory_space<semaphore_mem>> -> memref<!tpu.dma_semaphore, #tpu.memory_space<semaphore_mem>>
      %dma_wait3A_1681 = arith.constant 0 : i32
      %dma_wait3A_1682 = arith.constant 0 : i32
      %dma_wait3A_1683 = tpu.memref_slice %arg4[%add3A_1670, %dma_wait3A_1681, %dma_wait3A_1682] : memref<4096x200x64xf32, #tpu.memory_space<hbm>> -> memref<1x200x64xf32, #tpu.memory_space<hbm>>
      %dma_wait3A_1684 = tpu.memref_squeeze %dma_wait3A_1683 : memref<1x200x64xf32, #tpu.memory_space<hbm>> -> memref<200x64xf32, #tpu.memory_space<hbm>>
      %dma_wait3A_1685 = arith.constant 0 : i32
      %dma_wait3A_1686 = arith.constant 0 : i32
      %dma_wait3A_1687 = tpu.memref_slice %arg6[%select_n3A_1669, %dma_wait3A_1685, %dma_wait3A_1686] : memref<4x200x64xf32, #tpu.memory_space<vmem>> -> memref<1x200x64xf32, #tpu.memory_space<vmem>>
      %dma_wait3A_1688 = tpu.memref_squeeze %dma_wait3A_1687 : memref<1x200x64xf32, #tpu.memory_space<vmem>> -> memref<200x64xf32, #tpu.memory_space<vmem>>
      tpu.wait_dma2 semaphore(%dma_wait3A_1680 : memref<!tpu.dma_semaphore, #tpu.memory_space<semaphore_mem>>) src(%dma_wait3A_1688 : memref<200x64xf32, #tpu.memory_space<vmem>>) dst(%dma_wait3A_1684 : memref<200x64xf32, #tpu.memory_space<hbm>>)
      %add3A_1689 = arith.constant 1 : i32
      %add3A_1690 = arith.addi %add3A_1614, %add3A_1689 : i32
      %jit3A_1691 = arith.constant 4 : i32
      %eq3A_1692 = arith.constant 0 : i32
      %eq3A_1693 = arith.cmpi eq, %jit3A_1691, %eq3A_1692 : i32
      %jit3A_1694 = arith.constant 1 : i32
      %select_n3A_1695 = arith.select %eq3A_1693, %jit3A_1694, %jit3A_1691 : i32
      %rem3A_1696 = arith.remsi %add3A_1690, %select_n3A_1695 : i32
      %ne3A_1697 = arith.constant 0 : i32
      %ne3A_1698 = arith.cmpi ne, %rem3A_1696, %ne3A_1697 : i32
      %lt3A_1699 = arith.constant 0 : i32
      %lt3A_1700 = arith.cmpi slt, %rem3A_1696, %lt3A_1699 : i32
      %lt3A_1701 = arith.constant 0 : i32
      %lt3A_1702 = arith.cmpi slt, %select_n3A_1695, %lt3A_1701 : i32
      %ne3A_1703 = arith.xori %lt3A_1700, %lt3A_1702 : i1
      %and3A_1704 = arith.andi %ne3A_1703, %ne3A_1698 : i1
      %add3A_1705 = arith.addi %rem3A_1696, %select_n3A_1695 : i32
      %select_n3A_1706 = arith.select %and3A_1704, %add3A_1705, %rem3A_1696 : i32
      %dma_start3A_1707 = arith.constant 0 : i32
      %dma_start3A_1708 = arith.constant 0 : i32
      %dma_start3A_1709 = tpu.memref_slice %arg6[%select_n3A_1706, %dma_start3A_1707, %dma_start3A_1708] : memref<4x200x64xf32, #tpu.memory_space<vmem>> -> memref<1x128x64xf32, #tpu.memory_space<vmem>>
      %dma_start3A_1710 = tpu.memref_squeeze %dma_start3A_1709 : memref<1x128x64xf32, #tpu.memory_space<vmem>> -> memref<128x64xf32, #tpu.memory_space<vmem>>
      %dma_start3A_1711 = arith.constant 0 : i32
      %dma_start3A_1712 = tpu.memref_slice %arg5[%select_n3A_1706, %dma_start3A_1711] : memref<4x200xi32, #tpu.memory_space<vmem>> -> memref<1x128xi32, #tpu.memory_space<vmem>>
      %dma_start3A_1713 = tpu.memref_squeeze %dma_start3A_1712 : memref<1x128xi32, #tpu.memory_space<vmem>> -> memref<128xi32, #tpu.memory_space<vmem>>
      %dma_start3A_1714 = arith.constant 0 : i32
      %dma_start3A_1715 = arith.constant 0 : i32
      %dma_start3A_1716 = tpu.memref_slice %arg3[%dma_start3A_1714, %dma_start3A_1715] : memref<1000000x64xf32, #tpu.memory_space<hbm>> -> memref<1000000x64xf32, #tpu.memory_space<hbm>>
      tpu.enqueue_indirect_dma source(%dma_start3A_1716 : memref<1000000x64xf32, #tpu.memory_space<hbm>>) target(%dma_start3A_1710 : memref<128x64xf32, #tpu.memory_space<vmem>>) offsets(%dma_start3A_1713 : memref<128xi32, #tpu.memory_space<vmem>>) semaphore(%arg8 : memref<!tpu.dma_semaphore, #tpu.memory_space<semaphore_mem>>)
      %dma_start3A_1717 = arith.constant 128 : i32
      %dma_start3A_1718 = arith.constant 0 : i32
      %dma_start3A_1719 = tpu.memref_slice %arg6[%select_n3A_1706, %dma_start3A_1717, %dma_start3A_1718] : memref<4x200x64xf32, #tpu.memory_space<vmem>> -> memref<1x72x64xf32, #tpu.memory_space<vmem>>
      %dma_start3A_1720 = tpu.memref_squeeze %dma_start3A_1719 : memref<1x72x64xf32, #tpu.memory_space<vmem>> -> memref<72x64xf32, #tpu.memory_space<vmem>>
      %dma_start3A_1721 = arith.constant 128 : i32
      %dma_start3A_1722 = tpu.memref_slice %arg5[%select_n3A_1706, %dma_start3A_1721] : memref<4x200xi32, #tpu.memory_space<vmem>> -> memref<1x72xi32, #tpu.memory_space<vmem>>
      %dma_start3A_1723 = tpu.memref_squeeze %dma_start3A_1722 : memref<1x72xi32, #tpu.memory_space<vmem>> -> memref<72xi32, #tpu.memory_space<vmem>>
      %dma_start3A_1724 = arith.constant 0 : i32
      %dma_start3A_1725 = arith.constant 0 : i32
      %dma_start3A_1726 = tpu.memref_slice %arg3[%dma_start3A_1724, %dma_start3A_1725] : memref<1000000x64xf32, #tpu.memory_space<hbm>> -> memref<1000000x64xf32, #tpu.memory_space<hbm>>
      tpu.enqueue_indirect_dma source(%dma_start3A_1726 : memref<1000000x64xf32, #tpu.memory_space<hbm>>) target(%dma_start3A_1720 : memref<72x64xf32, #tpu.memory_space<vmem>>) offsets(%dma_start3A_1723 : memref<72xi32, #tpu.memory_space<vmem>>) semaphore(%arg8 : memref<!tpu.dma_semaphore, #tpu.memory_space<semaphore_mem>>)
      %jit3A_1727 = arith.constant 4 : i32
      %eq3A_1728 = arith.constant 0 : i32
      %eq3A_1729 = arith.cmpi eq, %jit3A_1727, %eq3A_1728 : i32
      %jit3A_1730 = arith.constant 1 : i32
      %select_n3A_1731 = arith.select %eq3A_1729, %jit3A_1730, %jit3A_1727 : i32
      %rem3A_1732 = arith.remsi %add3A_1614, %select_n3A_1731 : i32
      %ne3A_1733 = arith.constant 0 : i32
      %ne3A_1734 = arith.cmpi ne, %rem3A_1732, %ne3A_1733 : i32
      %lt3A_1735 = arith.constant 0 : i32
      %lt3A_1736 = arith.cmpi slt, %rem3A_1732, %lt3A_1735 : i32
      %lt3A_1737 = arith.constant 0 : i32
      %lt3A_1738 = arith.cmpi slt, %select_n3A_1731, %lt3A_1737 : i32
      %ne3A_1739 = arith.xori %lt3A_1736, %lt3A_1738 : i1
      %and3A_1740 = arith.andi %ne3A_1739, %ne3A_1734 : i1
      %add3A_1741 = arith.addi %rem3A_1732, %select_n3A_1731 : i32
      %select_n3A_1742 = arith.select %and3A_1740, %add3A_1741, %rem3A_1732 : i32
      %dma_wait3A_1743 = arith.constant 0 : i32
      %dma_wait3A_1744 = arith.constant 0 : i32
      %dma_wait3A_1745 = tpu.memref_slice %arg6[%select_n3A_1742, %dma_wait3A_1743, %dma_wait3A_1744] : memref<4x200x64xf32, #tpu.memory_space<vmem>> -> memref<1x128x64xf32, #tpu.memory_space<vmem>>
      %dma_wait3A_1746 = tpu.memref_squeeze %dma_wait3A_1745 : memref<1x128x64xf32, #tpu.memory_space<vmem>> -> memref<128x64xf32, #tpu.memory_space<vmem>>
      %dma_wait3A_1747 = arith.constant 0 : i32
      %dma_wait3A_1748 = tpu.memref_slice %arg5[%select_n3A_1742, %dma_wait3A_1747] : memref<4x200xi32, #tpu.memory_space<vmem>> -> memref<1x128xi32, #tpu.memory_space<vmem>>
      %dma_wait3A_1749 = tpu.memref_squeeze %dma_wait3A_1748 : memref<1x128xi32, #tpu.memory_space<vmem>> -> memref<128xi32, #tpu.memory_space<vmem>>
      %dma_wait3A_1750 = arith.constant 0 : i32
      %dma_wait3A_1751 = arith.constant 0 : i32
      %dma_wait3A_1752 = tpu.memref_slice %arg3[%dma_wait3A_1750, %dma_wait3A_1751] : memref<1000000x64xf32, #tpu.memory_space<hbm>> -> memref<1000000x64xf32, #tpu.memory_space<hbm>>
      tpu.wait_indirect_dma semaphore(%arg8 : memref<!tpu.dma_semaphore, #tpu.memory_space<semaphore_mem>>) src(%dma_wait3A_1752 : memref<1000000x64xf32, #tpu.memory_space<hbm>>) dst(%dma_wait3A_1746 : memref<128x64xf32, #tpu.memory_space<vmem>>)
      %dma_wait3A_1753 = arith.constant 128 : i32
      %dma_wait3A_1754 = arith.constant 0 : i32
      %dma_wait3A_1755 = tpu.memref_slice %arg6[%select_n3A_1742, %dma_wait3A_1753, %dma_wait3A_1754] : memref<4x200x64xf32, #tpu.memory_space<vmem>> -> memref<1x72x64xf32, #tpu.memory_space<vmem>>
      %dma_wait3A_1756 = tpu.memref_squeeze %dma_wait3A_1755 : memref<1x72x64xf32, #tpu.memory_space<vmem>> -> memref<72x64xf32, #tpu.memory_space<vmem>>
      %dma_wait3A_1757 = arith.constant 128 : i32
      %dma_wait3A_1758 = tpu.memref_slice %arg5[%select_n3A_1742, %dma_wait3A_1757] : memref<4x200xi32, #tpu.memory_space<vmem>> -> memref<1x72xi32, #tpu.memory_space<vmem>>
      %dma_wait3A_1759 = tpu.memref_squeeze %dma_wait3A_1758 : memref<1x72xi32, #tpu.memory_space<vmem>> -> memref<72xi32, #tpu.memory_space<vmem>>
      %dma_wait3A_1760 = arith.constant 0 : i32
      %dma_wait3A_1761 = arith.constant 0 : i32
      %dma_wait3A_1762 = tpu.memref_slice %arg3[%dma_wait3A_1760, %dma_wait3A_1761] : memref<1000000x64xf32, #tpu.memory_space<hbm>> -> memref<1000000x64xf32, #tpu.memory_space<hbm>>
      tpu.wait_indirect_dma semaphore(%arg8 : memref<!tpu.dma_semaphore, #tpu.memory_space<semaphore_mem>>) src(%dma_wait3A_1762 : memref<1000000x64xf32, #tpu.memory_space<hbm>>) dst(%dma_wait3A_1756 : memref<72x64xf32, #tpu.memory_space<vmem>>)
      %add3A_1763 = arith.constant 4 : i32
      %add3A_1764 = arith.addi %add3A_1614, %add3A_1763 : i32
      %jit3A_1765 = arith.constant 4 : i32
      %eq3A_1766 = arith.constant 0 : i32
      %eq3A_1767 = arith.cmpi eq, %jit3A_1765, %eq3A_1766 : i32
      %jit3A_1768 = arith.constant 1 : i32
      %select_n3A_1769 = arith.select %eq3A_1767, %jit3A_1768, %jit3A_1765 : i32
      %rem3A_1770 = arith.remsi %add3A_1614, %select_n3A_1769 : i32
      %ne3A_1771 = arith.constant 0 : i32
      %ne3A_1772 = arith.cmpi ne, %rem3A_1770, %ne3A_1771 : i32
      %lt3A_1773 = arith.constant 0 : i32
      %lt3A_1774 = arith.cmpi slt, %rem3A_1770, %lt3A_1773 : i32
      %lt3A_1775 = arith.constant 0 : i32
      %lt3A_1776 = arith.cmpi slt, %select_n3A_1769, %lt3A_1775 : i32
      %ne3A_1777 = arith.xori %lt3A_1774, %lt3A_1776 : i1
      %and3A_1778 = arith.andi %ne3A_1777, %ne3A_1772 : i1
      %add3A_1779 = arith.addi %rem3A_1770, %select_n3A_1769 : i32
      %select_n3A_1780 = arith.select %and3A_1778, %add3A_1779, %rem3A_1770 : i32
      %mul3A_1781 = arith.constant 200 : i32
      %mul3A_1782 = arith.muli %add3A_1764, %mul3A_1781 : i32
      %add3A_1783 = arith.addi %mul3A_4, %mul3A_1782 : i32
      %dma_start3A_1784 = arith.constant 0 : i32
      %dma_start3A_1785 = tpu.memref_slice %arg5[%select_n3A_1780, %dma_start3A_1784] : memref<4x200xi32, #tpu.memory_space<vmem>> -> memref<1x200xi32, #tpu.memory_space<vmem>>
      %dma_start3A_1786 = tpu.memref_squeeze %dma_start3A_1785 : memref<1x200xi32, #tpu.memory_space<vmem>> -> memref<200xi32, #tpu.memory_space<vmem>>
      %dma_start3A_1787 = tpu.memref_slice %arg2[%add3A_1783] : memref<819200xi32, #tpu.memory_space<hbm>> -> memref<200xi32, #tpu.memory_space<hbm>>
      %dma_start3A_1788 = tpu.memref_slice %arg7[%select_n3A_1780] : memref<4x!tpu.dma_semaphore, #tpu.memory_space<semaphore_mem>> -> memref<1x!tpu.dma_semaphore, #tpu.memory_space<semaphore_mem>>
      %dma_start3A_1789 = tpu.memref_squeeze %dma_start3A_1788 : memref<1x!tpu.dma_semaphore, #tpu.memory_space<semaphore_mem>> -> memref<!tpu.dma_semaphore, #tpu.memory_space<semaphore_mem>>
      %dma_start3A_1790 = arith.constant 0 : i32
      %dma_start3A_1791 = tpu.memref_slice %arg5[%select_n3A_1780, %dma_start3A_1790] : memref<4x200xi32, #tpu.memory_space<vmem>> -> memref<1x200xi32, #tpu.memory_space<vmem>>
      %dma_start3A_1792 = tpu.memref_squeeze %dma_start3A_1791 : memref<1x200xi32, #tpu.memory_space<vmem>> -> memref<200xi32, #tpu.memory_space<vmem>>
      %dma_start3A_1793 = tpu.memref_slice %arg2[%add3A_1783] : memref<819200xi32, #tpu.memory_space<hbm>> -> memref<200xi32, #tpu.memory_space<hbm>>
      tpu.enqueue_dma source(%dma_start3A_1793 : memref<200xi32, #tpu.memory_space<hbm>>) target(%dma_start3A_1792 : memref<200xi32, #tpu.memory_space<vmem>>) target_semaphore(%dma_start3A_1789 : memref<!tpu.dma_semaphore, #tpu.memory_space<semaphore_mem>>)
      %jit3A_1794 = arith.constant 4 : i32
      %eq3A_1795 = arith.constant 0 : i32
      %eq3A_1796 = arith.cmpi eq, %jit3A_1794, %eq3A_1795 : i32
      %jit3A_1797 = arith.constant 1 : i32
      %select_n3A_1798 = arith.select %eq3A_1796, %jit3A_1797, %jit3A_1794 : i32
      %rem3A_1799 = arith.remsi %add3A_1614, %select_n3A_1798 : i32
      %ne3A_1800 = arith.constant 0 : i32
      %ne3A_1801 = arith.cmpi ne, %rem3A_1799, %ne3A_1800 : i32
      %lt3A_1802 = arith.constant 0 : i32
      %lt3A_1803 = arith.cmpi slt, %rem3A_1799, %lt3A_1802 : i32
      %lt3A_1804 = arith.constant 0 : i32
      %lt3A_1805 = arith.cmpi slt, %select_n3A_1798, %lt3A_1804 : i32
      %ne3A_1806 = arith.xori %lt3A_1803, %lt3A_1805 : i1
      %and3A_1807 = arith.andi %ne3A_1806, %ne3A_1801 : i1
      %add3A_1808 = arith.addi %rem3A_1799, %select_n3A_1798 : i32
      %select_n3A_1809 = arith.select %and3A_1807, %add3A_1808, %rem3A_1799 : i32
      %add3A_1810 = arith.addi %mul3A_2, %add3A_1614 : i32
      %dma_start3A_1811 = arith.constant 0 : i32
      %dma_start3A_1812 = arith.constant 0 : i32
      %dma_start3A_1813 = tpu.memref_slice %arg6[%select_n3A_1809, %dma_start3A_1811, %dma_start3A_1812] : memref<4x200x64xf32, #tpu.memory_space<vmem>> -> memref<1x200x64xf32, #tpu.memory_space<vmem>>
      %dma_start3A_1814 = tpu.memref_squeeze %dma_start3A_1813 : memref<1x200x64xf32, #tpu.memory_space<vmem>> -> memref<200x64xf32, #tpu.memory_space<vmem>>
      %dma_start3A_1815 = arith.constant 0 : i32
      %dma_start3A_1816 = arith.constant 0 : i32
      %dma_start3A_1817 = tpu.memref_slice %arg4[%add3A_1810, %dma_start3A_1815, %dma_start3A_1816] : memref<4096x200x64xf32, #tpu.memory_space<hbm>> -> memref<1x200x64xf32, #tpu.memory_space<hbm>>
      %dma_start3A_1818 = tpu.memref_squeeze %dma_start3A_1817 : memref<1x200x64xf32, #tpu.memory_space<hbm>> -> memref<200x64xf32, #tpu.memory_space<hbm>>
      %dma_start3A_1819 = tpu.memref_slice %arg9[%select_n3A_1809] : memref<4x!tpu.dma_semaphore, #tpu.memory_space<semaphore_mem>> -> memref<1x!tpu.dma_semaphore, #tpu.memory_space<semaphore_mem>>
      %dma_start3A_1820 = tpu.memref_squeeze %dma_start3A_1819 : memref<1x!tpu.dma_semaphore, #tpu.memory_space<semaphore_mem>> -> memref<!tpu.dma_semaphore, #tpu.memory_space<semaphore_mem>>
      %dma_start3A_1821 = arith.constant 0 : i32
      %dma_start3A_1822 = arith.constant 0 : i32
      %dma_start3A_1823 = tpu.memref_slice %arg4[%add3A_1810, %dma_start3A_1821, %dma_start3A_1822] : memref<4096x200x64xf32, #tpu.memory_space<hbm>> -> memref<1x200x64xf32, #tpu.memory_space<hbm>>
      %dma_start3A_1824 = tpu.memref_squeeze %dma_start3A_1823 : memref<1x200x64xf32, #tpu.memory_space<hbm>> -> memref<200x64xf32, #tpu.memory_space<hbm>>
      %dma_start3A_1825 = arith.constant 0 : i32
      %dma_start3A_1826 = arith.constant 0 : i32
      %dma_start3A_1827 = tpu.memref_slice %arg6[%select_n3A_1809, %dma_start3A_1825, %dma_start3A_1826] : memref<4x200x64xf32, #tpu.memory_space<vmem>> -> memref<1x200x64xf32, #tpu.memory_space<vmem>>
      %dma_start3A_1828 = tpu.memref_squeeze %dma_start3A_1827 : memref<1x200x64xf32, #tpu.memory_space<vmem>> -> memref<200x64xf32, #tpu.memory_space<vmem>>
      tpu.enqueue_dma source(%dma_start3A_1828 : memref<200x64xf32, #tpu.memory_space<vmem>>) target(%dma_start3A_1824 : memref<200x64xf32, #tpu.memory_space<hbm>>) target_semaphore(%dma_start3A_1820 : memref<!tpu.dma_semaphore, #tpu.memory_space<semaphore_mem>>)
    }
    %scan3A_515 = arith.constant 30 : i32
    %add3A_516 = arith.constant 25000 : i32
    %add3A_517 = arith.addi %mul3A_4, %add3A_516 : i32
    %dma_wait3A_518 = arith.constant 1 : i32
    %dma_wait3A_519 = arith.constant 1 : i32
    %dma_wait3A_520 = arith.constant 0 : i32
    %dma_wait3A_521 = tpu.memref_slice %arg5[%dma_wait3A_518, %dma_wait3A_520] : memref<4x200xi32, #tpu.memory_space<vmem>> -> memref<1x200xi32, #tpu.memory_space<vmem>>
    %dma_wait3A_522 = tpu.memref_squeeze %dma_wait3A_521 : memref<1x200xi32, #tpu.memory_space<vmem>> -> memref<200xi32, #tpu.memory_space<vmem>>
    %dma_wait3A_523 = tpu.memref_slice %arg2[%add3A_517] : memref<819200xi32, #tpu.memory_space<hbm>> -> memref<200xi32, #tpu.memory_space<hbm>>
    %dma_wait3A_524 = tpu.memref_slice %arg7[%dma_wait3A_519] : memref<4x!tpu.dma_semaphore, #tpu.memory_space<semaphore_mem>> -> memref<1x!tpu.dma_semaphore, #tpu.memory_space<semaphore_mem>>
    %dma_wait3A_525 = tpu.memref_squeeze %dma_wait3A_524 : memref<1x!tpu.dma_semaphore, #tpu.memory_space<semaphore_mem>> -> memref<!tpu.dma_semaphore, #tpu.memory_space<semaphore_mem>>
    %dma_wait3A_526 = arith.constant 0 : i32
    %dma_wait3A_527 = tpu.memref_slice %arg5[%dma_wait3A_518, %dma_wait3A_526] : memref<4x200xi32, #tpu.memory_space<vmem>> -> memref<1x200xi32, #tpu.memory_space<vmem>>
    %dma_wait3A_528 = tpu.memref_squeeze %dma_wait3A_527 : memref<1x200xi32, #tpu.memory_space<vmem>> -> memref<200xi32, #tpu.memory_space<vmem>>
    %dma_wait3A_529 = tpu.memref_slice %arg2[%add3A_517] : memref<819200xi32, #tpu.memory_space<hbm>> -> memref<200xi32, #tpu.memory_space<hbm>>
    tpu.wait_dma2 semaphore(%dma_wait3A_525 : memref<!tpu.dma_semaphore, #tpu.memory_space<semaphore_mem>>) src(%dma_wait3A_529 : memref<200xi32, #tpu.memory_space<hbm>>) dst(%dma_wait3A_528 : memref<200xi32, #tpu.memory_space<vmem>>)
    %add3A_530 = arith.constant 121 : i32
    %add3A_531 = arith.addi %mul3A_2, %add3A_530 : i32
    %dma_wait3A_532 = arith.constant 1 : i32
    %dma_wait3A_533 = arith.constant 1 : i32
    %dma_wait3A_534 = arith.constant 0 : i32
    %dma_wait3A_535 = arith.constant 0 : i32
    %dma_wait3A_536 = tpu.memref_slice %arg6[%dma_wait3A_532, %dma_wait3A_534, %dma_wait3A_535] : memref<4x200x64xf32, #tpu.memory_space<vmem>> -> memref<1x200x64xf32, #tpu.memory_space<vmem>>
    %dma_wait3A_537 = tpu.memref_squeeze %dma_wait3A_536 : memref<1x200x64xf32, #tpu.memory_space<vmem>> -> memref<200x64xf32, #tpu.memory_space<vmem>>
    %dma_wait3A_538 = arith.constant 0 : i32
    %dma_wait3A_539 = arith.constant 0 : i32
    %dma_wait3A_540 = tpu.memref_slice %arg4[%add3A_531, %dma_wait3A_538, %dma_wait3A_539] : memref<4096x200x64xf32, #tpu.memory_space<hbm>> -> memref<1x200x64xf32, #tpu.memory_space<hbm>>
    %dma_wait3A_541 = tpu.memref_squeeze %dma_wait3A_540 : memref<1x200x64xf32, #tpu.memory_space<hbm>> -> memref<200x64xf32, #tpu.memory_space<hbm>>
    %dma_wait3A_542 = tpu.memref_slice %arg9[%dma_wait3A_533] : memref<4x!tpu.dma_semaphore, #tpu.memory_space<semaphore_mem>> -> memref<1x!tpu.dma_semaphore, #tpu.memory_space<semaphore_mem>>
    %dma_wait3A_543 = tpu.memref_squeeze %dma_wait3A_542 : memref<1x!tpu.dma_semaphore, #tpu.memory_space<semaphore_mem>> -> memref<!tpu.dma_semaphore, #tpu.memory_space<semaphore_mem>>
    %dma_wait3A_544 = arith.constant 0 : i32
    %dma_wait3A_545 = arith.constant 0 : i32
    %dma_wait3A_546 = tpu.memref_slice %arg4[%add3A_531, %dma_wait3A_544, %dma_wait3A_545] : memref<4096x200x64xf32, #tpu.memory_space<hbm>> -> memref<1x200x64xf32, #tpu.memory_space<hbm>>
    %dma_wait3A_547 = tpu.memref_squeeze %dma_wait3A_546 : memref<1x200x64xf32, #tpu.memory_space<hbm>> -> memref<200x64xf32, #tpu.memory_space<hbm>>
    %dma_wait3A_548 = arith.constant 0 : i32
    %dma_wait3A_549 = arith.constant 0 : i32
    %dma_wait3A_550 = tpu.memref_slice %arg6[%dma_wait3A_532, %dma_wait3A_548, %dma_wait3A_549] : memref<4x200x64xf32, #tpu.memory_space<vmem>> -> memref<1x200x64xf32, #tpu.memory_space<vmem>>
    %dma_wait3A_551 = tpu.memref_squeeze %dma_wait3A_550 : memref<1x200x64xf32, #tpu.memory_space<vmem>> -> memref<200x64xf32, #tpu.memory_space<vmem>>
    tpu.wait_dma2 semaphore(%dma_wait3A_543 : memref<!tpu.dma_semaphore, #tpu.memory_space<semaphore_mem>>) src(%dma_wait3A_551 : memref<200x64xf32, #tpu.memory_space<vmem>>) dst(%dma_wait3A_547 : memref<200x64xf32, #tpu.memory_space<hbm>>)
    %dma_start3A_552 = arith.constant 1 : i32
    %dma_start3A_553 = arith.constant 1 : i32
    %dma_start3A_554 = arith.constant 0 : i32
    %dma_start3A_555 = arith.constant 0 : i32
    %dma_start3A_556 = tpu.memref_slice %arg6[%dma_start3A_553, %dma_start3A_554, %dma_start3A_555] : memref<4x200x64xf32, #tpu.memory_space<vmem>> -> memref<1x128x64xf32, #tpu.memory_space<vmem>>
    %dma_start3A_557 = tpu.memref_squeeze %dma_start3A_556 : memref<1x128x64xf32, #tpu.memory_space<vmem>> -> memref<128x64xf32, #tpu.memory_space<vmem>>
    %dma_start3A_558 = arith.constant 0 : i32
    %dma_start3A_559 = tpu.memref_slice %arg5[%dma_start3A_552, %dma_start3A_558] : memref<4x200xi32, #tpu.memory_space<vmem>> -> memref<1x128xi32, #tpu.memory_space<vmem>>
    %dma_start3A_560 = tpu.memref_squeeze %dma_start3A_559 : memref<1x128xi32, #tpu.memory_space<vmem>> -> memref<128xi32, #tpu.memory_space<vmem>>
    %dma_start3A_561 = arith.constant 0 : i32
    %dma_start3A_562 = arith.constant 0 : i32
    %dma_start3A_563 = tpu.memref_slice %arg3[%dma_start3A_561, %dma_start3A_562] : memref<1000000x64xf32, #tpu.memory_space<hbm>> -> memref<1000000x64xf32, #tpu.memory_space<hbm>>
    tpu.enqueue_indirect_dma source(%dma_start3A_563 : memref<1000000x64xf32, #tpu.memory_space<hbm>>) target(%dma_start3A_557 : memref<128x64xf32, #tpu.memory_space<vmem>>) offsets(%dma_start3A_560 : memref<128xi32, #tpu.memory_space<vmem>>) semaphore(%arg8 : memref<!tpu.dma_semaphore, #tpu.memory_space<semaphore_mem>>)
    %dma_start3A_564 = arith.constant 1 : i32
    %dma_start3A_565 = arith.constant 1 : i32
    %dma_start3A_566 = arith.constant 128 : i32
    %dma_start3A_567 = arith.constant 0 : i32
    %dma_start3A_568 = tpu.memref_slice %arg6[%dma_start3A_565, %dma_start3A_566, %dma_start3A_567] : memref<4x200x64xf32, #tpu.memory_space<vmem>> -> memref<1x72x64xf32, #tpu.memory_space<vmem>>
    %dma_start3A_569 = tpu.memref_squeeze %dma_start3A_568 : memref<1x72x64xf32, #tpu.memory_space<vmem>> -> memref<72x64xf32, #tpu.memory_space<vmem>>
    %dma_start3A_570 = arith.constant 128 : i32
    %dma_start3A_571 = tpu.memref_slice %arg5[%dma_start3A_564, %dma_start3A_570] : memref<4x200xi32, #tpu.memory_space<vmem>> -> memref<1x72xi32, #tpu.memory_space<vmem>>
    %dma_start3A_572 = tpu.memref_squeeze %dma_start3A_571 : memref<1x72xi32, #tpu.memory_space<vmem>> -> memref<72xi32, #tpu.memory_space<vmem>>
    %dma_start3A_573 = arith.constant 0 : i32
    %dma_start3A_574 = arith.constant 0 : i32
    %dma_start3A_575 = tpu.memref_slice %arg3[%dma_start3A_573, %dma_start3A_574] : memref<1000000x64xf32, #tpu.memory_space<hbm>> -> memref<1000000x64xf32, #tpu.memory_space<hbm>>
    tpu.enqueue_indirect_dma source(%dma_start3A_575 : memref<1000000x64xf32, #tpu.memory_space<hbm>>) target(%dma_start3A_569 : memref<72x64xf32, #tpu.memory_space<vmem>>) offsets(%dma_start3A_572 : memref<72xi32, #tpu.memory_space<vmem>>) semaphore(%arg8 : memref<!tpu.dma_semaphore, #tpu.memory_space<semaphore_mem>>)
    %dma_wait3A_576 = arith.constant 0 : i32
    %dma_wait3A_577 = arith.constant 0 : i32
    %dma_wait3A_578 = arith.constant 0 : i32
    %dma_wait3A_579 = arith.constant 0 : i32
    %dma_wait3A_580 = tpu.memref_slice %arg6[%dma_wait3A_577, %dma_wait3A_578, %dma_wait3A_579] : memref<4x200x64xf32, #tpu.memory_space<vmem>> -> memref<1x128x64xf32, #tpu.memory_space<vmem>>
    %dma_wait3A_581 = tpu.memref_squeeze %dma_wait3A_580 : memref<1x128x64xf32, #tpu.memory_space<vmem>> -> memref<128x64xf32, #tpu.memory_space<vmem>>
    %dma_wait3A_582 = arith.constant 0 : i32
    %dma_wait3A_583 = tpu.memref_slice %arg5[%dma_wait3A_576, %dma_wait3A_582] : memref<4x200xi32, #tpu.memory_space<vmem>> -> memref<1x128xi32, #tpu.memory_space<vmem>>
    %dma_wait3A_584 = tpu.memref_squeeze %dma_wait3A_583 : memref<1x128xi32, #tpu.memory_space<vmem>> -> memref<128xi32, #tpu.memory_space<vmem>>
    %dma_wait3A_585 = arith.constant 0 : i32
    %dma_wait3A_586 = arith.constant 0 : i32
    %dma_wait3A_587 = tpu.memref_slice %arg3[%dma_wait3A_585, %dma_wait3A_586] : memref<1000000x64xf32, #tpu.memory_space<hbm>> -> memref<1000000x64xf32, #tpu.memory_space<hbm>>
    tpu.wait_indirect_dma semaphore(%arg8 : memref<!tpu.dma_semaphore, #tpu.memory_space<semaphore_mem>>) src(%dma_wait3A_587 : memref<1000000x64xf32, #tpu.memory_space<hbm>>) dst(%dma_wait3A_581 : memref<128x64xf32, #tpu.memory_space<vmem>>)
    %dma_wait3A_588 = arith.constant 0 : i32
    %dma_wait3A_589 = arith.constant 0 : i32
    %dma_wait3A_590 = arith.constant 128 : i32
    %dma_wait3A_591 = arith.constant 0 : i32
    %dma_wait3A_592 = tpu.memref_slice %arg6[%dma_wait3A_589, %dma_wait3A_590, %dma_wait3A_591] : memref<4x200x64xf32, #tpu.memory_space<vmem>> -> memref<1x72x64xf32, #tpu.memory_space<vmem>>
    %dma_wait3A_593 = tpu.memref_squeeze %dma_wait3A_592 : memref<1x72x64xf32, #tpu.memory_space<vmem>> -> memref<72x64xf32, #tpu.memory_space<vmem>>
    %dma_wait3A_594 = arith.constant 128 : i32
    %dma_wait3A_595 = tpu.memref_slice %arg5[%dma_wait3A_588, %dma_wait3A_594] : memref<4x200xi32, #tpu.memory_space<vmem>> -> memref<1x72xi32, #tpu.memory_space<vmem>>
    %dma_wait3A_596 = tpu.memref_squeeze %dma_wait3A_595 : memref<1x72xi32, #tpu.memory_space<vmem>> -> memref<72xi32, #tpu.memory_space<vmem>>
    %dma_wait3A_597 = arith.constant 0 : i32
    %dma_wait3A_598 = arith.constant 0 : i32
    %dma_wait3A_599 = tpu.memref_slice %arg3[%dma_wait3A_597, %dma_wait3A_598] : memref<1000000x64xf32, #tpu.memory_space<hbm>> -> memref<1000000x64xf32, #tpu.memory_space<hbm>>
    tpu.wait_indirect_dma semaphore(%arg8 : memref<!tpu.dma_semaphore, #tpu.memory_space<semaphore_mem>>) src(%dma_wait3A_599 : memref<1000000x64xf32, #tpu.memory_space<hbm>>) dst(%dma_wait3A_593 : memref<72x64xf32, #tpu.memory_space<vmem>>)
    %add3A_600 = arith.constant 124 : i32
    %add3A_601 = arith.addi %mul3A_2, %add3A_600 : i32
    %dma_start3A_602 = arith.constant 0 : i32
    %dma_start3A_603 = arith.constant 0 : i32
    %dma_start3A_604 = arith.constant 0 : i32
    %dma_start3A_605 = arith.constant 0 : i32
    %dma_start3A_606 = tpu.memref_slice %arg6[%dma_start3A_602, %dma_start3A_604, %dma_start3A_605] : memref<4x200x64xf32, #tpu.memory_space<vmem>> -> memref<1x200x64xf32, #tpu.memory_space<vmem>>
    %dma_start3A_607 = tpu.memref_squeeze %dma_start3A_606 : memref<1x200x64xf32, #tpu.memory_space<vmem>> -> memref<200x64xf32, #tpu.memory_space<vmem>>
    %dma_start3A_608 = arith.constant 0 : i32
    %dma_start3A_609 = arith.constant 0 : i32
    %dma_start3A_610 = tpu.memref_slice %arg4[%add3A_601, %dma_start3A_608, %dma_start3A_609] : memref<4096x200x64xf32, #tpu.memory_space<hbm>> -> memref<1x200x64xf32, #tpu.memory_space<hbm>>
    %dma_start3A_611 = tpu.memref_squeeze %dma_start3A_610 : memref<1x200x64xf32, #tpu.memory_space<hbm>> -> memref<200x64xf32, #tpu.memory_space<hbm>>
    %dma_start3A_612 = tpu.memref_slice %arg9[%dma_start3A_603] : memref<4x!tpu.dma_semaphore, #tpu.memory_space<semaphore_mem>> -> memref<1x!tpu.dma_semaphore, #tpu.memory_space<semaphore_mem>>
    %dma_start3A_613 = tpu.memref_squeeze %dma_start3A_612 : memref<1x!tpu.dma_semaphore, #tpu.memory_space<semaphore_mem>> -> memref<!tpu.dma_semaphore, #tpu.memory_space<semaphore_mem>>
    %dma_start3A_614 = arith.constant 0 : i32
    %dma_start3A_615 = arith.constant 0 : i32
    %dma_start3A_616 = tpu.memref_slice %arg4[%add3A_601, %dma_start3A_614, %dma_start3A_615] : memref<4096x200x64xf32, #tpu.memory_space<hbm>> -> memref<1x200x64xf32, #tpu.memory_space<hbm>>
    %dma_start3A_617 = tpu.memref_squeeze %dma_start3A_616 : memref<1x200x64xf32, #tpu.memory_space<hbm>> -> memref<200x64xf32, #tpu.memory_space<hbm>>
    %dma_start3A_618 = arith.constant 0 : i32
    %dma_start3A_619 = arith.constant 0 : i32
    %dma_start3A_620 = tpu.memref_slice %arg6[%dma_start3A_602, %dma_start3A_618, %dma_start3A_619] : memref<4x200x64xf32, #tpu.memory_space<vmem>> -> memref<1x200x64xf32, #tpu.memory_space<vmem>>
    %dma_start3A_621 = tpu.memref_squeeze %dma_start3A_620 : memref<1x200x64xf32, #tpu.memory_space<vmem>> -> memref<200x64xf32, #tpu.memory_space<vmem>>
    tpu.enqueue_dma source(%dma_start3A_621 : memref<200x64xf32, #tpu.memory_space<vmem>>) target(%dma_start3A_617 : memref<200x64xf32, #tpu.memory_space<hbm>>) target_semaphore(%dma_start3A_613 : memref<!tpu.dma_semaphore, #tpu.memory_space<semaphore_mem>>)
    %add3A_622 = arith.constant 25200 : i32
    %add3A_623 = arith.addi %mul3A_4, %add3A_622 : i32
    %dma_wait3A_624 = arith.constant 2 : i32
    %dma_wait3A_625 = arith.constant 2 : i32
    %dma_wait3A_626 = arith.constant 0 : i32
    %dma_wait3A_627 = tpu.memref_slice %arg5[%dma_wait3A_624, %dma_wait3A_626] : memref<4x200xi32, #tpu.memory_space<vmem>> -> memref<1x200xi32, #tpu.memory_space<vmem>>
    %dma_wait3A_628 = tpu.memref_squeeze %dma_wait3A_627 : memref<1x200xi32, #tpu.memory_space<vmem>> -> memref<200xi32, #tpu.memory_space<vmem>>
    %dma_wait3A_629 = tpu.memref_slice %arg2[%add3A_623] : memref<819200xi32, #tpu.memory_space<hbm>> -> memref<200xi32, #tpu.memory_space<hbm>>
    %dma_wait3A_630 = tpu.memref_slice %arg7[%dma_wait3A_625] : memref<4x!tpu.dma_semaphore, #tpu.memory_space<semaphore_mem>> -> memref<1x!tpu.dma_semaphore, #tpu.memory_space<semaphore_mem>>
    %dma_wait3A_631 = tpu.memref_squeeze %dma_wait3A_630 : memref<1x!tpu.dma_semaphore, #tpu.memory_space<semaphore_mem>> -> memref<!tpu.dma_semaphore, #tpu.memory_space<semaphore_mem>>
    %dma_wait3A_632 = arith.constant 0 : i32
    %dma_wait3A_633 = tpu.memref_slice %arg5[%dma_wait3A_624, %dma_wait3A_632] : memref<4x200xi32, #tpu.memory_space<vmem>> -> memref<1x200xi32, #tpu.memory_space<vmem>>
    %dma_wait3A_634 = tpu.memref_squeeze %dma_wait3A_633 : memref<1x200xi32, #tpu.memory_space<vmem>> -> memref<200xi32, #tpu.memory_space<vmem>>
    %dma_wait3A_635 = tpu.memref_slice %arg2[%add3A_623] : memref<819200xi32, #tpu.memory_space<hbm>> -> memref<200xi32, #tpu.memory_space<hbm>>
    tpu.wait_dma2 semaphore(%dma_wait3A_631 : memref<!tpu.dma_semaphore, #tpu.memory_space<semaphore_mem>>) src(%dma_wait3A_635 : memref<200xi32, #tpu.memory_space<hbm>>) dst(%dma_wait3A_634 : memref<200xi32, #tpu.memory_space<vmem>>)
    %add3A_636 = arith.constant 122 : i32
    %add3A_637 = arith.addi %mul3A_2, %add3A_636 : i32
    %dma_wait3A_638 = arith.constant 2 : i32
    %dma_wait3A_639 = arith.constant 2 : i32
    %dma_wait3A_640 = arith.constant 0 : i32
    %dma_wait3A_641 = arith.constant 0 : i32
    %dma_wait3A_642 = tpu.memref_slice %arg6[%dma_wait3A_638, %dma_wait3A_640, %dma_wait3A_641] : memref<4x200x64xf32, #tpu.memory_space<vmem>> -> memref<1x200x64xf32, #tpu.memory_space<vmem>>
    %dma_wait3A_643 = tpu.memref_squeeze %dma_wait3A_642 : memref<1x200x64xf32, #tpu.memory_space<vmem>> -> memref<200x64xf32, #tpu.memory_space<vmem>>
    %dma_wait3A_644 = arith.constant 0 : i32
    %dma_wait3A_645 = arith.constant 0 : i32
    %dma_wait3A_646 = tpu.memref_slice %arg4[%add3A_637, %dma_wait3A_644, %dma_wait3A_645] : memref<4096x200x64xf32, #tpu.memory_space<hbm>> -> memref<1x200x64xf32, #tpu.memory_space<hbm>>
    %dma_wait3A_647 = tpu.memref_squeeze %dma_wait3A_646 : memref<1x200x64xf32, #tpu.memory_space<hbm>> -> memref<200x64xf32, #tpu.memory_space<hbm>>
    %dma_wait3A_648 = tpu.memref_slice %arg9[%dma_wait3A_639] : memref<4x!tpu.dma_semaphore, #tpu.memory_space<semaphore_mem>> -> memref<1x!tpu.dma_semaphore, #tpu.memory_space<semaphore_mem>>
    %dma_wait3A_649 = tpu.memref_squeeze %dma_wait3A_648 : memref<1x!tpu.dma_semaphore, #tpu.memory_space<semaphore_mem>> -> memref<!tpu.dma_semaphore, #tpu.memory_space<semaphore_mem>>
    %dma_wait3A_650 = arith.constant 0 : i32
    %dma_wait3A_651 = arith.constant 0 : i32
    %dma_wait3A_652 = tpu.memref_slice %arg4[%add3A_637, %dma_wait3A_650, %dma_wait3A_651] : memref<4096x200x64xf32, #tpu.memory_space<hbm>> -> memref<1x200x64xf32, #tpu.memory_space<hbm>>
    %dma_wait3A_653 = tpu.memref_squeeze %dma_wait3A_652 : memref<1x200x64xf32, #tpu.memory_space<hbm>> -> memref<200x64xf32, #tpu.memory_space<hbm>>
    %dma_wait3A_654 = arith.constant 0 : i32
    %dma_wait3A_655 = arith.constant 0 : i32
    %dma_wait3A_656 = tpu.memref_slice %arg6[%dma_wait3A_638, %dma_wait3A_654, %dma_wait3A_655] : memref<4x200x64xf32, #tpu.memory_space<vmem>> -> memref<1x200x64xf32, #tpu.memory_space<vmem>>
    %dma_wait3A_657 = tpu.memref_squeeze %dma_wait3A_656 : memref<1x200x64xf32, #tpu.memory_space<vmem>> -> memref<200x64xf32, #tpu.memory_space<vmem>>
    tpu.wait_dma2 semaphore(%dma_wait3A_649 : memref<!tpu.dma_semaphore, #tpu.memory_space<semaphore_mem>>) src(%dma_wait3A_657 : memref<200x64xf32, #tpu.memory_space<vmem>>) dst(%dma_wait3A_653 : memref<200x64xf32, #tpu.memory_space<hbm>>)
    %dma_start3A_658 = arith.constant 2 : i32
    %dma_start3A_659 = arith.constant 2 : i32
    %dma_start3A_660 = arith.constant 0 : i32
    %dma_start3A_661 = arith.constant 0 : i32
    %dma_start3A_662 = tpu.memref_slice %arg6[%dma_start3A_659, %dma_start3A_660, %dma_start3A_661] : memref<4x200x64xf32, #tpu.memory_space<vmem>> -> memref<1x128x64xf32, #tpu.memory_space<vmem>>
    %dma_start3A_663 = tpu.memref_squeeze %dma_start3A_662 : memref<1x128x64xf32, #tpu.memory_space<vmem>> -> memref<128x64xf32, #tpu.memory_space<vmem>>
    %dma_start3A_664 = arith.constant 0 : i32
    %dma_start3A_665 = tpu.memref_slice %arg5[%dma_start3A_658, %dma_start3A_664] : memref<4x200xi32, #tpu.memory_space<vmem>> -> memref<1x128xi32, #tpu.memory_space<vmem>>
    %dma_start3A_666 = tpu.memref_squeeze %dma_start3A_665 : memref<1x128xi32, #tpu.memory_space<vmem>> -> memref<128xi32, #tpu.memory_space<vmem>>
    %dma_start3A_667 = arith.constant 0 : i32
    %dma_start3A_668 = arith.constant 0 : i32
    %dma_start3A_669 = tpu.memref_slice %arg3[%dma_start3A_667, %dma_start3A_668] : memref<1000000x64xf32, #tpu.memory_space<hbm>> -> memref<1000000x64xf32, #tpu.memory_space<hbm>>
    tpu.enqueue_indirect_dma source(%dma_start3A_669 : memref<1000000x64xf32, #tpu.memory_space<hbm>>) target(%dma_start3A_663 : memref<128x64xf32, #tpu.memory_space<vmem>>) offsets(%dma_start3A_666 : memref<128xi32, #tpu.memory_space<vmem>>) semaphore(%arg8 : memref<!tpu.dma_semaphore, #tpu.memory_space<semaphore_mem>>)
    %dma_start3A_670 = arith.constant 2 : i32
    %dma_start3A_671 = arith.constant 2 : i32
    %dma_start3A_672 = arith.constant 128 : i32
    %dma_start3A_673 = arith.constant 0 : i32
    %dma_start3A_674 = tpu.memref_slice %arg6[%dma_start3A_671, %dma_start3A_672, %dma_start3A_673] : memref<4x200x64xf32, #tpu.memory_space<vmem>> -> memref<1x72x64xf32, #tpu.memory_space<vmem>>
    %dma_start3A_675 = tpu.memref_squeeze %dma_start3A_674 : memref<1x72x64xf32, #tpu.memory_space<vmem>> -> memref<72x64xf32, #tpu.memory_space<vmem>>
    %dma_start3A_676 = arith.constant 128 : i32
    %dma_start3A_677 = tpu.memref_slice %arg5[%dma_start3A_670, %dma_start3A_676] : memref<4x200xi32, #tpu.memory_space<vmem>> -> memref<1x72xi32, #tpu.memory_space<vmem>>
    %dma_start3A_678 = tpu.memref_squeeze %dma_start3A_677 : memref<1x72xi32, #tpu.memory_space<vmem>> -> memref<72xi32, #tpu.memory_space<vmem>>
    %dma_start3A_679 = arith.constant 0 : i32
    %dma_start3A_680 = arith.constant 0 : i32
    %dma_start3A_681 = tpu.memref_slice %arg3[%dma_start3A_679, %dma_start3A_680] : memref<1000000x64xf32, #tpu.memory_space<hbm>> -> memref<1000000x64xf32, #tpu.memory_space<hbm>>
    tpu.enqueue_indirect_dma source(%dma_start3A_681 : memref<1000000x64xf32, #tpu.memory_space<hbm>>) target(%dma_start3A_675 : memref<72x64xf32, #tpu.memory_space<vmem>>) offsets(%dma_start3A_678 : memref<72xi32, #tpu.memory_space<vmem>>) semaphore(%arg8 : memref<!tpu.dma_semaphore, #tpu.memory_space<semaphore_mem>>)
    %dma_wait3A_682 = arith.constant 1 : i32
    %dma_wait3A_683 = arith.constant 1 : i32
    %dma_wait3A_684 = arith.constant 0 : i32
    %dma_wait3A_685 = arith.constant 0 : i32
    %dma_wait3A_686 = tpu.memref_slice %arg6[%dma_wait3A_683, %dma_wait3A_684, %dma_wait3A_685] : memref<4x200x64xf32, #tpu.memory_space<vmem>> -> memref<1x128x64xf32, #tpu.memory_space<vmem>>
    %dma_wait3A_687 = tpu.memref_squeeze %dma_wait3A_686 : memref<1x128x64xf32, #tpu.memory_space<vmem>> -> memref<128x64xf32, #tpu.memory_space<vmem>>
    %dma_wait3A_688 = arith.constant 0 : i32
    %dma_wait3A_689 = tpu.memref_slice %arg5[%dma_wait3A_682, %dma_wait3A_688] : memref<4x200xi32, #tpu.memory_space<vmem>> -> memref<1x128xi32, #tpu.memory_space<vmem>>
    %dma_wait3A_690 = tpu.memref_squeeze %dma_wait3A_689 : memref<1x128xi32, #tpu.memory_space<vmem>> -> memref<128xi32, #tpu.memory_space<vmem>>
    %dma_wait3A_691 = arith.constant 0 : i32
    %dma_wait3A_692 = arith.constant 0 : i32
    %dma_wait3A_693 = tpu.memref_slice %arg3[%dma_wait3A_691, %dma_wait3A_692] : memref<1000000x64xf32, #tpu.memory_space<hbm>> -> memref<1000000x64xf32, #tpu.memory_space<hbm>>
    tpu.wait_indirect_dma semaphore(%arg8 : memref<!tpu.dma_semaphore, #tpu.memory_space<semaphore_mem>>) src(%dma_wait3A_693 : memref<1000000x64xf32, #tpu.memory_space<hbm>>) dst(%dma_wait3A_687 : memref<128x64xf32, #tpu.memory_space<vmem>>)
    %dma_wait3A_694 = arith.constant 1 : i32
    %dma_wait3A_695 = arith.constant 1 : i32
    %dma_wait3A_696 = arith.constant 128 : i32
    %dma_wait3A_697 = arith.constant 0 : i32
    %dma_wait3A_698 = tpu.memref_slice %arg6[%dma_wait3A_695, %dma_wait3A_696, %dma_wait3A_697] : memref<4x200x64xf32, #tpu.memory_space<vmem>> -> memref<1x72x64xf32, #tpu.memory_space<vmem>>
    %dma_wait3A_699 = tpu.memref_squeeze %dma_wait3A_698 : memref<1x72x64xf32, #tpu.memory_space<vmem>> -> memref<72x64xf32, #tpu.memory_space<vmem>>
    %dma_wait3A_700 = arith.constant 128 : i32
    %dma_wait3A_701 = tpu.memref_slice %arg5[%dma_wait3A_694, %dma_wait3A_700] : memref<4x200xi32, #tpu.memory_space<vmem>> -> memref<1x72xi32, #tpu.memory_space<vmem>>
    %dma_wait3A_702 = tpu.memref_squeeze %dma_wait3A_701 : memref<1x72xi32, #tpu.memory_space<vmem>> -> memref<72xi32, #tpu.memory_space<vmem>>
    %dma_wait3A_703 = arith.constant 0 : i32
    %dma_wait3A_704 = arith.constant 0 : i32
    %dma_wait3A_705 = tpu.memref_slice %arg3[%dma_wait3A_703, %dma_wait3A_704] : memref<1000000x64xf32, #tpu.memory_space<hbm>> -> memref<1000000x64xf32, #tpu.memory_space<hbm>>
    tpu.wait_indirect_dma semaphore(%arg8 : memref<!tpu.dma_semaphore, #tpu.memory_space<semaphore_mem>>) src(%dma_wait3A_705 : memref<1000000x64xf32, #tpu.memory_space<hbm>>) dst(%dma_wait3A_699 : memref<72x64xf32, #tpu.memory_space<vmem>>)
    %add3A_706 = arith.constant 125 : i32
    %add3A_707 = arith.addi %mul3A_2, %add3A_706 : i32
    %dma_start3A_708 = arith.constant 1 : i32
    %dma_start3A_709 = arith.constant 1 : i32
    %dma_start3A_710 = arith.constant 0 : i32
    %dma_start3A_711 = arith.constant 0 : i32
    %dma_start3A_712 = tpu.memref_slice %arg6[%dma_start3A_708, %dma_start3A_710, %dma_start3A_711] : memref<4x200x64xf32, #tpu.memory_space<vmem>> -> memref<1x200x64xf32, #tpu.memory_space<vmem>>
    %dma_start3A_713 = tpu.memref_squeeze %dma_start3A_712 : memref<1x200x64xf32, #tpu.memory_space<vmem>> -> memref<200x64xf32, #tpu.memory_space<vmem>>
    %dma_start3A_714 = arith.constant 0 : i32
    %dma_start3A_715 = arith.constant 0 : i32
    %dma_start3A_716 = tpu.memref_slice %arg4[%add3A_707, %dma_start3A_714, %dma_start3A_715] : memref<4096x200x64xf32, #tpu.memory_space<hbm>> -> memref<1x200x64xf32, #tpu.memory_space<hbm>>
    %dma_start3A_717 = tpu.memref_squeeze %dma_start3A_716 : memref<1x200x64xf32, #tpu.memory_space<hbm>> -> memref<200x64xf32, #tpu.memory_space<hbm>>
    %dma_start3A_718 = tpu.memref_slice %arg9[%dma_start3A_709] : memref<4x!tpu.dma_semaphore, #tpu.memory_space<semaphore_mem>> -> memref<1x!tpu.dma_semaphore, #tpu.memory_space<semaphore_mem>>
    %dma_start3A_719 = tpu.memref_squeeze %dma_start3A_718 : memref<1x!tpu.dma_semaphore, #tpu.memory_space<semaphore_mem>> -> memref<!tpu.dma_semaphore, #tpu.memory_space<semaphore_mem>>
    %dma_start3A_720 = arith.constant 0 : i32
    %dma_start3A_721 = arith.constant 0 : i32
    %dma_start3A_722 = tpu.memref_slice %arg4[%add3A_707, %dma_start3A_720, %dma_start3A_721] : memref<4096x200x64xf32, #tpu.memory_space<hbm>> -> memref<1x200x64xf32, #tpu.memory_space<hbm>>
    %dma_start3A_723 = tpu.memref_squeeze %dma_start3A_722 : memref<1x200x64xf32, #tpu.memory_space<hbm>> -> memref<200x64xf32, #tpu.memory_space<hbm>>
    %dma_start3A_724 = arith.constant 0 : i32
    %dma_start3A_725 = arith.constant 0 : i32
    %dma_start3A_726 = tpu.memref_slice %arg6[%dma_start3A_708, %dma_start3A_724, %dma_start3A_725] : memref<4x200x64xf32, #tpu.memory_space<vmem>> -> memref<1x200x64xf32, #tpu.memory_space<vmem>>
    %dma_start3A_727 = tpu.memref_squeeze %dma_start3A_726 : memref<1x200x64xf32, #tpu.memory_space<vmem>> -> memref<200x64xf32, #tpu.memory_space<vmem>>
    tpu.enqueue_dma source(%dma_start3A_727 : memref<200x64xf32, #tpu.memory_space<vmem>>) target(%dma_start3A_723 : memref<200x64xf32, #tpu.memory_space<hbm>>) target_semaphore(%dma_start3A_719 : memref<!tpu.dma_semaphore, #tpu.memory_space<semaphore_mem>>)
    %add3A_728 = arith.constant 25400 : i32
    %add3A_729 = arith.addi %mul3A_4, %add3A_728 : i32
    %dma_wait3A_730 = arith.constant 3 : i32
    %dma_wait3A_731 = arith.constant 3 : i32
    %dma_wait3A_732 = arith.constant 0 : i32
    %dma_wait3A_733 = tpu.memref_slice %arg5[%dma_wait3A_730, %dma_wait3A_732] : memref<4x200xi32, #tpu.memory_space<vmem>> -> memref<1x200xi32, #tpu.memory_space<vmem>>
    %dma_wait3A_734 = tpu.memref_squeeze %dma_wait3A_733 : memref<1x200xi32, #tpu.memory_space<vmem>> -> memref<200xi32, #tpu.memory_space<vmem>>
    %dma_wait3A_735 = tpu.memref_slice %arg2[%add3A_729] : memref<819200xi32, #tpu.memory_space<hbm>> -> memref<200xi32, #tpu.memory_space<hbm>>
    %dma_wait3A_736 = tpu.memref_slice %arg7[%dma_wait3A_731] : memref<4x!tpu.dma_semaphore, #tpu.memory_space<semaphore_mem>> -> memref<1x!tpu.dma_semaphore, #tpu.memory_space<semaphore_mem>>
    %dma_wait3A_737 = tpu.memref_squeeze %dma_wait3A_736 : memref<1x!tpu.dma_semaphore, #tpu.memory_space<semaphore_mem>> -> memref<!tpu.dma_semaphore, #tpu.memory_space<semaphore_mem>>
    %dma_wait3A_738 = arith.constant 0 : i32
    %dma_wait3A_739 = tpu.memref_slice %arg5[%dma_wait3A_730, %dma_wait3A_738] : memref<4x200xi32, #tpu.memory_space<vmem>> -> memref<1x200xi32, #tpu.memory_space<vmem>>
    %dma_wait3A_740 = tpu.memref_squeeze %dma_wait3A_739 : memref<1x200xi32, #tpu.memory_space<vmem>> -> memref<200xi32, #tpu.memory_space<vmem>>
    %dma_wait3A_741 = tpu.memref_slice %arg2[%add3A_729] : memref<819200xi32, #tpu.memory_space<hbm>> -> memref<200xi32, #tpu.memory_space<hbm>>
    tpu.wait_dma2 semaphore(%dma_wait3A_737 : memref<!tpu.dma_semaphore, #tpu.memory_space<semaphore_mem>>) src(%dma_wait3A_741 : memref<200xi32, #tpu.memory_space<hbm>>) dst(%dma_wait3A_740 : memref<200xi32, #tpu.memory_space<vmem>>)
    %add3A_742 = arith.constant 123 : i32
    %add3A_743 = arith.addi %mul3A_2, %add3A_742 : i32
    %dma_wait3A_744 = arith.constant 3 : i32
    %dma_wait3A_745 = arith.constant 3 : i32
    %dma_wait3A_746 = arith.constant 0 : i32
    %dma_wait3A_747 = arith.constant 0 : i32
    %dma_wait3A_748 = tpu.memref_slice %arg6[%dma_wait3A_744, %dma_wait3A_746, %dma_wait3A_747] : memref<4x200x64xf32, #tpu.memory_space<vmem>> -> memref<1x200x64xf32, #tpu.memory_space<vmem>>
    %dma_wait3A_749 = tpu.memref_squeeze %dma_wait3A_748 : memref<1x200x64xf32, #tpu.memory_space<vmem>> -> memref<200x64xf32, #tpu.memory_space<vmem>>
    %dma_wait3A_750 = arith.constant 0 : i32
    %dma_wait3A_751 = arith.constant 0 : i32
    %dma_wait3A_752 = tpu.memref_slice %arg4[%add3A_743, %dma_wait3A_750, %dma_wait3A_751] : memref<4096x200x64xf32, #tpu.memory_space<hbm>> -> memref<1x200x64xf32, #tpu.memory_space<hbm>>
    %dma_wait3A_753 = tpu.memref_squeeze %dma_wait3A_752 : memref<1x200x64xf32, #tpu.memory_space<hbm>> -> memref<200x64xf32, #tpu.memory_space<hbm>>
    %dma_wait3A_754 = tpu.memref_slice %arg9[%dma_wait3A_745] : memref<4x!tpu.dma_semaphore, #tpu.memory_space<semaphore_mem>> -> memref<1x!tpu.dma_semaphore, #tpu.memory_space<semaphore_mem>>
    %dma_wait3A_755 = tpu.memref_squeeze %dma_wait3A_754 : memref<1x!tpu.dma_semaphore, #tpu.memory_space<semaphore_mem>> -> memref<!tpu.dma_semaphore, #tpu.memory_space<semaphore_mem>>
    %dma_wait3A_756 = arith.constant 0 : i32
    %dma_wait3A_757 = arith.constant 0 : i32
    %dma_wait3A_758 = tpu.memref_slice %arg4[%add3A_743, %dma_wait3A_756, %dma_wait3A_757] : memref<4096x200x64xf32, #tpu.memory_space<hbm>> -> memref<1x200x64xf32, #tpu.memory_space<hbm>>
    %dma_wait3A_759 = tpu.memref_squeeze %dma_wait3A_758 : memref<1x200x64xf32, #tpu.memory_space<hbm>> -> memref<200x64xf32, #tpu.memory_space<hbm>>
    %dma_wait3A_760 = arith.constant 0 : i32
    %dma_wait3A_761 = arith.constant 0 : i32
    %dma_wait3A_762 = tpu.memref_slice %arg6[%dma_wait3A_744, %dma_wait3A_760, %dma_wait3A_761] : memref<4x200x64xf32, #tpu.memory_space<vmem>> -> memref<1x200x64xf32, #tpu.memory_space<vmem>>
    %dma_wait3A_763 = tpu.memref_squeeze %dma_wait3A_762 : memref<1x200x64xf32, #tpu.memory_space<vmem>> -> memref<200x64xf32, #tpu.memory_space<vmem>>
    tpu.wait_dma2 semaphore(%dma_wait3A_755 : memref<!tpu.dma_semaphore, #tpu.memory_space<semaphore_mem>>) src(%dma_wait3A_763 : memref<200x64xf32, #tpu.memory_space<vmem>>) dst(%dma_wait3A_759 : memref<200x64xf32, #tpu.memory_space<hbm>>)
    %dma_start3A_764 = arith.constant 3 : i32
    %dma_start3A_765 = arith.constant 3 : i32
    %dma_start3A_766 = arith.constant 0 : i32
    %dma_start3A_767 = arith.constant 0 : i32
    %dma_start3A_768 = tpu.memref_slice %arg6[%dma_start3A_765, %dma_start3A_766, %dma_start3A_767] : memref<4x200x64xf32, #tpu.memory_space<vmem>> -> memref<1x128x64xf32, #tpu.memory_space<vmem>>
    %dma_start3A_769 = tpu.memref_squeeze %dma_start3A_768 : memref<1x128x64xf32, #tpu.memory_space<vmem>> -> memref<128x64xf32, #tpu.memory_space<vmem>>
    %dma_start3A_770 = arith.constant 0 : i32
    %dma_start3A_771 = tpu.memref_slice %arg5[%dma_start3A_764, %dma_start3A_770] : memref<4x200xi32, #tpu.memory_space<vmem>> -> memref<1x128xi32, #tpu.memory_space<vmem>>
    %dma_start3A_772 = tpu.memref_squeeze %dma_start3A_771 : memref<1x128xi32, #tpu.memory_space<vmem>> -> memref<128xi32, #tpu.memory_space<vmem>>
    %dma_start3A_773 = arith.constant 0 : i32
    %dma_start3A_774 = arith.constant 0 : i32
    %dma_start3A_775 = tpu.memref_slice %arg3[%dma_start3A_773, %dma_start3A_774] : memref<1000000x64xf32, #tpu.memory_space<hbm>> -> memref<1000000x64xf32, #tpu.memory_space<hbm>>
    tpu.enqueue_indirect_dma source(%dma_start3A_775 : memref<1000000x64xf32, #tpu.memory_space<hbm>>) target(%dma_start3A_769 : memref<128x64xf32, #tpu.memory_space<vmem>>) offsets(%dma_start3A_772 : memref<128xi32, #tpu.memory_space<vmem>>) semaphore(%arg8 : memref<!tpu.dma_semaphore, #tpu.memory_space<semaphore_mem>>)
    %dma_start3A_776 = arith.constant 3 : i32
    %dma_start3A_777 = arith.constant 3 : i32
    %dma_start3A_778 = arith.constant 128 : i32
    %dma_start3A_779 = arith.constant 0 : i32
    %dma_start3A_780 = tpu.memref_slice %arg6[%dma_start3A_777, %dma_start3A_778, %dma_start3A_779] : memref<4x200x64xf32, #tpu.memory_space<vmem>> -> memref<1x72x64xf32, #tpu.memory_space<vmem>>
    %dma_start3A_781 = tpu.memref_squeeze %dma_start3A_780 : memref<1x72x64xf32, #tpu.memory_space<vmem>> -> memref<72x64xf32, #tpu.memory_space<vmem>>
    %dma_start3A_782 = arith.constant 128 : i32
    %dma_start3A_783 = tpu.memref_slice %arg5[%dma_start3A_776, %dma_start3A_782] : memref<4x200xi32, #tpu.memory_space<vmem>> -> memref<1x72xi32, #tpu.memory_space<vmem>>
    %dma_start3A_784 = tpu.memref_squeeze %dma_start3A_783 : memref<1x72xi32, #tpu.memory_space<vmem>> -> memref<72xi32, #tpu.memory_space<vmem>>
    %dma_start3A_785 = arith.constant 0 : i32
    %dma_start3A_786 = arith.constant 0 : i32
    %dma_start3A_787 = tpu.memref_slice %arg3[%dma_start3A_785, %dma_start3A_786] : memref<1000000x64xf32, #tpu.memory_space<hbm>> -> memref<1000000x64xf32, #tpu.memory_space<hbm>>
    tpu.enqueue_indirect_dma source(%dma_start3A_787 : memref<1000000x64xf32, #tpu.memory_space<hbm>>) target(%dma_start3A_781 : memref<72x64xf32, #tpu.memory_space<vmem>>) offsets(%dma_start3A_784 : memref<72xi32, #tpu.memory_space<vmem>>) semaphore(%arg8 : memref<!tpu.dma_semaphore, #tpu.memory_space<semaphore_mem>>)
    %dma_wait3A_788 = arith.constant 2 : i32
    %dma_wait3A_789 = arith.constant 2 : i32
    %dma_wait3A_790 = arith.constant 0 : i32
    %dma_wait3A_791 = arith.constant 0 : i32
    %dma_wait3A_792 = tpu.memref_slice %arg6[%dma_wait3A_789, %dma_wait3A_790, %dma_wait3A_791] : memref<4x200x64xf32, #tpu.memory_space<vmem>> -> memref<1x128x64xf32, #tpu.memory_space<vmem>>
    %dma_wait3A_793 = tpu.memref_squeeze %dma_wait3A_792 : memref<1x128x64xf32, #tpu.memory_space<vmem>> -> memref<128x64xf32, #tpu.memory_space<vmem>>
    %dma_wait3A_794 = arith.constant 0 : i32
    %dma_wait3A_795 = tpu.memref_slice %arg5[%dma_wait3A_788, %dma_wait3A_794] : memref<4x200xi32, #tpu.memory_space<vmem>> -> memref<1x128xi32, #tpu.memory_space<vmem>>
    %dma_wait3A_796 = tpu.memref_squeeze %dma_wait3A_795 : memref<1x128xi32, #tpu.memory_space<vmem>> -> memref<128xi32, #tpu.memory_space<vmem>>
    %dma_wait3A_797 = arith.constant 0 : i32
    %dma_wait3A_798 = arith.constant 0 : i32
    %dma_wait3A_799 = tpu.memref_slice %arg3[%dma_wait3A_797, %dma_wait3A_798] : memref<1000000x64xf32, #tpu.memory_space<hbm>> -> memref<1000000x64xf32, #tpu.memory_space<hbm>>
    tpu.wait_indirect_dma semaphore(%arg8 : memref<!tpu.dma_semaphore, #tpu.memory_space<semaphore_mem>>) src(%dma_wait3A_799 : memref<1000000x64xf32, #tpu.memory_space<hbm>>) dst(%dma_wait3A_793 : memref<128x64xf32, #tpu.memory_space<vmem>>)
    %dma_wait3A_800 = arith.constant 2 : i32
    %dma_wait3A_801 = arith.constant 2 : i32
    %dma_wait3A_802 = arith.constant 128 : i32
    %dma_wait3A_803 = arith.constant 0 : i32
    %dma_wait3A_804 = tpu.memref_slice %arg6[%dma_wait3A_801, %dma_wait3A_802, %dma_wait3A_803] : memref<4x200x64xf32, #tpu.memory_space<vmem>> -> memref<1x72x64xf32, #tpu.memory_space<vmem>>
    %dma_wait3A_805 = tpu.memref_squeeze %dma_wait3A_804 : memref<1x72x64xf32, #tpu.memory_space<vmem>> -> memref<72x64xf32, #tpu.memory_space<vmem>>
    %dma_wait3A_806 = arith.constant 128 : i32
    %dma_wait3A_807 = tpu.memref_slice %arg5[%dma_wait3A_800, %dma_wait3A_806] : memref<4x200xi32, #tpu.memory_space<vmem>> -> memref<1x72xi32, #tpu.memory_space<vmem>>
    %dma_wait3A_808 = tpu.memref_squeeze %dma_wait3A_807 : memref<1x72xi32, #tpu.memory_space<vmem>> -> memref<72xi32, #tpu.memory_space<vmem>>
    %dma_wait3A_809 = arith.constant 0 : i32
    %dma_wait3A_810 = arith.constant 0 : i32
    %dma_wait3A_811 = tpu.memref_slice %arg3[%dma_wait3A_809, %dma_wait3A_810] : memref<1000000x64xf32, #tpu.memory_space<hbm>> -> memref<1000000x64xf32, #tpu.memory_space<hbm>>
    tpu.wait_indirect_dma semaphore(%arg8 : memref<!tpu.dma_semaphore, #tpu.memory_space<semaphore_mem>>) src(%dma_wait3A_811 : memref<1000000x64xf32, #tpu.memory_space<hbm>>) dst(%dma_wait3A_805 : memref<72x64xf32, #tpu.memory_space<vmem>>)
    %add3A_812 = arith.constant 126 : i32
    %add3A_813 = arith.addi %mul3A_2, %add3A_812 : i32
    %dma_start3A_814 = arith.constant 2 : i32
    %dma_start3A_815 = arith.constant 2 : i32
    %dma_start3A_816 = arith.constant 0 : i32
    %dma_start3A_817 = arith.constant 0 : i32
    %dma_start3A_818 = tpu.memref_slice %arg6[%dma_start3A_814, %dma_start3A_816, %dma_start3A_817] : memref<4x200x64xf32, #tpu.memory_space<vmem>> -> memref<1x200x64xf32, #tpu.memory_space<vmem>>
    %dma_start3A_819 = tpu.memref_squeeze %dma_start3A_818 : memref<1x200x64xf32, #tpu.memory_space<vmem>> -> memref<200x64xf32, #tpu.memory_space<vmem>>
    %dma_start3A_820 = arith.constant 0 : i32
    %dma_start3A_821 = arith.constant 0 : i32
    %dma_start3A_822 = tpu.memref_slice %arg4[%add3A_813, %dma_start3A_820, %dma_start3A_821] : memref<4096x200x64xf32, #tpu.memory_space<hbm>> -> memref<1x200x64xf32, #tpu.memory_space<hbm>>
    %dma_start3A_823 = tpu.memref_squeeze %dma_start3A_822 : memref<1x200x64xf32, #tpu.memory_space<hbm>> -> memref<200x64xf32, #tpu.memory_space<hbm>>
    %dma_start3A_824 = tpu.memref_slice %arg9[%dma_start3A_815] : memref<4x!tpu.dma_semaphore, #tpu.memory_space<semaphore_mem>> -> memref<1x!tpu.dma_semaphore, #tpu.memory_space<semaphore_mem>>
    %dma_start3A_825 = tpu.memref_squeeze %dma_start3A_824 : memref<1x!tpu.dma_semaphore, #tpu.memory_space<semaphore_mem>> -> memref<!tpu.dma_semaphore, #tpu.memory_space<semaphore_mem>>
    %dma_start3A_826 = arith.constant 0 : i32
    %dma_start3A_827 = arith.constant 0 : i32
    %dma_start3A_828 = tpu.memref_slice %arg4[%add3A_813, %dma_start3A_826, %dma_start3A_827] : memref<4096x200x64xf32, #tpu.memory_space<hbm>> -> memref<1x200x64xf32, #tpu.memory_space<hbm>>
    %dma_start3A_829 = tpu.memref_squeeze %dma_start3A_828 : memref<1x200x64xf32, #tpu.memory_space<hbm>> -> memref<200x64xf32, #tpu.memory_space<hbm>>
    %dma_start3A_830 = arith.constant 0 : i32
    %dma_start3A_831 = arith.constant 0 : i32
    %dma_start3A_832 = tpu.memref_slice %arg6[%dma_start3A_814, %dma_start3A_830, %dma_start3A_831] : memref<4x200x64xf32, #tpu.memory_space<vmem>> -> memref<1x200x64xf32, #tpu.memory_space<vmem>>
    %dma_start3A_833 = tpu.memref_squeeze %dma_start3A_832 : memref<1x200x64xf32, #tpu.memory_space<vmem>> -> memref<200x64xf32, #tpu.memory_space<vmem>>
    tpu.enqueue_dma source(%dma_start3A_833 : memref<200x64xf32, #tpu.memory_space<vmem>>) target(%dma_start3A_829 : memref<200x64xf32, #tpu.memory_space<hbm>>) target_semaphore(%dma_start3A_825 : memref<!tpu.dma_semaphore, #tpu.memory_space<semaphore_mem>>)
    %dma_wait3A_834 = arith.constant 3 : i32
    %dma_wait3A_835 = arith.constant 3 : i32
    %dma_wait3A_836 = arith.constant 0 : i32
    %dma_wait3A_837 = arith.constant 0 : i32
    %dma_wait3A_838 = tpu.memref_slice %arg6[%dma_wait3A_835, %dma_wait3A_836, %dma_wait3A_837] : memref<4x200x64xf32, #tpu.memory_space<vmem>> -> memref<1x128x64xf32, #tpu.memory_space<vmem>>
    %dma_wait3A_839 = tpu.memref_squeeze %dma_wait3A_838 : memref<1x128x64xf32, #tpu.memory_space<vmem>> -> memref<128x64xf32, #tpu.memory_space<vmem>>
    %dma_wait3A_840 = arith.constant 0 : i32
    %dma_wait3A_841 = tpu.memref_slice %arg5[%dma_wait3A_834, %dma_wait3A_840] : memref<4x200xi32, #tpu.memory_space<vmem>> -> memref<1x128xi32, #tpu.memory_space<vmem>>
    %dma_wait3A_842 = tpu.memref_squeeze %dma_wait3A_841 : memref<1x128xi32, #tpu.memory_space<vmem>> -> memref<128xi32, #tpu.memory_space<vmem>>
    %dma_wait3A_843 = arith.constant 0 : i32
    %dma_wait3A_844 = arith.constant 0 : i32
    %dma_wait3A_845 = tpu.memref_slice %arg3[%dma_wait3A_843, %dma_wait3A_844] : memref<1000000x64xf32, #tpu.memory_space<hbm>> -> memref<1000000x64xf32, #tpu.memory_space<hbm>>
    tpu.wait_indirect_dma semaphore(%arg8 : memref<!tpu.dma_semaphore, #tpu.memory_space<semaphore_mem>>) src(%dma_wait3A_845 : memref<1000000x64xf32, #tpu.memory_space<hbm>>) dst(%dma_wait3A_839 : memref<128x64xf32, #tpu.memory_space<vmem>>)
    %dma_wait3A_846 = arith.constant 3 : i32
    %dma_wait3A_847 = arith.constant 3 : i32
    %dma_wait3A_848 = arith.constant 128 : i32
    %dma_wait3A_849 = arith.constant 0 : i32
    %dma_wait3A_850 = tpu.memref_slice %arg6[%dma_wait3A_847, %dma_wait3A_848, %dma_wait3A_849] : memref<4x200x64xf32, #tpu.memory_space<vmem>> -> memref<1x72x64xf32, #tpu.memory_space<vmem>>
    %dma_wait3A_851 = tpu.memref_squeeze %dma_wait3A_850 : memref<1x72x64xf32, #tpu.memory_space<vmem>> -> memref<72x64xf32, #tpu.memory_space<vmem>>
    %dma_wait3A_852 = arith.constant 128 : i32
    %dma_wait3A_853 = tpu.memref_slice %arg5[%dma_wait3A_846, %dma_wait3A_852] : memref<4x200xi32, #tpu.memory_space<vmem>> -> memref<1x72xi32, #tpu.memory_space<vmem>>
    %dma_wait3A_854 = tpu.memref_squeeze %dma_wait3A_853 : memref<1x72xi32, #tpu.memory_space<vmem>> -> memref<72xi32, #tpu.memory_space<vmem>>
    %dma_wait3A_855 = arith.constant 0 : i32
    %dma_wait3A_856 = arith.constant 0 : i32
    %dma_wait3A_857 = tpu.memref_slice %arg3[%dma_wait3A_855, %dma_wait3A_856] : memref<1000000x64xf32, #tpu.memory_space<hbm>> -> memref<1000000x64xf32, #tpu.memory_space<hbm>>
    tpu.wait_indirect_dma semaphore(%arg8 : memref<!tpu.dma_semaphore, #tpu.memory_space<semaphore_mem>>) src(%dma_wait3A_857 : memref<1000000x64xf32, #tpu.memory_space<hbm>>) dst(%dma_wait3A_851 : memref<72x64xf32, #tpu.memory_space<vmem>>)
    %add3A_858 = arith.constant 127 : i32
    %add3A_859 = arith.addi %mul3A_2, %add3A_858 : i32
    %dma_start3A_860 = arith.constant 3 : i32
    %dma_start3A_861 = arith.constant 3 : i32
    %dma_start3A_862 = arith.constant 0 : i32
    %dma_start3A_863 = arith.constant 0 : i32
    %dma_start3A_864 = tpu.memref_slice %arg6[%dma_start3A_860, %dma_start3A_862, %dma_start3A_863] : memref<4x200x64xf32, #tpu.memory_space<vmem>> -> memref<1x200x64xf32, #tpu.memory_space<vmem>>
    %dma_start3A_865 = tpu.memref_squeeze %dma_start3A_864 : memref<1x200x64xf32, #tpu.memory_space<vmem>> -> memref<200x64xf32, #tpu.memory_space<vmem>>
    %dma_start3A_866 = arith.constant 0 : i32
    %dma_start3A_867 = arith.constant 0 : i32
    %dma_start3A_868 = tpu.memref_slice %arg4[%add3A_859, %dma_start3A_866, %dma_start3A_867] : memref<4096x200x64xf32, #tpu.memory_space<hbm>> -> memref<1x200x64xf32, #tpu.memory_space<hbm>>
    %dma_start3A_869 = tpu.memref_squeeze %dma_start3A_868 : memref<1x200x64xf32, #tpu.memory_space<hbm>> -> memref<200x64xf32, #tpu.memory_space<hbm>>
    %dma_start3A_870 = tpu.memref_slice %arg9[%dma_start3A_861] : memref<4x!tpu.dma_semaphore, #tpu.memory_space<semaphore_mem>> -> memref<1x!tpu.dma_semaphore, #tpu.memory_space<semaphore_mem>>
    %dma_start3A_871 = tpu.memref_squeeze %dma_start3A_870 : memref<1x!tpu.dma_semaphore, #tpu.memory_space<semaphore_mem>> -> memref<!tpu.dma_semaphore, #tpu.memory_space<semaphore_mem>>
    %dma_start3A_872 = arith.constant 0 : i32
    %dma_start3A_873 = arith.constant 0 : i32
    %dma_start3A_874 = tpu.memref_slice %arg4[%add3A_859, %dma_start3A_872, %dma_start3A_873] : memref<4096x200x64xf32, #tpu.memory_space<hbm>> -> memref<1x200x64xf32, #tpu.memory_space<hbm>>
    %dma_start3A_875 = tpu.memref_squeeze %dma_start3A_874 : memref<1x200x64xf32, #tpu.memory_space<hbm>> -> memref<200x64xf32, #tpu.memory_space<hbm>>
    %dma_start3A_876 = arith.constant 0 : i32
    %dma_start3A_877 = arith.constant 0 : i32
    %dma_start3A_878 = tpu.memref_slice %arg6[%dma_start3A_860, %dma_start3A_876, %dma_start3A_877] : memref<4x200x64xf32, #tpu.memory_space<vmem>> -> memref<1x200x64xf32, #tpu.memory_space<vmem>>
    %dma_start3A_879 = tpu.memref_squeeze %dma_start3A_878 : memref<1x200x64xf32, #tpu.memory_space<vmem>> -> memref<200x64xf32, #tpu.memory_space<vmem>>
    tpu.enqueue_dma source(%dma_start3A_879 : memref<200x64xf32, #tpu.memory_space<vmem>>) target(%dma_start3A_875 : memref<200x64xf32, #tpu.memory_space<hbm>>) target_semaphore(%dma_start3A_871 : memref<!tpu.dma_semaphore, #tpu.memory_space<semaphore_mem>>)
    %add3A_880 = arith.constant 124 : i32
    %add3A_881 = arith.addi %mul3A_2, %add3A_880 : i32
    %dma_wait3A_882 = arith.constant 0 : i32
    %dma_wait3A_883 = arith.constant 0 : i32
    %dma_wait3A_884 = arith.constant 0 : i32
    %dma_wait3A_885 = arith.constant 0 : i32
    %dma_wait3A_886 = tpu.memref_slice %arg6[%dma_wait3A_882, %dma_wait3A_884, %dma_wait3A_885] : memref<4x200x64xf32, #tpu.memory_space<vmem>> -> memref<1x200x64xf32, #tpu.memory_space<vmem>>
    %dma_wait3A_887 = tpu.memref_squeeze %dma_wait3A_886 : memref<1x200x64xf32, #tpu.memory_space<vmem>> -> memref<200x64xf32, #tpu.memory_space<vmem>>
    %dma_wait3A_888 = arith.constant 0 : i32
    %dma_wait3A_889 = arith.constant 0 : i32
    %dma_wait3A_890 = tpu.memref_slice %arg4[%add3A_881, %dma_wait3A_888, %dma_wait3A_889] : memref<4096x200x64xf32, #tpu.memory_space<hbm>> -> memref<1x200x64xf32, #tpu.memory_space<hbm>>
    %dma_wait3A_891 = tpu.memref_squeeze %dma_wait3A_890 : memref<1x200x64xf32, #tpu.memory_space<hbm>> -> memref<200x64xf32, #tpu.memory_space<hbm>>
    %dma_wait3A_892 = tpu.memref_slice %arg9[%dma_wait3A_883] : memref<4x!tpu.dma_semaphore, #tpu.memory_space<semaphore_mem>> -> memref<1x!tpu.dma_semaphore, #tpu.memory_space<semaphore_mem>>
    %dma_wait3A_893 = tpu.memref_squeeze %dma_wait3A_892 : memref<1x!tpu.dma_semaphore, #tpu.memory_space<semaphore_mem>> -> memref<!tpu.dma_semaphore, #tpu.memory_space<semaphore_mem>>
    %dma_wait3A_894 = arith.constant 0 : i32
    %dma_wait3A_895 = arith.constant 0 : i32
    %dma_wait3A_896 = tpu.memref_slice %arg4[%add3A_881, %dma_wait3A_894, %dma_wait3A_895] : memref<4096x200x64xf32, #tpu.memory_space<hbm>> -> memref<1x200x64xf32, #tpu.memory_space<hbm>>
    %dma_wait3A_897 = tpu.memref_squeeze %dma_wait3A_896 : memref<1x200x64xf32, #tpu.memory_space<hbm>> -> memref<200x64xf32, #tpu.memory_space<hbm>>
    %dma_wait3A_898 = arith.constant 0 : i32
    %dma_wait3A_899 = arith.constant 0 : i32
    %dma_wait3A_900 = tpu.memref_slice %arg6[%dma_wait3A_882, %dma_wait3A_898, %dma_wait3A_899] : memref<4x200x64xf32, #tpu.memory_space<vmem>> -> memref<1x200x64xf32, #tpu.memory_space<vmem>>
    %dma_wait3A_901 = tpu.memref_squeeze %dma_wait3A_900 : memref<1x200x64xf32, #tpu.memory_space<vmem>> -> memref<200x64xf32, #tpu.memory_space<vmem>>
    tpu.wait_dma2 semaphore(%dma_wait3A_893 : memref<!tpu.dma_semaphore, #tpu.memory_space<semaphore_mem>>) src(%dma_wait3A_901 : memref<200x64xf32, #tpu.memory_space<vmem>>) dst(%dma_wait3A_897 : memref<200x64xf32, #tpu.memory_space<hbm>>)
    %add3A_902 = arith.constant 125 : i32
    %add3A_903 = arith.addi %mul3A_2, %add3A_902 : i32
    %dma_wait3A_904 = arith.constant 1 : i32
    %dma_wait3A_905 = arith.constant 1 : i32
    %dma_wait3A_906 = arith.constant 0 : i32
    %dma_wait3A_907 = arith.constant 0 : i32
    %dma_wait3A_908 = tpu.memref_slice %arg6[%dma_wait3A_904, %dma_wait3A_906, %dma_wait3A_907] : memref<4x200x64xf32, #tpu.memory_space<vmem>> -> memref<1x200x64xf32, #tpu.memory_space<vmem>>
    %dma_wait3A_909 = tpu.memref_squeeze %dma_wait3A_908 : memref<1x200x64xf32, #tpu.memory_space<vmem>> -> memref<200x64xf32, #tpu.memory_space<vmem>>
    %dma_wait3A_910 = arith.constant 0 : i32
    %dma_wait3A_911 = arith.constant 0 : i32
    %dma_wait3A_912 = tpu.memref_slice %arg4[%add3A_903, %dma_wait3A_910, %dma_wait3A_911] : memref<4096x200x64xf32, #tpu.memory_space<hbm>> -> memref<1x200x64xf32, #tpu.memory_space<hbm>>
    %dma_wait3A_913 = tpu.memref_squeeze %dma_wait3A_912 : memref<1x200x64xf32, #tpu.memory_space<hbm>> -> memref<200x64xf32, #tpu.memory_space<hbm>>
    %dma_wait3A_914 = tpu.memref_slice %arg9[%dma_wait3A_905] : memref<4x!tpu.dma_semaphore, #tpu.memory_space<semaphore_mem>> -> memref<1x!tpu.dma_semaphore, #tpu.memory_space<semaphore_mem>>
    %dma_wait3A_915 = tpu.memref_squeeze %dma_wait3A_914 : memref<1x!tpu.dma_semaphore, #tpu.memory_space<semaphore_mem>> -> memref<!tpu.dma_semaphore, #tpu.memory_space<semaphore_mem>>
    %dma_wait3A_916 = arith.constant 0 : i32
    %dma_wait3A_917 = arith.constant 0 : i32
    %dma_wait3A_918 = tpu.memref_slice %arg4[%add3A_903, %dma_wait3A_916, %dma_wait3A_917] : memref<4096x200x64xf32, #tpu.memory_space<hbm>> -> memref<1x200x64xf32, #tpu.memory_space<hbm>>
    %dma_wait3A_919 = tpu.memref_squeeze %dma_wait3A_918 : memref<1x200x64xf32, #tpu.memory_space<hbm>> -> memref<200x64xf32, #tpu.memory_space<hbm>>
    %dma_wait3A_920 = arith.constant 0 : i32
    %dma_wait3A_921 = arith.constant 0 : i32
    %dma_wait3A_922 = tpu.memref_slice %arg6[%dma_wait3A_904, %dma_wait3A_920, %dma_wait3A_921] : memref<4x200x64xf32, #tpu.memory_space<vmem>> -> memref<1x200x64xf32, #tpu.memory_space<vmem>>
    %dma_wait3A_923 = tpu.memref_squeeze %dma_wait3A_922 : memref<1x200x64xf32, #tpu.memory_space<vmem>> -> memref<200x64xf32, #tpu.memory_space<vmem>>
    tpu.wait_dma2 semaphore(%dma_wait3A_915 : memref<!tpu.dma_semaphore, #tpu.memory_space<semaphore_mem>>) src(%dma_wait3A_923 : memref<200x64xf32, #tpu.memory_space<vmem>>) dst(%dma_wait3A_919 : memref<200x64xf32, #tpu.memory_space<hbm>>)
    %add3A_924 = arith.constant 126 : i32
    %add3A_925 = arith.addi %mul3A_2, %add3A_924 : i32
    %dma_wait3A_926 = arith.constant 2 : i32
    %dma_wait3A_927 = arith.constant 2 : i32
    %dma_wait3A_928 = arith.constant 0 : i32
    %dma_wait3A_929 = arith.constant 0 : i32
    %dma_wait3A_930 = tpu.memref_slice %arg6[%dma_wait3A_926, %dma_wait3A_928, %dma_wait3A_929] : memref<4x200x64xf32, #tpu.memory_space<vmem>> -> memref<1x200x64xf32, #tpu.memory_space<vmem>>
    %dma_wait3A_931 = tpu.memref_squeeze %dma_wait3A_930 : memref<1x200x64xf32, #tpu.memory_space<vmem>> -> memref<200x64xf32, #tpu.memory_space<vmem>>
    %dma_wait3A_932 = arith.constant 0 : i32
    %dma_wait3A_933 = arith.constant 0 : i32
    %dma_wait3A_934 = tpu.memref_slice %arg4[%add3A_925, %dma_wait3A_932, %dma_wait3A_933] : memref<4096x200x64xf32, #tpu.memory_space<hbm>> -> memref<1x200x64xf32, #tpu.memory_space<hbm>>
    %dma_wait3A_935 = tpu.memref_squeeze %dma_wait3A_934 : memref<1x200x64xf32, #tpu.memory_space<hbm>> -> memref<200x64xf32, #tpu.memory_space<hbm>>
    %dma_wait3A_936 = tpu.memref_slice %arg9[%dma_wait3A_927] : memref<4x!tpu.dma_semaphore, #tpu.memory_space<semaphore_mem>> -> memref<1x!tpu.dma_semaphore, #tpu.memory_space<semaphore_mem>>
    %dma_wait3A_937 = tpu.memref_squeeze %dma_wait3A_936 : memref<1x!tpu.dma_semaphore, #tpu.memory_space<semaphore_mem>> -> memref<!tpu.dma_semaphore, #tpu.memory_space<semaphore_mem>>
    %dma_wait3A_938 = arith.constant 0 : i32
    %dma_wait3A_939 = arith.constant 0 : i32
    %dma_wait3A_940 = tpu.memref_slice %arg4[%add3A_925, %dma_wait3A_938, %dma_wait3A_939] : memref<4096x200x64xf32, #tpu.memory_space<hbm>> -> memref<1x200x64xf32, #tpu.memory_space<hbm>>
    %dma_wait3A_941 = tpu.memref_squeeze %dma_wait3A_940 : memref<1x200x64xf32, #tpu.memory_space<hbm>> -> memref<200x64xf32, #tpu.memory_space<hbm>>
    %dma_wait3A_942 = arith.constant 0 : i32
    %dma_wait3A_943 = arith.constant 0 : i32
    %dma_wait3A_944 = tpu.memref_slice %arg6[%dma_wait3A_926, %dma_wait3A_942, %dma_wait3A_943] : memref<4x200x64xf32, #tpu.memory_space<vmem>> -> memref<1x200x64xf32, #tpu.memory_space<vmem>>
    %dma_wait3A_945 = tpu.memref_squeeze %dma_wait3A_944 : memref<1x200x64xf32, #tpu.memory_space<vmem>> -> memref<200x64xf32, #tpu.memory_space<vmem>>
    tpu.wait_dma2 semaphore(%dma_wait3A_937 : memref<!tpu.dma_semaphore, #tpu.memory_space<semaphore_mem>>) src(%dma_wait3A_945 : memref<200x64xf32, #tpu.memory_space<vmem>>) dst(%dma_wait3A_941 : memref<200x64xf32, #tpu.memory_space<hbm>>)
    %add3A_946 = arith.constant 127 : i32
    %add3A_947 = arith.addi %mul3A_2, %add3A_946 : i32
    %dma_wait3A_948 = arith.constant 3 : i32
    %dma_wait3A_949 = arith.constant 3 : i32
    %dma_wait3A_950 = arith.constant 0 : i32
    %dma_wait3A_951 = arith.constant 0 : i32
    %dma_wait3A_952 = tpu.memref_slice %arg6[%dma_wait3A_948, %dma_wait3A_950, %dma_wait3A_951] : memref<4x200x64xf32, #tpu.memory_space<vmem>> -> memref<1x200x64xf32, #tpu.memory_space<vmem>>
    %dma_wait3A_953 = tpu.memref_squeeze %dma_wait3A_952 : memref<1x200x64xf32, #tpu.memory_space<vmem>> -> memref<200x64xf32, #tpu.memory_space<vmem>>
    %dma_wait3A_954 = arith.constant 0 : i32
    %dma_wait3A_955 = arith.constant 0 : i32
    %dma_wait3A_956 = tpu.memref_slice %arg4[%add3A_947, %dma_wait3A_954, %dma_wait3A_955] : memref<4096x200x64xf32, #tpu.memory_space<hbm>> -> memref<1x200x64xf32, #tpu.memory_space<hbm>>
    %dma_wait3A_957 = tpu.memref_squeeze %dma_wait3A_956 : memref<1x200x64xf32, #tpu.memory_space<hbm>> -> memref<200x64xf32, #tpu.memory_space<hbm>>
    %dma_wait3A_958 = tpu.memref_slice %arg9[%dma_wait3A_949] : memref<4x!tpu.dma_semaphore, #tpu.memory_space<semaphore_mem>> -> memref<1x!tpu.dma_semaphore, #tpu.memory_space<semaphore_mem>>
    %dma_wait3A_959 = tpu.memref_squeeze %dma_wait3A_958 : memref<1x!tpu.dma_semaphore, #tpu.memory_space<semaphore_mem>> -> memref<!tpu.dma_semaphore, #tpu.memory_space<semaphore_mem>>
    %dma_wait3A_960 = arith.constant 0 : i32
    %dma_wait3A_961 = arith.constant 0 : i32
    %dma_wait3A_962 = tpu.memref_slice %arg4[%add3A_947, %dma_wait3A_960, %dma_wait3A_961] : memref<4096x200x64xf32, #tpu.memory_space<hbm>> -> memref<1x200x64xf32, #tpu.memory_space<hbm>>
    %dma_wait3A_963 = tpu.memref_squeeze %dma_wait3A_962 : memref<1x200x64xf32, #tpu.memory_space<hbm>> -> memref<200x64xf32, #tpu.memory_space<hbm>>
    %dma_wait3A_964 = arith.constant 0 : i32
    %dma_wait3A_965 = arith.constant 0 : i32
    %dma_wait3A_966 = tpu.memref_slice %arg6[%dma_wait3A_948, %dma_wait3A_964, %dma_wait3A_965] : memref<4x200x64xf32, #tpu.memory_space<vmem>> -> memref<1x200x64xf32, #tpu.memory_space<vmem>>
    %dma_wait3A_967 = tpu.memref_squeeze %dma_wait3A_966 : memref<1x200x64xf32, #tpu.memory_space<vmem>> -> memref<200x64xf32, #tpu.memory_space<vmem>>
    tpu.wait_dma2 semaphore(%dma_wait3A_959 : memref<!tpu.dma_semaphore, #tpu.memory_space<semaphore_mem>>) src(%dma_wait3A_967 : memref<200x64xf32, #tpu.memory_space<vmem>>) dst(%dma_wait3A_963 : memref<200x64xf32, #tpu.memory_space<hbm>>)
    return
  }
}

</mosaic_0001>

<sc_bundles>
// kernel: kernel.3.cloned.1.call-start
scs
__scs_entry_jumppad:
0x0: {  	(pc) =	sbr.rel $0x88, $3  }
0x1: {  	(tag) =	ssettag $0x0;
	lr =	simm.s32 $0x1  }
0x2: {  	[smem:$0x3F9F] =	sst lr;
	_ =	strace $0xD0000000  }
0x3: {  	_ = 	snop  }
0x4: {  	_ = 	snop  }
0x5: {  	_ = 	snop  }
0x6: {  	_ = 	snop  }
0x7: {  	_ = 	snop  }
__scs_overlays_trampoline_lowered:
0x8: {  	[smem:$0x3FAE] =	sst s0  }
0x9: {  	[smem:$0x3FAF] =	sst s1  }
0xa: {  	[smem:$0x3FB0] =	sst s2  }
0xb: {  	[smem:$0x3FB1] =	sst s3  }
0xc: {  	[smem:$0x3FB2] =	sst s4  }
0xd: {  	[smem:$0x3FB3] =	sst s5  }
0xe: {  	[smem:$0x3FB4] =	sst s6  }
0xf: {  	[smem:$0x3FB5] =	sst s7  }
0x10: {  	[smem:$0x3FB6] =	sst s8  }
0x11: {  	[smem:$0x3FB7] =	sst s9;
	s0 =	simm.s32 @!p0 $0x0  }
0x12: {  	s1 =	sld [smem:$0x3F9D];
	s0 =	simm.s32 @p0 $0x1  }
0x13: {  	[smem:$0x3FB8] =	sst s0;
	s0 =	simm.s32 @!p1 $0x0  }
0x14: {  	s2 =	sld [smem:$0x3F9C];
	s0 =	simm.s32 @p1 $0x1  }
0x15: {  	[smem:$0x3FB9] =	sst s0;
	s0 =	simm.s32 @!p2 $0x0  }
0x16: {  	s3 =	sld [smem:$0x3FDB];
	s0 =	simm.s32 @p2 $0x1  }
0x17: {  	s4 =	simm.s32 $0x1BF5;
	[smem:$0x3FBB] =	sst s0  }
0x18: {  	s0 =	sld [smem:$0x3F9E];
	_ =	swait.ge [sflag:s4], $0x0  }
0x19: {  	s7 =	sld [smem:$0x3F9F]  }
0x1a: {  	s8 =	sadd.s32 $0xFFFFE003, lr  }
0x1b: {  	s9 =	sadd.s32 $0xFFFFFEF7, lr;
	s5 =	simm.s32 $0xFFFFFFFF;
	p2 =	slt.u32 s8, $0xFFFFF086  }
0x1c: {  	p1 =	slt.u32 s9, $0xF7A;
	s5 =	simm.s32 @!p2 $0x0  }
0x1d: {  	s5 =	simm.s32 @p1 $0x1;
	p0 =	seq.s32 s7, s2  }
0x1e: {  	s7 =	smul.u32 @!p0 $0xF7A, s2;
	p2 =	seq.s32 @!p0 s5, $0x0  }
0x1f: {  	s9 =	smul.u32 $0xF7A, s1;
	s8 =	simm.s32 @!p0 $0x1BF5;
	p2 =	por !p2, p0  }
0x20: {  	[sflag:s8] =	ssyncset.s32 @!p0 $0xFFFFF086;
	s6 =	sadd.s32 @!p0 s3, s7;
	s7 =	simm.s32 @!p0 $0x108  }
0x21: {  	s3 =	sadd.s32 s3, s9;
	s6 =	sadd.s32 @!p0 $0x88, s6;
	s7 =	simm.s32 @p2 $0x1082  }
0x22: {  	[simem:s7], [sflag:s8] =	dma.local @!p0 [hbm:s6], $0xF7A  }
0x23: {  	s9 =	sor.u32 $0xD0000000, s2;
	s6 =	simm.s32 $0x108;
	_ =	swait.ge @!p0 [sflag:s8], $0x0  }
0x24: {  	s3 =	sadd.s32 $0x88, s3;
	s6 =	simm.s32 @!p1 $0x1082;
	[sflag:s4] =	ssyncset.s32 $0xFFFFF086  }
0x25: {  	[simem:s6], [sflag:s4] =	dma.local [hbm:s3], $0xF7A  }
0x26: {  	[smem:$0x3F9F] =	sst s1;
	(tag) =	ssettag s2;
	_ =	strace s9  }
0x27: {  	s1 =	sld [smem:$0x3FAF]  }
0x28: {  	s2 =	sld [smem:$0x3FB0]  }
0x29: {  	s4 =	sld [smem:$0x3FB2]  }
0x2a: {  	p0 =	seq.s32 s5, $0x0;
	s5 =	sld [smem:$0x3FB3]  }
0x2b: {  	s6 =	sld [smem:$0x3FB4]  }
0x2c: {  	s7 =	sld [smem:$0x3FB5]  }
0x2d: {  	s3 =	simm.s32 $0x108;
	s8 =	sld [smem:$0x3FB6]  }
0x2e: {  	s3 =	simm.s32 @!p0 $0x1082;
	s9 =	sld [smem:$0x3FB7]  }
0x2f: {  	lr =	sadd.s32 s0, s3;
	s0 =	sld [smem:$0x3FAE]  }
0x30: {  	s3 =	sld [smem:$0x3FB1]  }
0x31: {  	[smem:$0x3FBA] =	sst s10  }
0x32: {  	s10 =	sld [smem:$0x3FB8];
	_ =	sdelay $0x3  }
0x33: {  	p0 =	seq.s32 s10, $0x1;
	s10 =	sld [smem:$0x3FBA];
	_ =	sdelay $0x3  }
0x34: {  	[smem:$0x3FBA] =	sst s10  }
0x35: {  	s10 =	sld [smem:$0x3FB9];
	_ =	sdelay $0x3  }
0x36: {  	p1 =	seq.s32 s10, $0x1;
	s10 =	sld [smem:$0x3FBA];
	_ =	sdelay $0x3  }
0x37: {  	[smem:$0x3FBA] =	sst s10  }
0x38: {  	s10 =	sld [smem:$0x3FBB]  }
0x39: {  	_ = 	snop;
	(pc) =	sbr.ind lr, $3  }
0x3a: {  	_ = 	snop  }
0x3b: {  	_ = 	snop  }
0x3c: {  	p2 =	seq.s32 s10, $0x1;
	s10 =	sld [smem:$0x3FBA]  }
0x3d: {  	_ =	shalt  }
0x3e: {  	_ =	shalt  }
0x3f: {  	_ =	shalt  }
0x40: {  	_ =	shalt  }
0x41: {  	_ =	shalt  }
0x42: {  	_ =	shalt  }
0x43: {  	_ =	shalt  }
0x44: {  	_ =	shalt  }
0x45: {  	_ =	shalt  }
0x46: {  	_ =	shalt  }
0x47: {  	_ =	shalt  }
0x48: {  	_ =	shalt  }
0x49: {  	_ =	shalt  }
0x4a: {  	_ =	shalt  }
0x4b: {  	_ =	shalt  }
0x4c: {  	_ =	shalt  }
0x4d: {  	_ =	shalt  }
0x4e: {  	_ =	shalt  }
0x4f: {  	_ =	shalt  }
0x50: {  	_ =	shalt  }
0x51: {  	_ =	shalt  }
0x52: {  	_ =	shalt  }
0x53: {  	_ =	shalt  }
0x54: {  	_ =	shalt  }
0x55: {  	_ =	shalt  }
0x56: {  	_ =	shalt  }
0x57: {  	_ =	shalt  }
0x58: {  	_ =	shalt  }
0x59: {  	_ =	shalt  }
0x5a: {  	_ =	shalt  }
0x5b: {  	_ =	shalt  }
0x5c: {  	_ =	shalt  }
0x5d: {  	_ =	shalt  }
0x5e: {  	_ =	shalt  }
0x5f: {  	_ =	shalt  }
0x60: {  	_ =	shalt  }
0x61: {  	_ =	shalt  }
0x62: {  	_ =	shalt  }
0x63: {  	_ =	shalt  }
0x64: {  	_ =	shalt  }
0x65: {  	_ =	shalt  }
0x66: {  	_ =	shalt  }
0x67: {  	_ =	shalt  }
0x68: {  	_ =	shalt  }
0x69: {  	_ =	shalt  }
0x6a: {  	_ =	shalt  }
0x6b: {  	_ =	shalt  }
0x6c: {  	_ =	shalt  }
0x6d: {  	_ =	shalt  }
0x6e: {  	_ =	shalt  }
0x6f: {  	_ =	shalt  }
0x70: {  	_ =	shalt  }
0x71: {  	_ =	shalt  }
0x72: {  	_ =	shalt  }
0x73: {  	_ =	shalt  }
0x74: {  	_ =	shalt  }
0x75: {  	_ =	shalt  }
0x76: {  	_ =	shalt  }
0x77: {  	_ =	shalt  }
0x78: {  	_ =	shalt  }
0x79: {  	_ =	shalt  }
0x7a: {  	_ =	shalt  }
0x7b: {  	_ =	shalt  }
0x7c: {  	_ =	shalt  }
0x7d: {  	_ =	shalt  }
0x7e: {  	_ =	shalt  }
0x7f: {  	_ =	shalt  }
0x80: {  	_ =	shalt  }
0x81: {  	_ =	shalt  }
0x82: {  	_ =	shalt  }
0x83: {  	_ =	shalt  }
0x84: {  	_ =	shalt  }
0x85: {  	_ =	shalt  }
0x86: {  	_ =	shalt  }
0x87: {  	_ =	shalt  }
.Lfunc_end0:
.L_simem_size_0:
called_computation.1_lowered:
.L_overlay_start_0:
0x88: {  	s2 =	sld [smem:$0x3FD9]  }
0x89: {  	s3 =	sld [smem:$0x3FFE];
	_ =	sdelay $0x1  }
0x8a: {  	s1 =	srdreg.scid  }
0x8b: {  	s0 =	sand.u32 $0x1, s1  }
0x8c: {  	s17 =	sshll.u32 s0, $0xA;
	s2 =	sadd.s32 s3, s2  }
0x8d: {  	s2 =	sadd.s32 s2, s17  }
0x8e: {  	[smem:$0x3FC6] =	sst s2  }
0x8f: {  	_ = 	snop  }
0x90: {  	s2 =	sld [smem:$0x3FD0];
	(tm) =	ssettm $0x1  }
0x91: {  	s18 =	sld [smem:$0x3FFB];
	_ =	sdelay $0x3  }
0x92: {  	_ =	strace s18  }
0x93: {  	s3 =	sld [smem:$0x3FFC];
	_ =	sdelay $0x3  }
0x94: {  	_ =	strace s3  }
0x95: {  	s3 =	sld [smem:$0x3FFD];
	_ =	sdelay $0x3  }
0x96: {  	_ =	strace s3  }
0x97: {  	_ =	strace $0x8FFFFFFF  }
0x98: {  	s19 =	sld [smem:$0x3FDB];
	_ =	sdelay $0x1  }
0x99: {  	s4 =	simm.s32 $_scs_section_size  }
0x9a: {  	s5 =	simm.s32 $_size__tile_overlayer_lowered;
	s6 =	simm.s32 $_tile_overlayer_lowered  }
0x9b: {  	s22 =	simm.s32 $0x1BFF;
	s21 =	sshll.u32 s6, $0x1;
	s3 =	sadd.s32 s4, s19  }
0x9c: {  	s7 =	simm.s32 $0x0;
	s20 =	sshll.u32 s5, $0x1;
	s5 =	sadd.s32 s21, s3  }
0x9d: {  	[timem:s7], [sflag:s22] =	dma.local [hbm:s5], s20  }
0x9e: {  	_ =	swait.ge [sflag:s22], s20  }
0x9f: {  	s4 =	ssub.s32 $0x0, s20;
	[sflag:s22] =	ssyncset.done $0x0  }
0xa0: {  	[sflag:s22] =	ssyncadd.s32 s4;
	_ =	sdelay $0x1  }
0xa1: {  	s23 =	simm.s32 $0x1B8B  }
0xa2: {  	_ =	swait.ge [sflag:s23], $0x1  }
0xa3: {  	[sflag:s23] =	ssyncset.done $0x0  }
0xa4: {  	s25 =	simm.s32 $0x1B8E;
	s24 =	sld [smem:$0x3FFE];
	[sflag:s23] =	ssyncadd.s32 $0xFFFFFFFF  }
0xa5: {  	s26 =	simm.s32 $execute0_lowered;
	[smem:$0x3FD2] =	sst s25  }
0xa6: {  	s5 =	sshll.u32 s26, $0x1;
	_ =	strace $0x80000046;
	[dreg:$0x1] =	wrdreg $0xFFFFFFFF  }
0xa7: {  	s28 =	simm.s32 $_size_execute0_lowered;
	s3 =	sadd.s32 s3, s5;
	[dreg:$0x0] =	wrdreg $0x0  }
0xa8: {  	s5 =	sshll.u32 s28, $0x1;
	[dreg:$0x2] =	wrdreg s3  }
0xa9: {  	[dreg:$0x3] =	wrdreg s5  }
0xaa: {  	[dreg:$0x4] =	wrdreg $0xC0  }
0xab: {  	_ =	task [dreg:s7], $0x5FFFF  }
0xac: {  	[dreg:$0x1] =	wrdreg $0xFFFFFFFF  }
0xad: {  	[dreg:$0x0] =	wrdreg $0x60  }
0xae: {  	[dreg:$0x2] =	wrdreg s24  }
0xaf: {  	[dreg:$0x3] =	wrdreg s2  }
0xb0: {  	[dreg:$0x4] =	wrdreg $0x9  }
0xb1: {  	_ =	task.clear_ibuf [dreg:s7], $0x5FFFF;
	_ =	strace $0x90000046  }
0xb2: {  	s29 =	simm.s32 $0x9;
	_ =	strace $0x80000048  }
0xb3: {  	_ =	swait.ge [sflag:s29], $0x1  }
0xb4: {  	[sflag:s29] =	ssyncadd.s32 $0xFFFFFFFF  }
0xb5: {  	_ =	strace $0x90000048  }
0xb6: {  	_ =	sfence  }
0xb7: {  	s30 =	sld [smem:$0x0];
	_ =	sdelay $0x2  }
0xb8: {  	s31 =	sshll.u32 s1, $0xD;
	s1 =	sshrl.u32 s1, $0x2  }
0xb9: {  	s3 =	sand.u32 $0x4000, s31;
	s1 =	sadd.s32 s1, s30  }
0xba: {  	s0 =	sor.u32 s3, s0;
	s1 =	sshll.u32 s1, $0x11  }
0xbb: {  	s0 =	sor.u32 s1, s0  }
0xbc: {  	s0 =	sadd.s32 $0x8F2B, s0  }
0xbd: {  	[sflag:s0] =	ssyncadd.remote.s32 $0x1  }
0xbe: {  	_ =	sfence.sel $0xFFFF  }
0xbf: {  	[dreg:$0x0] =	wrdreg $0xFFFFFFFF;
	(pc) =	sbr.abs _section_cstart, $3  }
0xc0: {  	[dreg:$0x1] =	wrdreg $0xFFFFFFFF  }
0xc1: {  	_ =	task.clear_ibuf [dreg:s7], $0x2FFFF;
	_ =	strace $0x9FFFFFFF  }
0xc2: {  	(tm) =	ssettm $0x7FFFFFFF  }
0xc3: {  	_ =	shalt  }
tec
execute0_lowered:
.L_overlay_start_1:
0x0: {  	(tag) =	ssettag $0x1  }
0x1: {  	s0 =	rddreg [dreg:$0x0]  }
0x2: {  	s1 =	srdreg.scid;
	s11 =	stileid.u32  }
0x3: {  	s4 =	rddreg [dreg:$0x1];
	s2 =	simm.s32 $0x0;
	s28 =	simm.s32 $0x320  }
0x4: {  	s29 =	simm.s32 $0x48;
	s1 =	sand.u32 $0x1, s1;
	s25 =	smul.u32 $0xC800, s11  }
0x5: {  	s31 =	simm.s32 $0x2;
	s3 =	sshll.u32 s11, $0x1;
	s30 =	smul.u32 $0x6400, s1  }
0x6: {  	s5 =	sor.u32 s1, s3;
	s7 =	ssub.s32 $0x2, s1;
	s1 =	smul.u32 $0x32000, s1  }
0x7: {  	[smem:$0x7FF] =	sst s2;
	s8 =	sadd.s32 $0xA00, s0;
	s6 =	smul.u32 $0x6400, s5  }
0x8: {  	_ =	strace $0x80000047;
	s9 =	sshrl.u32 s7, $0x1;
	s21 =	smul.u32 $0x32000, s5  }
0x9: {  	s3 =	sadd.s32 $0xF42E00, s0;
	s5 =	smul.u32 $0x190000, s5;
	s0 =	ssub.s32 s7, s9  }
0xa: {  	s14 =	sadd.s32 s30, s25;
	s10 =	sshrl.u32 s6, $0x3;
	s12 =	sadd.s32 s4, s21  }
0xb: {  	s6 =	sadd.s32 $0x578, s6;
	s0 =	smax.u32 s0, $0x1;
	[dreg:$0xc] =	wrdreg s12  }
0xc: {  	s5 =	sshrl.u32 s5, $0x3;
	s26 =	sadd.s32 $0x640, s12;
	[dreg:$0x17] =	wrdreg s0  }
0xd: {  	s16 =	sadd.s32 $0x898, s14;
	s10 =	sadd.s32 s8, s10;
	[dreg:$0xe] =	wrdreg s26  }
0xe: {  	s18 =	sadd.s32 $0x7D0, s14;
	s13 =	sadd.s32 $0xC80, s12;
	[dreg:$0x7] =	wrdreg s10  }
0xf: {  	s6 =	sshrl.u32 s6, $0x3;
	s15 =	sadd.s32 $0x12C0, s12;
	[dreg:$0x10] =	wrdreg s13  }
0x10: {  	s5 =	sadd.s32 s4, s5;
	s19 =	sadd.s32 $0x19, s10;
	[dreg:$0x12] =	wrdreg s15  }
0x11: {  	s7 =	sshrl.u32 s16, $0x3;
	s20 =	sadd.s32 $0x32, s10;
	[dreg:$0x8] =	wrdreg s19  }
0x12: {  	s9 =	sshrl.u32 s18, $0x3;
	s22 =	sadd.s32 $0x4B, s10;
	[dreg:$0x9] =	wrdreg s20  }
0x13: {  	s12 =	simm.s32 $0x4;
	s23 =	sadd.s32 $0x64, s10;
	[dreg:$0xa] =	wrdreg s22  }
0x14: {  	s16 =	simm.s32 $0x6;
	s24 =	sadd.s32 $0x7D, s10;
	[dreg:$0xb] =	wrdreg s23  }
0x15: {  	s18 =	simm.s32 $0x8;
	s10 =	sadd.s32 $0x96, s10;
	[dreg:$0xd] =	wrdreg s24  }
0x16: {  	s6 =	sadd.s32 s8, s6;
	s17 =	sadd.s32 $0x30700, s5;
	[dreg:$0xf] =	wrdreg s10  }
0x17: {  	s7 =	sadd.s32 s7, s8;
	s25 =	sadd.s32 $0x31380, s5;
	[dreg:$0x11] =	wrdreg s6  }
0x18: {  	s13 =	simm.s32 $0x9920;
	[dreg:$0x13] =	wrdreg s17;
	s19 =	sadd.s32 $0x708, s14  }
0x19: {  	[dreg:$0x3] =	wrdreg s7;
	s20 =	sadd.s32 s9, s8;
	s22 =	sadd.s32 $0x30D40, s5  }
0x1a: {  	s6 =	sadd.s32 $0x640, s14;
	s24 =	smul.u32 $0x64000, s11;
	[dreg:$0x15] =	wrdreg s25  }
0x1b: {  	s5 =	sadd.s32 $0x319C0, s5;
	s25 =	simm.s32 $0x1;
	s7 =	simm.s32 $0x3  }
0x1c: {  	s17 =	simm.s32 $0x7;
	s10 =	simm.s32 $0x5520;
	[dreg:$0x14] =	wrdreg s22  }
0x1d: {  	s11 =	simm.s32 $0x210;
	s14 =	simm.s32 $0x8720;
	[dreg:$0x4] =	wrdreg s20  }
0x1e: {  	s21 =	sshrl.u32 s19, $0x3;
	s6 =	sshrl.u32 s6, $0x3;
	[dreg:$0x16] =	wrdreg s5  }
0x1f: {  	s22 =	simm.s32 $0xC8;
	s19 =	simm.s32 $0x9;
	s5 =	simm.s32 $0x0  }
0x20: {  	s23 =	sadd.s32 s21, s8;
	s26 =	sadd.s32 s6, s8;
	s4 =	sadd.s32 s24, s4  }
0x21: {  	s24 =	simm.s32 $0x258;
	s6 =	simm.s32 $0x5;
	[dreg:$0x5] =	wrdreg s23  }
0x22: {  	s8 =	simm.s32 $0x6720;
	[dreg:$0x6] =	wrdreg s26;
	s30 =	sadd.s32 s1, s4  }
0x23: {  	s23 =	simm.s32 $0x190;
	s26 =	simm.s32 $0x80;
	s0 =	sadd.s32 $0x2BC0, s30  }
0x24: {  	s1 =	simm.s32 $0x3520;
	[dreg:$0x18] =	wrdreg s0;
	s0 =	simm.s32 $0x2320  }
.LBB2_1:
0x25: {  	[dreg:$0x19] =	wrdreg s5  }
0x26: {  	s4 =	rddreg [dreg:$0x7]  }
0x27: {  	[tilespmem:s2], [sflag:$0x1] =	stream.linear.gather [hbm4b:s4+s2], $0xC8, $0x38;
	[tilespmem:$0xCB20] =	vst v63  }
0x28: {  	s9 =	rddreg [dreg:$0x8]  }
0x29: {  	[tilespmem:s22], [sflag:$0x2] =	stream.linear.gather [hbm4b:s9+s2], $0xC8, $0x38;
	[tilespmem:$0xCB20] =	vst v63  }
0x2a: {  	s15 =	rddreg [dreg:$0x9]  }
0x2b: {  	[tilespmem:s23], [sflag:$0x3] =	stream.linear.gather [hbm4b:s15+s2], $0xC8, $0x38;
	[tilespmem:$0xCB20] =	vst v63  }
0x2c: {  	s20 =	rddreg [dreg:$0xa]  }
0x2d: {  	[tilespmem:s24], [sflag:$0x4] =	stream.linear.gather [hbm4b:s20+s2], $0xC8, $0x38;
	[tilespmem:$0xCB20] =	vst v63  }
0x2e: {  	_ =	swait.ge [sflag:s25], $0xC8  }
0x2f: {  	[sflag:s25] =	ssyncset.done $0x0  }
0x30: {  	[sflag:s25] =	ssyncadd.s32 $0xFFFFFF38  }
0x31: {  	[tilespmem:s28], [sflag:$0x5] =	stream.indirect.gather [hbm4b:s3+s26], $0x40, s2, s26, $0xb8;
	[tilespmem:$0xCB20] =	vst v63  }
0x32: {  	_ = 	snop  }
0x33: {  	[tilespmem:s0], [sflag:$0x5] =	stream.indirect.gather [hbm4b:s3+s29], $0x40, s26, s29, $0xb8;
	[tilespmem:$0xCB20] =	vst v63  }
0x34: {  	_ =	swait.ge [sflag:s31], $0xC8  }
0x35: {  	[sflag:s31] =	ssyncset.done $0x0  }
0x36: {  	[sflag:s31] =	ssyncadd.s32 $0xFFFFFF38  }
0x37: {  	[tilespmem:s1], [sflag:$0x5] =	stream.indirect.gather [hbm4b:s3+s26], $0x40, s22, s26, $0xb8;
	[tilespmem:$0xCB20] =	vst v63  }
0x38: {  	s9 =	simm.s32 $0x148;
	s20 =	simm.s32 $0x5520  }
0x39: {  	[tilespmem:s20], [sflag:$0x5] =	stream.indirect.gather [hbm4b:s3+s29], $0x40, s9, s29, $0xb8;
	[tilespmem:$0xCB20] =	vst v63  }
0x3a: {  	_ =	swait.ge [sflag:s6], $0x2000  }
0x3b: {  	[sflag:s6] =	ssyncset.done $0x0  }
0x3c: {  	[sflag:s6] =	ssyncadd.s32 $0xFFFFE000  }
0x3d: {  	_ =	swait.ge [sflag:s6], $0x1200  }
0x3e: {  	[sflag:s6] =	ssyncset.done $0x0  }
0x3f: {  	s21 =	rddreg [dreg:$0xb];
	[sflag:s6] =	ssyncadd.s32 $0xFFFFEE00  }
0x40: {  	[tilespmem:s2], [sflag:$0x1] =	stream.linear.gather [hbm4b:s21+s2], $0xC8, $0x38;
	[tilespmem:$0xCB20] =	vst v63  }
0x41: {  	s30 =	rddreg [dreg:$0xc]  }
0x42: {  	[hbm4b:s30+s2] =	stream.linear.scatter [tilespmem:s28], [sflag:$0x6], $0x3200, $0x38;
	[tilespmem:$0xCB20] =	vst v63  }
0x43: {  	_ =	swait.ge [sflag:s7], $0xC8  }
0x44: {  	[sflag:s7] =	ssyncset.done $0x0  }
0x45: {  	[sflag:s7] =	ssyncadd.s32 $0xFFFFFF38  }
0x46: {  	[tilespmem:s8], [sflag:$0x5] =	stream.indirect.gather [hbm4b:s3+s26], $0x40, s23, s26, $0xb8;
	[tilespmem:$0xCB20] =	vst v63  }
0x47: {  	s15 =	simm.s32 $0x210;
	s30 =	simm.s32 $0x8720  }
0x48: {  	[tilespmem:s30], [sflag:$0x5] =	stream.indirect.gather [hbm4b:s3+s29], $0x40, s15, s29, $0xb8;
	[tilespmem:$0xCB20] =	vst v63  }
0x49: {  	_ =	swait.ge [sflag:s6], $0x2000  }
0x4a: {  	[sflag:s6] =	ssyncset.done $0x0  }
0x4b: {  	[sflag:s6] =	ssyncadd.s32 $0xFFFFE000  }
0x4c: {  	_ =	swait.ge [sflag:s6], $0x1200  }
0x4d: {  	[sflag:s6] =	ssyncset.done $0x0  }
0x4e: {  	s5 =	rddreg [dreg:$0xd];
	[sflag:s6] =	ssyncadd.s32 $0xFFFFEE00  }
0x4f: {  	[tilespmem:s22], [sflag:$0x2] =	stream.linear.gather [hbm4b:s5+s2], $0xC8, $0x38;
	[tilespmem:$0xCB20] =	vst v63  }
0x50: {  	s21 =	rddreg [dreg:$0xe]  }
0x51: {  	[hbm4b:s21+s2] =	stream.linear.scatter [tilespmem:s1], [sflag:$0x7], $0x3200, $0x38;
	[tilespmem:$0xCB20] =	vst v63  }
0x52: {  	_ =	swait.ge [sflag:s12], $0xC8  }
0x53: {  	[sflag:s12] =	ssyncset.done $0x0  }
0x54: {  	[sflag:s12] =	ssyncadd.s32 $0xFFFFFF38  }
0x55: {  	[tilespmem:s13], [sflag:$0x5] =	stream.indirect.gather [hbm4b:s3+s26], $0x40, s24, s26, $0xb8;
	[tilespmem:$0xCB20] =	vst v63  }
0x56: {  	s5 =	simm.s32 $0x2D8;
	s21 =	simm.s32 $0xB920  }
0x57: {  	[tilespmem:s21], [sflag:$0x5] =	stream.indirect.gather [hbm4b:s3+s29], $0x40, s5, s29, $0xb8;
	[tilespmem:$0xCB20] =	vst v63  }
0x58: {  	_ =	swait.ge [sflag:s6], $0x2000  }
0x59: {  	[sflag:s6] =	ssyncset.done $0x0  }
0x5a: {  	[sflag:s6] =	ssyncadd.s32 $0xFFFFE000  }
0x5b: {  	_ =	swait.ge [sflag:s6], $0x1200  }
0x5c: {  	[sflag:s6] =	ssyncset.done $0x0  }
0x5d: {  	s21 =	rddreg [dreg:$0xf];
	[sflag:s6] =	ssyncadd.s32 $0xFFFFEE00  }
0x5e: {  	[tilespmem:s23], [sflag:$0x3] =	stream.linear.gather [hbm4b:s21+s2], $0xC8, $0x38;
	[tilespmem:$0xCB20] =	vst v63  }
0x5f: {  	s5 =	rddreg [dreg:$0x10]  }
0x60: {  	[hbm4b:s5+s2] =	stream.linear.scatter [tilespmem:s8], [sflag:$0x8], $0x3200, $0x38;
	[tilespmem:$0xCB20] =	vst v63  }
0x61: {  	_ =	swait.ge [sflag:s25], $0xC8  }
0x62: {  	[sflag:s25] =	ssyncset.done $0x0  }
0x63: {  	[sflag:s25] =	ssyncadd.s32 $0xFFFFFF38  }
0x64: {  	_ =	swait.ge [sflag:s16], $0x3200  }
0x65: {  	[sflag:s16] =	ssyncset.done $0x0  }
0x66: {  	[sflag:s16] =	ssyncadd.s32 $0xFFFFCE00  }
0x67: {  	[tilespmem:s28], [sflag:$0x5] =	stream.indirect.gather [hbm4b:s3+s26], $0x40, s2, s26, $0xb8;
	[tilespmem:$0xCB20] =	vst v63  }
0x68: {  	_ = 	snop  }
0x69: {  	[tilespmem:s0], [sflag:$0x5] =	stream.indirect.gather [hbm4b:s3+s29], $0x40, s26, s29, $0xb8;
	[tilespmem:$0xCB20] =	vst v63  }
0x6a: {  	_ =	swait.ge [sflag:s6], $0x2000  }
0x6b: {  	[sflag:s6] =	ssyncset.done $0x0  }
0x6c: {  	[sflag:s6] =	ssyncadd.s32 $0xFFFFE000  }
0x6d: {  	_ =	swait.ge [sflag:s6], $0x1200  }
0x6e: {  	[sflag:s6] =	ssyncset.done $0x0  }
0x6f: {  	s21 =	rddreg [dreg:$0x11];
	[sflag:s6] =	ssyncadd.s32 $0xFFFFEE00  }
0x70: {  	[tilespmem:s24], [sflag:$0x4] =	stream.linear.gather [hbm4b:s21+s2], $0xC8, $0x38;
	[tilespmem:$0xCB20] =	vst v63  }
0x71: {  	s5 =	rddreg [dreg:$0x12]  }
0x72: {  	[hbm4b:s5+s2] =	stream.linear.scatter [tilespmem:s13], [sflag:$0x9], $0x3200, $0x38;
	[tilespmem:$0xCB20] =	vst v63  }
0x73: {  	_ =	swait.ge [sflag:s31], $0xC8  }
0x74: {  	[sflag:s31] =	ssyncset.done $0x0  }
0x75: {  	[sflag:s31] =	ssyncadd.s32 $0xFFFFFF38  }
0x76: {  	_ =	swait.ge [sflag:s17], $0x3200  }
0x77: {  	[sflag:s17] =	ssyncset.done $0x0  }
0x78: {  	[sflag:s17] =	ssyncadd.s32 $0xFFFFCE00  }
0x79: {  	[tilespmem:s1], [sflag:$0x5] =	stream.indirect.gather [hbm4b:s3+s26], $0x40, s22, s26, $0xb8;
	[tilespmem:$0xCB20] =	vst v63  }
0x7a: {  	_ = 	snop  }
0x7b: {  	[tilespmem:s20], [sflag:$0x5] =	stream.indirect.gather [hbm4b:s3+s29], $0x40, s9, s29, $0xb8;
	[tilespmem:$0xCB20] =	vst v63  }
0x7c: {  	_ =	swait.ge [sflag:s6], $0x2000  }
0x7d: {  	[sflag:s6] =	ssyncset.done $0x0  }
0x7e: {  	[sflag:s6] =	ssyncadd.s32 $0xFFFFE000  }
0x7f: {  	_ =	swait.ge [sflag:s6], $0x1200  }
0x80: {  	s21 =	rddreg [dreg:$0x6];
	[sflag:s6] =	ssyncset.done $0x0  }
0x81: {  	[sflag:s6] =	ssyncadd.s32 $0xFFFFEE00;
	s4 =	sadd.s32 $0x0, s21;
	s21 =	rddreg [dreg:$0x18]  }
0x82: {  	[tilespmem:s2], [sflag:$0x1] =	stream.linear.gather [hbm4b:s4+s2], $0xC8, $0x38;
	[tilespmem:$0xCB20] =	vst v63  }
0x83: {  	s5 =	sadd.s32 $0xFFFFED40, s21  }
0x84: {  	[hbm4b:s5+s2] =	stream.linear.scatter [tilespmem:s28], [sflag:$0x6], $0x3200, $0x38;
	[tilespmem:$0xCB20] =	vst v63  }
0x85: {  	_ =	swait.ge [sflag:s7], $0xC8  }
0x86: {  	[sflag:s7] =	ssyncset.done $0x0  }
0x87: {  	[sflag:s7] =	ssyncadd.s32 $0xFFFFFF38  }
0x88: {  	_ =	swait.ge [sflag:s18], $0x3200  }
0x89: {  	[sflag:s18] =	ssyncset.done $0x0  }
0x8a: {  	[sflag:s18] =	ssyncadd.s32 $0xFFFFCE00  }
0x8b: {  	[tilespmem:s8], [sflag:$0x5] =	stream.indirect.gather [hbm4b:s3+s26], $0x40, s23, s26, $0xb8;
	[tilespmem:$0xCB20] =	vst v63  }
0x8c: {  	_ = 	snop  }
0x8d: {  	[tilespmem:s30], [sflag:$0x5] =	stream.indirect.gather [hbm4b:s3+s29], $0x40, s15, s29, $0xb8;
	[tilespmem:$0xCB20] =	vst v63  }
0x8e: {  	_ =	swait.ge [sflag:s6], $0x2000  }
0x8f: {  	[sflag:s6] =	ssyncset.done $0x0  }
0x90: {  	[sflag:s6] =	ssyncadd.s32 $0xFFFFE000  }
0x91: {  	_ =	swait.ge [sflag:s6], $0x1200  }
0x92: {  	s9 =	rddreg [dreg:$0x5];
	[sflag:s6] =	ssyncset.done $0x0  }
0x93: {  	[sflag:s6] =	ssyncadd.s32 $0xFFFFEE00;
	s4 =	sadd.s32 $0x0, s9  }
0x94: {  	[tilespmem:s22], [sflag:$0x2] =	stream.linear.gather [hbm4b:s4+s2], $0xC8, $0x38;
	[tilespmem:$0xCB20] =	vst v63  }
0x95: {  	s15 =	sadd.s32 $0xFFFFF380, s21  }
0x96: {  	[hbm4b:s15+s2] =	stream.linear.scatter [tilespmem:s1], [sflag:$0x7], $0x3200, $0x38;
	[tilespmem:$0xCB20] =	vst v63  }
0x97: {  	_ =	swait.ge [sflag:s12], $0xC8  }
0x98: {  	[sflag:s12] =	ssyncset.done $0x0  }
0x99: {  	[sflag:s12] =	ssyncadd.s32 $0xFFFFFF38  }
0x9a: {  	_ =	swait.ge [sflag:s19], $0x3200  }
0x9b: {  	[sflag:s19] =	ssyncset.done $0x0  }
0x9c: {  	[sflag:s19] =	ssyncadd.s32 $0xFFFFCE00  }
0x9d: {  	[tilespmem:s13], [sflag:$0x5] =	stream.indirect.gather [hbm4b:s3+s26], $0x40, s24, s26, $0xb8;
	[tilespmem:$0xCB20] =	vst v63  }
0x9e: {  	s20 =	simm.s32 $0xB920;
	s30 =	simm.s32 $0x2D8  }
0x9f: {  	[tilespmem:s20], [sflag:$0x5] =	stream.indirect.gather [hbm4b:s3+s29], $0x40, s30, s29, $0xb8;
	[tilespmem:$0xCB20] =	vst v63  }
0xa0: {  	_ =	swait.ge [sflag:s6], $0x2000  }
0xa1: {  	[sflag:s6] =	ssyncset.done $0x0  }
0xa2: {  	[sflag:s6] =	ssyncadd.s32 $0xFFFFE000  }
0xa3: {  	_ =	swait.ge [sflag:s6], $0x1200  }
0xa4: {  	s9 =	rddreg [dreg:$0x4];
	[sflag:s6] =	ssyncset.done $0x0  }
0xa5: {  	[sflag:s6] =	ssyncadd.s32 $0xFFFFEE00;
	s4 =	sadd.s32 $0x0, s9  }
0xa6: {  	[tilespmem:s23], [sflag:$0x3] =	stream.linear.gather [hbm4b:s4+s2], $0xC8, $0x38;
	[tilespmem:$0xCB20] =	vst v63  }
0xa7: {  	s20 =	sadd.s32 $0xFFFFF9C0, s21  }
0xa8: {  	[hbm4b:s20+s2] =	stream.linear.scatter [tilespmem:s8], [sflag:$0x8], $0x3200, $0x38;
	[tilespmem:$0xCB20] =	vst v63  }
0xa9: {  	_ =	swait.ge [sflag:s25], $0xC8  }
0xaa: {  	[sflag:s25] =	ssyncset.done $0x0  }
0xab: {  	[sflag:s25] =	ssyncadd.s32 $0xFFFFFF38  }
0xac: {  	_ =	swait.ge [sflag:s16], $0x3200  }
0xad: {  	[sflag:s16] =	ssyncset.done $0x0  }
0xae: {  	[sflag:s16] =	ssyncadd.s32 $0xFFFFCE00  }
0xaf: {  	[tilespmem:s28], [sflag:$0x5] =	stream.indirect.gather [hbm4b:s3+s26], $0x40, s2, s26, $0xb8;
	[tilespmem:$0xCB20] =	vst v63  }
0xb0: {  	_ = 	snop  }
0xb1: {  	[tilespmem:s0], [sflag:$0x5] =	stream.indirect.gather [hbm4b:s3+s29], $0x40, s26, s29, $0xb8;
	[tilespmem:$0xCB20] =	vst v63  }
0xb2: {  	_ =	swait.ge [sflag:s6], $0x2000  }
0xb3: {  	[sflag:s6] =	ssyncset.done $0x0  }
0xb4: {  	[sflag:s6] =	ssyncadd.s32 $0xFFFFE000  }
0xb5: {  	_ =	swait.ge [sflag:s6], $0x1200  }
0xb6: {  	s5 =	simm.s32 $0xB920;
	s30 =	rddreg [dreg:$0x3];
	[sflag:s6] =	ssyncset.done $0x0  }
0xb7: {  	s15 =	simm.s32 $0x2D8;
	[sflag:s6] =	ssyncadd.s32 $0xFFFFEE00;
	s4 =	sadd.s32 $0x0, s30  }
0xb8: {  	[tilespmem:s24], [sflag:$0x4] =	stream.linear.gather [hbm4b:s4+s2], $0xC8, $0x38;
	[tilespmem:$0xCB20] =	vst v63  }
0xb9: {  	s9 =	simm.s32 $0x64;
	s0 =	simm.s32 $0x2320;
	s4 =	sadd.s32 $0x1900, s21  }
.LBB2_2:
0xba: {  	[hbm4b:s21+s2] =	stream.linear.scatter [tilespmem:s13], [sflag:$0x9], $0x3200, $0x38;
	[tilespmem:$0xCB20] =	vst v63  }
0xbb: {  	_ =	swait.ge [sflag:s31], $0xC8  }
0xbc: {  	[sflag:s31] =	ssyncset.done $0x0  }
0xbd: {  	[sflag:s31] =	ssyncadd.s32 $0xFFFFFF38  }
0xbe: {  	_ =	swait.ge [sflag:s17], $0x3200  }
0xbf: {  	[sflag:s17] =	ssyncset.done $0x0  }
0xc0: {  	[sflag:s17] =	ssyncadd.s32 $0xFFFFCE00  }
0xc1: {  	[tilespmem:s1], [sflag:$0x5] =	stream.indirect.gather [hbm4b:s3+s26], $0x40, s22, s26, $0xb8;
	[tilespmem:$0xCB20] =	vst v63  }
0xc2: {  	s30 =	simm.s32 $0x148  }
0xc3: {  	[tilespmem:s10], [sflag:$0x5] =	stream.indirect.gather [hbm4b:s3+s29], $0x40, s30, s29, $0xb8;
	[tilespmem:$0xCB20] =	vst v63  }
0xc4: {  	_ =	swait.ge [sflag:s6], $0x2000  }
0xc5: {  	[sflag:s6] =	ssyncset.done $0x0  }
0xc6: {  	[sflag:s6] =	ssyncadd.s32 $0xFFFFE000  }
0xc7: {  	_ =	swait.ge [sflag:s6], $0x1200  }
0xc8: {  	s20 =	smov.u32 s9;
	s30 =	rddreg [dreg:$0x6];
	[sflag:s6] =	ssyncset.done $0x0  }
0xc9: {  	[sflag:s6] =	ssyncadd.s32 $0xFFFFEE00;
	s30 =	sadd.s32 s20, s30  }
0xca: {  	[tilespmem:s2], [sflag:$0x1] =	stream.linear.gather [hbm4b:s30+s2], $0xC8, $0x38;
	[tilespmem:$0xCB20] =	vst v63  }
0xcb: {  	s30 =	sadd.s32 $0xFFFFED40, s4  }
0xcc: {  	[hbm4b:s30+s2] =	stream.linear.scatter [tilespmem:s28], [sflag:$0x6], $0x3200, $0x38;
	[tilespmem:$0xCB20] =	vst v63  }
0xcd: {  	_ =	swait.ge [sflag:s7], $0xC8  }
0xce: {  	[sflag:s7] =	ssyncset.done $0x0  }
0xcf: {  	[sflag:s7] =	ssyncadd.s32 $0xFFFFFF38  }
0xd0: {  	_ =	swait.ge [sflag:s18], $0x3200  }
0xd1: {  	[sflag:s18] =	ssyncset.done $0x0  }
0xd2: {  	[sflag:s18] =	ssyncadd.s32 $0xFFFFCE00  }
0xd3: {  	[tilespmem:s8], [sflag:$0x5] =	stream.indirect.gather [hbm4b:s3+s26], $0x40, s23, s26, $0xb8;
	[tilespmem:$0xCB20] =	vst v63  }
0xd4: {  	_ = 	snop  }
0xd5: {  	[tilespmem:s14], [sflag:$0x5] =	stream.indirect.gather [hbm4b:s3+s29], $0x40, s11, s29, $0xb8;
	[tilespmem:$0xCB20] =	vst v63  }
0xd6: {  	_ =	swait.ge [sflag:s6], $0x2000  }
0xd7: {  	[sflag:s6] =	ssyncset.done $0x0  }
0xd8: {  	[sflag:s6] =	ssyncadd.s32 $0xFFFFE000  }
0xd9: {  	_ =	swait.ge [sflag:s6], $0x1200  }
0xda: {  	s30 =	rddreg [dreg:$0x5];
	[sflag:s6] =	ssyncset.done $0x0  }
0xdb: {  	[sflag:s6] =	ssyncadd.s32 $0xFFFFEE00;
	s30 =	sadd.s32 s20, s30  }
0xdc: {  	[tilespmem:s22], [sflag:$0x2] =	stream.linear.gather [hbm4b:s30+s2], $0xC8, $0x38;
	[tilespmem:$0xCB20] =	vst v63  }
0xdd: {  	s30 =	sadd.s32 $0xFFFFF380, s4  }
0xde: {  	[hbm4b:s30+s2] =	stream.linear.scatter [tilespmem:s1], [sflag:$0x7], $0x3200, $0x38;
	[tilespmem:$0xCB20] =	vst v63  }
0xdf: {  	_ =	swait.ge [sflag:s12], $0xC8  }
0xe0: {  	[sflag:s12] =	ssyncset.done $0x0  }
0xe1: {  	[sflag:s12] =	ssyncadd.s32 $0xFFFFFF38  }
0xe2: {  	_ =	swait.ge [sflag:s19], $0x3200  }
0xe3: {  	[sflag:s19] =	ssyncset.done $0x0  }
0xe4: {  	[sflag:s19] =	ssyncadd.s32 $0xFFFFCE00  }
0xe5: {  	[tilespmem:s13], [sflag:$0x5] =	stream.indirect.gather [hbm4b:s3+s26], $0x40, s24, s26, $0xb8;
	[tilespmem:$0xCB20] =	vst v63  }
0xe6: {  	_ = 	snop  }
0xe7: {  	[tilespmem:s5], [sflag:$0x5] =	stream.indirect.gather [hbm4b:s3+s29], $0x40, s15, s29, $0xb8;
	[tilespmem:$0xCB20] =	vst v63  }
0xe8: {  	_ =	swait.ge [sflag:s6], $0x2000  }
0xe9: {  	[sflag:s6] =	ssyncset.done $0x0  }
0xea: {  	[sflag:s6] =	ssyncadd.s32 $0xFFFFE000  }
0xeb: {  	_ =	swait.ge [sflag:s6], $0x1200  }
0xec: {  	s30 =	rddreg [dreg:$0x4];
	[sflag:s6] =	ssyncset.done $0x0  }
0xed: {  	[sflag:s6] =	ssyncadd.s32 $0xFFFFEE00;
	s30 =	sadd.s32 s20, s30  }
0xee: {  	[tilespmem:s23], [sflag:$0x3] =	stream.linear.gather [hbm4b:s30+s2], $0xC8, $0x38;
	[tilespmem:$0xCB20] =	vst v63  }
0xef: {  	s30 =	sadd.s32 $0xFFFFF9C0, s4  }
0xf0: {  	[hbm4b:s30+s2] =	stream.linear.scatter [tilespmem:s8], [sflag:$0x8], $0x3200, $0x38;
	[tilespmem:$0xCB20] =	vst v63  }
0xf1: {  	_ =	swait.ge [sflag:s25], $0xC8  }
0xf2: {  	[sflag:s25] =	ssyncset.done $0x0  }
0xf3: {  	[sflag:s25] =	ssyncadd.s32 $0xFFFFFF38  }
0xf4: {  	_ =	swait.ge [sflag:s16], $0x3200  }
0xf5: {  	[sflag:s16] =	ssyncset.done $0x0  }
0xf6: {  	[sflag:s16] =	ssyncadd.s32 $0xFFFFCE00  }
0xf7: {  	[tilespmem:s28], [sflag:$0x5] =	stream.indirect.gather [hbm4b:s3+s26], $0x40, s2, s26, $0xb8;
	[tilespmem:$0xCB20] =	vst v63  }
0xf8: {  	_ = 	snop  }
0xf9: {  	[tilespmem:s0], [sflag:$0x5] =	stream.indirect.gather [hbm4b:s3+s29], $0x40, s26, s29, $0xb8;
	[tilespmem:$0xCB20] =	vst v63  }
0xfa: {  	_ =	swait.ge [sflag:s6], $0x2000  }
0xfb: {  	p0 =	sne.s32 s9, $0xB54;
	[sflag:s6] =	ssyncset.done $0x0  }
.Ltmp0:
0xfc: {  	[sflag:s6] =	ssyncadd.s32 $0xFFFFE000;
	(pc) =	sbr.rel @p0 .LBB2_2-.Ltmp0, $4  }
0xfd: {  	s21 =	smov.u32 s4;
	_ =	swait.ge [sflag:s6], $0x1200  }
0xfe: {  	s9 =	sadd.s32 $0x64, s9;
	s30 =	rddreg [dreg:$0x3];
	[sflag:s6] =	ssyncset.done $0x0  }
0xff: {  	s4 =	sadd.s32 $0x1900, s4;
	[sflag:s6] =	ssyncadd.s32 $0xFFFFEE00;
	s20 =	sadd.s32 s20, s30  }
0x100: {  	[tilespmem:s24], [sflag:$0x4] =	stream.linear.gather [hbm4b:s20+s2], $0xC8, $0x38;
	[tilespmem:$0xCB20] =	vst v63  }
0x101: {  	[hbm4b:s21+s2] =	stream.linear.scatter [tilespmem:s13], [sflag:$0x9], $0x3200, $0x38;
	[tilespmem:$0xCB20] =	vst v63  }
0x102: {  	_ =	swait.ge [sflag:s31], $0xC8  }
0x103: {  	[sflag:s31] =	ssyncset.done $0x0  }
0x104: {  	[sflag:s31] =	ssyncadd.s32 $0xFFFFFF38  }
0x105: {  	_ =	swait.ge [sflag:s17], $0x3200  }
0x106: {  	[sflag:s17] =	ssyncset.done $0x0  }
0x107: {  	[sflag:s17] =	ssyncadd.s32 $0xFFFFCE00  }
0x108: {  	[tilespmem:s1], [sflag:$0x5] =	stream.indirect.gather [hbm4b:s3+s26], $0x40, s22, s26, $0xb8;
	[tilespmem:$0xCB20] =	vst v63  }
0x109: {  	s0 =	simm.s32 $0x148  }
0x10a: {  	[tilespmem:s10], [sflag:$0x5] =	stream.indirect.gather [hbm4b:s3+s29], $0x40, s0, s29, $0xb8;
	[tilespmem:$0xCB20] =	vst v63  }
0x10b: {  	_ =	swait.ge [sflag:s6], $0x2000  }
0x10c: {  	[sflag:s6] =	ssyncset.done $0x0  }
0x10d: {  	[sflag:s6] =	ssyncadd.s32 $0xFFFFE000  }
0x10e: {  	_ =	swait.ge [sflag:s6], $0x1200  }
0x10f: {  	[sflag:s6] =	ssyncset.done $0x0  }
0x110: {  	s4 =	rddreg [dreg:$0x13];
	[sflag:s6] =	ssyncadd.s32 $0xFFFFEE00  }
0x111: {  	[hbm4b:s4+s2] =	stream.linear.scatter [tilespmem:s28], [sflag:$0x6], $0x3200, $0x38;
	[tilespmem:$0xCB20] =	vst v63  }
0x112: {  	_ =	swait.ge [sflag:s7], $0xC8  }
0x113: {  	[sflag:s7] =	ssyncset.done $0x0  }
0x114: {  	[sflag:s7] =	ssyncadd.s32 $0xFFFFFF38  }
0x115: {  	_ =	swait.ge [sflag:s18], $0x3200  }
0x116: {  	[sflag:s18] =	ssyncset.done $0x0  }
0x117: {  	[sflag:s18] =	ssyncadd.s32 $0xFFFFCE00  }
0x118: {  	[tilespmem:s8], [sflag:$0x5] =	stream.indirect.gather [hbm4b:s3+s26], $0x40, s23, s26, $0xb8;
	[tilespmem:$0xCB20] =	vst v63  }
0x119: {  	_ = 	snop  }
0x11a: {  	[tilespmem:s14], [sflag:$0x5] =	stream.indirect.gather [hbm4b:s3+s29], $0x40, s11, s29, $0xb8;
	[tilespmem:$0xCB20] =	vst v63  }
0x11b: {  	_ =	swait.ge [sflag:s6], $0x2000  }
0x11c: {  	[sflag:s6] =	ssyncset.done $0x0  }
0x11d: {  	[sflag:s6] =	ssyncadd.s32 $0xFFFFE000  }
0x11e: {  	_ =	swait.ge [sflag:s6], $0x1200  }
0x11f: {  	[sflag:s6] =	ssyncset.done $0x0  }
0x120: {  	s9 =	rddreg [dreg:$0x14];
	[sflag:s6] =	ssyncadd.s32 $0xFFFFEE00  }
0x121: {  	[hbm4b:s9+s2] =	stream.linear.scatter [tilespmem:s1], [sflag:$0x7], $0x3200, $0x38;
	[tilespmem:$0xCB20] =	vst v63  }
0x122: {  	_ =	swait.ge [sflag:s12], $0xC8  }
0x123: {  	[sflag:s12] =	ssyncset.done $0x0  }
0x124: {  	[sflag:s12] =	ssyncadd.s32 $0xFFFFFF38  }
0x125: {  	_ =	swait.ge [sflag:s19], $0x3200  }
0x126: {  	[sflag:s19] =	ssyncset.done $0x0  }
0x127: {  	[sflag:s19] =	ssyncadd.s32 $0xFFFFCE00  }
0x128: {  	[tilespmem:s13], [sflag:$0x5] =	stream.indirect.gather [hbm4b:s3+s26], $0x40, s24, s26, $0xb8;
	[tilespmem:$0xCB20] =	vst v63  }
0x129: {  	_ = 	snop  }
0x12a: {  	[tilespmem:s5], [sflag:$0x5] =	stream.indirect.gather [hbm4b:s3+s29], $0x40, s15, s29, $0xb8;
	[tilespmem:$0xCB20] =	vst v63  }
0x12b: {  	_ =	swait.ge [sflag:s6], $0x2000  }
0x12c: {  	[sflag:s6] =	ssyncset.done $0x0  }
0x12d: {  	[sflag:s6] =	ssyncadd.s32 $0xFFFFE000  }
0x12e: {  	_ =	swait.ge [sflag:s6], $0x1200  }
0x12f: {  	[sflag:s6] =	ssyncset.done $0x0  }
0x130: {  	s15 =	rddreg [dreg:$0x15];
	[sflag:s6] =	ssyncadd.s32 $0xFFFFEE00  }
0x131: {  	[hbm4b:s15+s2] =	stream.linear.scatter [tilespmem:s8], [sflag:$0x8], $0x3200, $0x38;
	[tilespmem:$0xCB20] =	vst v63  }
0x132: {  	_ =	swait.ge [sflag:s6], $0x2000  }
0x133: {  	[sflag:s6] =	ssyncset.done $0x0  }
0x134: {  	[sflag:s6] =	ssyncadd.s32 $0xFFFFE000  }
0x135: {  	_ =	swait.ge [sflag:s6], $0x1200  }
0x136: {  	[sflag:s6] =	ssyncset.done $0x0  }
0x137: {  	s20 =	rddreg [dreg:$0x16];
	[sflag:s6] =	ssyncadd.s32 $0xFFFFEE00  }
0x138: {  	[hbm4b:s20+s2] =	stream.linear.scatter [tilespmem:s13], [sflag:$0x9], $0x3200, $0x38;
	[tilespmem:$0xCB20] =	vst v63  }
0x139: {  	_ =	swait.ge [sflag:s16], $0x3200  }
0x13a: {  	[sflag:s16] =	ssyncset.done $0x0  }
0x13b: {  	[sflag:s16] =	ssyncadd.s32 $0xFFFFCE00  }
0x13c: {  	_ =	swait.ge [sflag:s17], $0x3200  }
0x13d: {  	[sflag:s17] =	ssyncset.done $0x0  }
0x13e: {  	[sflag:s17] =	ssyncadd.s32 $0xFFFFCE00  }
0x13f: {  	_ =	swait.ge [sflag:s18], $0x3200  }
0x140: {  	[sflag:s18] =	ssyncset.done $0x0  }
0x141: {  	[sflag:s18] =	ssyncadd.s32 $0xFFFFCE00  }
0x142: {  	_ =	swait.ge [sflag:s19], $0x3200  }
0x143: {  	s21 =	rddreg [dreg:$0x19]  }
0x144: {  	s30 =	rddreg [dreg:$0x17];
	s5 =	sadd.s32 $0x1, s21  }
0x145: {  	p0 =	sne.s32 s5, s30  }
.Ltmp1:
0x146: {  	_ = 	snop;
	(pc) =	sbr.rel @p0 .LBB2_1-.Ltmp1, $3  }
0x147: {  	_ =	sdelay $0x1  }
0x148: {  	[sflag:s19] =	ssyncset.done $0x0  }
0x149: {  	s0 =	simm.s32 $0x2320;
	[sflag:s19] =	ssyncadd.s32 $0xFFFFCE00  }
0x14a: {  	_ =	sfence.sel $0x180000  }
0x14b: {  	[bflag:$0x0] =	sbarrier.arrive $0xFFFF  }
0x14c: {  	_ =	strace $0x90000047  }
0x14d: {  	s0 =	stileid.u32;
	[bflag:$0x2] =	sbarrier.arrive $0xFFFF  }
0x14e: {  	p0 =	sne.s32 s0, $0x0;
	s0 =	rddreg [dreg:$0x2]  }
0x14f: {  	s0 =	sadd.s32 @!p0 $0x100000, s0  }
0x150: {  	[sflag:s0] =	ssyncadd.tile.s32 @!p0 $0x1;
	_ =	shalt  }
.Lfunc_end2:
_tile_overlayer_lowered:
.L_overlay_start_2:
0x151: {  	(tag) =	ssettag $0x2  }
0x152: {  	s0 =	rddreg [dreg:$0x0];
	s2 =	stileid.u32  }
0x153: {  	s1 =	rddreg [dreg:$0x1];
	p0 =	sne.s32 s2, $0x0  }
0x154: {  	s3 =	rddreg [dreg:$0x2];
	[bflag:$0x3] =	sbarrier.arrive $0xFFFF;
	s2 =	simm.s32 @!p0 $0x1C0A  }
0x155: {  	[timem:s3], [sflag:s2] =	dma.local @!p0 [hbm:s0], s1  }
0x156: {  	s0 =	simm.s32 @!p0 $0xA  }
0x157: {  	_ =	swait.ge @!p0 [sflag:s0], s1  }
0x158: {  	s1 =	ssub.s32 @!p0 $0x0, s1;
	[sflag:s0] =	ssyncset.done @!p0 $0x0  }
0x159: {  	[sflag:s0] =	ssyncadd.s32 @!p0 s1  }
0x15a: {  	[bflag:$0x3] =	sbarrier.arrive $0xFFFF  }
0x15b: {  	_ =	shalt  }

// kernel: sparse-core-data-format-call.cloned.1.call-start
scs
called_computation_lowered:
.L_overlay_start_0:
0x0: {  	s2 =	sld [smem:$0x3FD9]  }
0x1: {  	s3 =	sld [smem:$0x3FFE];
	_ =	sdelay $0x1  }
0x2: {  	s1 =	srdreg.scid  }
0x3: {  	s0 =	sand.u32 $0x1, s1  }
0x4: {  	s18 =	sshll.u32 s0, $0xA;
	s2 =	sadd.s32 s3, s2  }
0x5: {  	s2 =	sadd.s32 s2, s18  }
0x6: {  	[smem:$0x3FC6] =	sst s2  }
0x7: {  	_ = 	snop  }
0x8: {  	s2 =	sld [smem:$0x3FD0];
	(tm) =	ssettm $0x1  }
0x9: {  	s19 =	sld [smem:$0x3FFB];
	_ =	sdelay $0x3  }
0xa: {  	_ =	strace s19  }
0xb: {  	s3 =	sld [smem:$0x3FFC];
	_ =	sdelay $0x3  }
0xc: {  	_ =	strace s3  }
0xd: {  	s3 =	sld [smem:$0x3FFD];
	_ =	sdelay $0x3  }
0xe: {  	_ =	strace s3  }
0xf: {  	_ =	strace $0x8FFFFFFF  }
0x10: {  	s20 =	sld [smem:$0x3FDB];
	_ =	sdelay $0x1  }
0x11: {  	s4 =	simm.s32 $_scs_section_size  }
0x12: {  	s5 =	simm.s32 $_size__tile_overlayer_lowered;
	s6 =	simm.s32 $_tile_overlayer_lowered  }
0x13: {  	s23 =	simm.s32 $0x1BFF;
	s22 =	sshll.u32 s6, $0x1;
	s3 =	sadd.s32 s4, s20  }
0x14: {  	s7 =	simm.s32 $0x0;
	s21 =	sshll.u32 s5, $0x1;
	s5 =	sadd.s32 s22, s3  }
0x15: {  	[timem:s7], [sflag:s23] =	dma.local [hbm:s5], s21  }
0x16: {  	_ =	swait.ge [sflag:s23], s21  }
0x17: {  	s4 =	ssub.s32 $0x0, s21;
	[sflag:s23] =	ssyncset.done $0x0  }
0x18: {  	[sflag:s23] =	ssyncadd.s32 s4;
	_ =	sdelay $0x1  }
0x19: {  	s24 =	simm.s32 $0x1B8B  }
0x1a: {  	_ =	swait.ge [sflag:s24], $0x1  }
0x1b: {  	[sflag:s24] =	ssyncset.done $0x0  }
0x1c: {  	s26 =	simm.s32 $0x1B8E;
	s25 =	sld [smem:$0x3FFE];
	[sflag:s24] =	ssyncadd.s32 $0xFFFFFFFF  }
0x1d: {  	s27 =	simm.s32 $execute0_lowered;
	[smem:$0x3FD2] =	sst s26  }
0x1e: {  	s5 =	sshll.u32 s27, $0x1;
	_ =	strace $0x80000049;
	[dreg:$0x1] =	wrdreg $0xFFFFFFFF  }
0x1f: {  	s28 =	simm.s32 $_size_execute0_lowered;
	s3 =	sadd.s32 s3, s5;
	[dreg:$0x0] =	wrdreg $0x0  }
0x20: {  	s5 =	sshll.u32 s28, $0x1;
	[dreg:$0x2] =	wrdreg s3  }
0x21: {  	[dreg:$0x3] =	wrdreg s5  }
0x22: {  	[dreg:$0x4] =	wrdreg $0xC0  }
0x23: {  	_ =	task [dreg:s7], $0x5FFFF  }
0x24: {  	[dreg:$0x1] =	wrdreg $0xFFFFFFFF  }
0x25: {  	[dreg:$0x0] =	wrdreg $0x60  }
0x26: {  	[dreg:$0x2] =	wrdreg s25  }
0x27: {  	[dreg:$0x3] =	wrdreg s2  }
0x28: {  	[dreg:$0x4] =	wrdreg $0x9  }
0x29: {  	_ =	task.clear_ibuf [dreg:s7], $0x5FFFF;
	_ =	strace $0x90000049  }
0x2a: {  	s29 =	simm.s32 $0x9;
	_ =	strace $0x8000004B  }
0x2b: {  	_ =	swait.ge [sflag:s29], $0x1  }
0x2c: {  	[sflag:s29] =	ssyncadd.s32 $0xFFFFFFFF  }
0x2d: {  	_ =	strace $0x9000004B  }
0x2e: {  	_ =	sfence  }
0x2f: {  	s30 =	sld [smem:$0x0];
	_ =	sdelay $0x2  }
0x30: {  	s31 =	sshll.u32 s1, $0xD;
	s1 =	sshrl.u32 s1, $0x2  }
0x31: {  	s3 =	sand.u32 $0x4000, s31;
	s1 =	sadd.s32 s1, s30  }
0x32: {  	s0 =	sor.u32 s3, s0;
	s1 =	sshll.u32 s1, $0x11  }
0x33: {  	s0 =	sor.u32 s1, s0  }
0x34: {  	s0 =	sadd.s32 $0x8F2B, s0  }
0x35: {  	[sflag:s0] =	ssyncadd.remote.s32 $0x1  }
0x36: {  	_ =	sfence.sel $0xFFFF  }
0x37: {  	[dreg:$0x0] =	wrdreg $0xFFFFFFFF;
	(pc) =	sbr.abs _section_cstart, $3  }
0x38: {  	[dreg:$0x1] =	wrdreg $0xFFFFFFFF  }
0x39: {  	_ =	task.clear_ibuf [dreg:s7], $0x2FFFF;
	_ =	strace $0x9FFFFFFF  }
0x3a: {  	(tm) =	ssettm $0x7FFFFFFF  }
0x3b: {  	_ =	shalt  }
tec
execute0_lowered:
.L_overlay_start_1:
0x0: {  	(tag) =	ssettag $0x1  }
0x1: {  	s0 =	srdreg.scid  }
0x2: {  	s1 =	sshll.u32 s0, $0x4  }
0x3: {  	s0 =	stileid.u32;
	s1 =	sand.u32 $0x10, s1  }
0x4: {  	s1 =	sor.u32 s0, s1  }
0x5: {  	s6 =	rddreg [dreg:$0x0];
	s4 =	simm.s32 $0x1;
	s2 =	sshll.u32 s1, $0x7  }
0x6: {  	s7 =	simm.s32 $0x2;
	s12 =	simm.s32 $0x0;
	s1 =	ssub.s32 $0x1000, s2  }
0x7: {  	s8 =	simm.s32 $0x8000;
	s13 =	simm.s32 $0x0;
	s3 =	sand.u32 $0xF80, s1  }
0x8: {  	s9 =	simm.s32 $0x0;
	s5 =	sshrl.u32 s1, $0xC;
	p0 =	sne.s32 s3, $0x0  }
.Ltmp0:
0x9: {  	s1 =	rddreg [dreg:$0x2];
	s4 =	simm.s32 @!p0 $0x0;
	(pc) =	sbr.rel .LBB1_1-.Ltmp0, $4  }
0xa: {  	s11 =	simm.s32 $0x0;
	s3 =	rddreg [dreg:$0x1];
	s5 =	sadd.s32 s4, s5  }
0xb: {  	_ =	strace $0x8000004A;
	s4 =	simm.s32 $0x1;
	s5 =	smul.u32 $0xC8, s5  }
0xc: {  	s6 =	sadd.s32 $0xA00, s6;
	s10 =	smov.u32 s2;
	[sflag:s4] =	ssyncpa.u1 $0x0  }
0xd: {  	p0 =	por $0x0, $0x0;
	[sflag:s7] =	ssyncpa.u1 $0x0;
	s7 =	sor.u32 $0x1, s5  }
.LBB1_4:
0xe: {  	s16 =	sshll.u32 s13, $0x3;
	s17 =	sand.u32 $0x78, s13  }
0xf: {  	s30 =	sand.u32 $0x7E00, s13;
	s12 =	sshll.u32 s12, $0xF;
	s16 =	sand.u32 $0xC00, s16  }
0x10: {  	[tilespmem:s15+$0x810 ss:$0x81] =	vst.msk $0xffff, v2;
	s31 =	sand.u32 $0x7, s13;
	s16 =	sor.u32 s17, s16;
	s17 =	sadd.s32 s3, s30  }
0x11: {  	[tilespmem:s15+$0x1020 ss:$0x81] =	vst.msk $0xffff, v0;
	s13 =	sshll.u32 s31, $0x12;
	s12 =	sadd.s32 s12, s17;
	s16 =	sshrl.u32 s16, $0x3  }
0x12: {  	[tilespmem:s15+$0x0 ss:$0x81] =	vst.msk $0xffff, v1;
	s13 =	sor.u32 $0x400, s13;
	s12 =	sadd.s32 s16, s12  }
0x13: {  	[hbm4b:s12+s13] =	stream.strided.scatter [tilespmem:s14], [sflag:$0x2], $0x2000, s8, s13, $0x20;
	[tilespmem:$0x8080] =	vst v63  }
.LBB1_5:
0x14: {  	s14 =	sadd.s32 $0x1, s9  }
0x15: {  	s12 =	sadd.s32 $0x1000, s10;
	s16 =	smov.u32 s10;
	p2 =	sgt.s32 s14, $0xC7  }
0x16: {  	s16 =	smov.u32 @p2 s12  }
0x17: {  	s14 =	simm.s32 @p2 $0x0;
	p2 =	sgt.s32 s16, $0xFFF  }
0x18: {  	s16 =	smov.u32 @p2 s2;
	p2 =	sne.s32 s11, s7  }
.Ltmp1:
0x19: {  	p1 =	slt.u32 s11, $0x2;
	(pc) =	sbr.rel @!p2 .LBB1_6-.Ltmp1, $4  }
0x1a: {  	s15 =	simm.s32 @!p1 $0x2  }
0x1b: {  	s13 =	smov.u32 s10;
	p0 =	por !p0, !p0;
	_ =	swait.ge @!p1 [sflag:s15], $0x2000  }
0x1c: {  	s12 =	smov.u32 s9;
	[sflag:s15] =	ssyncset.done @!p1 $0x0;
	s9 =	smov.u32 s14  }
0x1d: {  	s11 =	sadd.s32 $0x1, s11;
	[sflag:s15] =	ssyncadd.s32 @!p1 $0xFFFFE000;
	s10 =	smov.u32 s16  }
.LBB1_1:
0x1e: {  	p1 =	sge.u32 s11, s5  }
0x1f: {  	s14 =	sand.u32 @!p1 $0x1FFFFFF, s9  }
0x20: {  	s15 =	smulhi.u32 @!p1 $0x147AE15, s14;
	_ =	sdelay $0x1  }
0x21: {  	s15 =	smul.u32 @!p1 $0xC8, s15  }
0x22: {  	s16 =	sxor.u32 @!p1 $0xFFFFFFFF, s11;
	s17 =	smul.u32 @!p1 $0xC80, s10  }
0x23: {  	s31 =	sadd.s32 $0xFFFFFFFF, s11;
	s16 =	sshll.u32 @!p1 s16, $0xD;
	s14 =	ssub.s32 @!p1 s14, s15  }
0x24: {  	s15 =	sand.u32 @!p1 $0x2000, s16;
	s16 =	sadd.s32 @!p1 s6, s17;
	s14 =	sshll.u32 @!p1 s14, $0x4  }
0x25: {  	s17 =	simm.s32 @!p1 $0x6400;
	s14 =	sadd.s32 @!p1 s14, s16;
	s16 =	simm.s32 @!p1 $0x40  }
0x26: {  	[tilespmem:s15], [sflag:$0x1] =	stream.strided.gather @!p1 [hbm4b:s14+s16], $0x2000, s17, s16, $0x38;
	[tilespmem:$0x8080] =	vst v63  }
0x27: {  	p1 =	sge.u32 s31, s5  }
.Ltmp2:
0x28: {  	_ = 	snop;
	(pc) =	sbr.rel @p1 .LBB1_5-.Ltmp2, $1  }
0x29: {  	_ =	sdelay $0x3  }
0x2a: {  	s14 =	simm.s32 $0x1  }
0x2b: {  	_ =	swait.ge [sflag:s4], $0x2000;
	s14 =	simm.s32 @!p0 $0x0  }
0x2c: {  	[sflag:s4] =	ssyncset.done $0x0;
	s15 =	sshll.u32 s14, $0xD  }
0x2d: {  	[sflag:s4] =	ssyncadd.s32 $0xFFFFE000;
	s18 =	sor.u32 $0x20, s15  }
0x2e: {  	s14 =	smul.u32 $0x8100, s14;
	v3 =	vld [tilespmem:s18+$0x10]  }
0x2f: {  	s30 =	sand.u32 $0x1, s11;
	v2 =	vld [tilespmem:s18+$0xFFFFFFF0]  }
0x30: {  	s15 =	smul.u32 $0x8100, s30;
	s14 =	sshrl.u32 s14, $0x2;
	v0 =	vld [tilespmem:s18+$0x0]  }
0x31: {  	v1 =	vld [tilespmem:s18+$0xFFFFFFE0];
	s16 =	sor.u32 $0x4000, s14  }
0x32: {  	s31 =	sshrl.u32 s15, $0x2;
	s15 =	sadd.s32 $0x0, s16  }
0x33: {  	s17 =	simm.s32 $0x4;
	s18 =	sadd.s32 $0x40, s18;
	s14 =	sor.u32 $0x4000, s31;
	[tilespmem:s15+$0x1830 ss:$0x81] =	vst.msk $0xffff, v3  }
.LBB1_3:
0x34: {  	v3 =	vld [tilespmem:s18+$0x10];
	p1 =	sne.s32 s17, $0x1FC;
	[tilespmem:s15+$0x810 ss:$0x81] =	vst.msk $0xffff, v2;
	s19 =	smov.u32 s17;
	s17 =	sadd.s32 $0x4, s17  }
.Ltmp3:
0x35: {  	v2 =	vld [tilespmem:s18+$0xFFFFFFF0];
	[tilespmem:s15+$0x1020 ss:$0x81] =	vst.msk $0xffff, v0;
	(pc) =	sbr.rel @p1 .LBB1_3-.Ltmp3, $4  }
0x36: {  	v0 =	vld [tilespmem:s18+$0x0];
	[tilespmem:s15+$0x0 ss:$0x81] =	vst.msk $0xffff, v1  }
0x37: {  	s15 =	sshra.s32 s19, $0x2;
	v1 =	vld [tilespmem:s18+$0xFFFFFFE0]  }
0x38: {  	s15 =	sadd.s32 s15, s16  }
0x39: {  	s18 =	sadd.s32 $0x40, s18;
	[tilespmem:s15+$0x1830 ss:$0x81] =	vst.msk $0xffff, v3  }
.Ltmp4:
0x3a: {  	_ = 	snop;
	(pc) =	sbr.rel .LBB1_4-.Ltmp4, $1  }
0x3b: {  	_ =	sdelay $0x3  }
.LBB1_6:
0x3c: {  	_ =	sfence.sel $0x180000  }
0x3d: {  	s2 =	simm.s32 $0x1;
	[bflag:$0x0] =	sbarrier.arrive $0xFFFF  }
0x3e: {  	s31 =	simm.s32 $0x2;
	[sflag:s2] =	ssyncpa.u1 $0x1  }
0x3f: {  	[sflag:s31] =	ssyncpa.u1 $0x1  }
0x40: {  	p0 =	sne.s32 s0, $0x0;
	_ =	strace $0x9000004A  }
0x41: {  	s0 =	sadd.s32 @!p0 $0x100000, s1;
	[bflag:$0x2] =	sbarrier.arrive $0xFFFF  }
0x42: {  	[sflag:s0] =	ssyncadd.tile.s32 @!p0 $0x1;
	_ =	shalt  }
.Lfunc_end1:
_tile_overlayer_lowered:
.L_overlay_start_2:
0x43: {  	(tag) =	ssettag $0x2  }
0x44: {  	s0 =	rddreg [dreg:$0x0];
	s2 =	stileid.u32  }
0x45: {  	s1 =	rddreg [dreg:$0x1];
	p0 =	sne.s32 s2, $0x0  }
0x46: {  	s3 =	rddreg [dreg:$0x2];
	[bflag:$0x3] =	sbarrier.arrive $0xFFFF;
	s2 =	simm.s32 @!p0 $0x1C01  }
0x47: {  	[timem:s3], [sflag:s2] =	dma.local @!p0 [hbm:s0], s1  }
0x48: {  	s0 =	simm.s32 @!p0 $0x1  }
0x49: {  	_ =	swait.ge @!p0 [sflag:s0], s1  }
0x4a: {  	s1 =	ssub.s32 @!p0 $0x0, s1;
	[sflag:s0] =	ssyncset.done @!p0 $0x0  }
0x4b: {  	[sflag:s0] =	ssyncadd.s32 @!p0 s1  }
0x4c: {  	[bflag:$0x3] =	sbarrier.arrive $0xFFFF  }
0x4d: {  	_ =	shalt  }

</sc_bundles>
